<compile_context>
chip_gen: v7x
topology: tpu7x:2x2x1
jax: 0.10.2.dev20260603
libtpu: 0.0.44.dev20260713+nightly
codegen_flags: <defaults>
</compile_context>

<pallas_src>
import functools

import jax
import jax.numpy as jnp
from jax import lax
from jax.experimental import pallas as pl
from jax.experimental.pallas import tpu as pltpu
from jax.experimental.pallas import tpu_sc as plsc

N = 10000
E = 320000
D = 128
P = 20
G = 64

EPAD = 327680
NPAD = N + 16
CH = 128
RB = 1000

_SC_MESH = plsc.VectorSubcoreMesh(core_axis_name="c", subcore_axis_name="s")



def _fill_zeros(zbuf):
    z = jnp.zeros((16,), jnp.float32)

    def body(i, carry):
        r = i // (D // 16)
        c = (i % (D // 16)) * 16
        zbuf[r, pl.ds(c, 16)] = z
        return carry

    lax.fori_loop(0, 16 * (D // 16), body, 0)


def _zero_acc(acc, zbuf, sid):
    nrows = jnp.where(sid < 15, 640, 400)
    base = sid * 640

    def body(i, carry):
        @pl.when(i * 16 < nrows)
        def _():
            pltpu.sync_copy(zbuf, acc.at[pl.ds(base + i * 16, 16)])
        return carry

    lax.fori_loop(0, 40, body, 0)


def _edge_loop(tbl, srcb, dstb, acc, idx_s, idx_d, rows, sem, ebase, nch,
               src_off):

    def body(i, carry):
        b = ebase + i * CH
        pltpu.sync_copy(srcb.at[pl.ds(src_off + b, CH)], idx_s)
        pltpu.sync_copy(dstb.at[pl.ds(b, CH)], idx_d)
        pltpu.async_copy(tbl.at[idx_s], rows, sem).wait()
        pltpu.sync_copy(rows, acc.at[idx_d], add=True)
        return carry

    lax.fori_loop(0, nch, body, 0)


def _writeout(acc, out, sid, row_off):
    @pl.when(sid < 15)
    def _():
        rb = sid * 640
        pltpu.sync_copy(acc.at[pl.ds(rb, 640)],
                        out.at[pl.ds(row_off + rb, 640)])

    @pl.when(sid == 15)
    def _():
        pltpu.sync_copy(acc.at[pl.ds(9600, 400)],
                        out.at[pl.ds(row_off + 9600, 400)])


_SC_SCRATCH = [
    pltpu.VMEM((CH,), jnp.int32),
    pltpu.VMEM((CH,), jnp.int32),
    pltpu.VMEM((CH, D), jnp.float32),
    pltpu.VMEM((16, D), jnp.float32),
    pltpu.VMEM_SHARED((NPAD, D), jnp.float32),
    pltpu.SemaphoreType.DMA,
]


@functools.partial(
    pl.kernel,
    out_type=jax.ShapeDtypeStruct((2 * N, D), jnp.float32),
    mesh=_SC_MESH,
    scratch_types=_SC_SCRATCH,
)
def _agg_pair(tbl, srcb, dstb, out, idx_s, idx_d, rows, zbuf, acc, sem):
    cid = lax.axis_index("c")
    sid = lax.axis_index("s")
    _fill_zeros(zbuf)
    _zero_acc(acc, zbuf, sid)
    plsc.subcore_barrier()
    ep = EPAD // 16
    _edge_loop(tbl, srcb, dstb, acc, idx_s, idx_d, rows, sem,
               sid * ep, ep // CH, cid * EPAD)
    plsc.subcore_barrier()
    _writeout(acc, out, sid, cid * N)


@functools.partial(
    pl.kernel,
    out_type=jax.ShapeDtypeStruct((2 * N, D), jnp.float32),
    mesh=_SC_MESH,
    scratch_types=_SC_SCRATCH,
)
def _agg_single(tbl, srcb, dstb, out, idx_s, idx_d, rows, zbuf, acc, sem):
    cid = lax.axis_index("c")
    sid = lax.axis_index("s")
    _fill_zeros(zbuf)
    _zero_acc(acc, zbuf, sid)
    plsc.subcore_barrier()
    wid = sid * 2 + cid
    ep = EPAD // 32
    _edge_loop(tbl, srcb, dstb, acc, idx_s, idx_d, rows, sem,
               wid * ep, ep // CH, 0)
    plsc.subcore_barrier()
    _writeout(acc, out, sid, cid * N)



def _t1_body(x_ref, rwpe_ref, w_ref, b_ref, out_ref):
    rw = jnp.dot(rwpe_ref[...], w_ref[...],
                 preferred_element_type=jnp.float32) + b_ref[...]
    out_ref[0] = x_ref[...] + rw
    out_ref[1] = rw


_t1 = pl.pallas_call(
    _t1_body,
    grid=(N // RB,),
    in_specs=[
        pl.BlockSpec((RB, D), lambda i: (i, 0)),
        pl.BlockSpec((RB, D), lambda i: (i, 0)),
        pl.BlockSpec((D, D), lambda i: (0, 0)),
        pl.BlockSpec((1, D), lambda i: (0, 0)),
    ],
    out_specs=pl.BlockSpec((2, RB, D), lambda i: (0, i, 0)),
    out_shape=jax.ShapeDtypeStruct((2, N, D), jnp.float32),
)


def _mlp(z, w1, b1, w2, b2):
    z = jnp.maximum(jnp.dot(z, w1, preferred_element_type=jnp.float32) + b1,
                    0.0)
    return jnp.maximum(jnp.dot(z, w2, preferred_element_type=jnp.float32) + b2,
                       0.0)


def _t2_body(hrw_ref, agg_ref, w1h, b1h, w2h, b2h, w1r, b1r, w2r, b2r,
             out_ref):
    gh = _mlp(hrw_ref[0] + agg_ref[0], w1h[...], b1h[...], w2h[...], b2h[...])
    gr = _mlp(hrw_ref[1] + agg_ref[1], w1r[...], b1r[...], w2r[...], b2r[...])
    out_ref[0] = gh + gr
    out_ref[1] = gr


_t2 = pl.pallas_call(
    _t2_body,
    grid=(N // RB,),
    in_specs=[
        pl.BlockSpec((2, RB, D), lambda i: (0, i, 0)),
        pl.BlockSpec((2, RB, D), lambda i: (0, i, 0)),
    ] + [
        pl.BlockSpec((D, D), lambda i: (0, 0)),
        pl.BlockSpec((1, D), lambda i: (0, 0)),
        pl.BlockSpec((D, D), lambda i: (0, 0)),
        pl.BlockSpec((1, D), lambda i: (0, 0)),
    ] * 2,
    out_specs=pl.BlockSpec((2, RB, D), lambda i: (0, i, 0)),
    out_shape=jax.ShapeDtypeStruct((2, N, D), jnp.float32),
)


def _t3_body(h_ref, aggp_ref, w1, b1, w2, b2, s_ref, e_ref, out_ref):
    z = _mlp(h_ref[...] + aggp_ref[0] + aggp_ref[1],
             w1[...], b1[...], w2[...], b2[...])
    i = pl.program_id(0)
    col = lax.broadcasted_iota(jnp.int32, (G, RB), 1) + i * RB
    m = ((col >= s_ref[...]) & (col < e_ref[...])).astype(jnp.float32)
    seg = jnp.dot(m, z, preferred_element_type=jnp.float32)

    @pl.when(i == 0)
    def _():
        out_ref[...] = jnp.zeros_like(out_ref)

    out_ref[...] += seg


_t3 = pl.pallas_call(
    _t3_body,
    grid=(N // RB,),
    in_specs=[
        pl.BlockSpec((RB, D), lambda i: (i, 0)),
        pl.BlockSpec((2, RB, D), lambda i: (0, i, 0)),
        pl.BlockSpec((D, D), lambda i: (0, 0)),
        pl.BlockSpec((1, D), lambda i: (0, 0)),
        pl.BlockSpec((D, D), lambda i: (0, 0)),
        pl.BlockSpec((1, D), lambda i: (0, 0)),
        pl.BlockSpec((G, 1), lambda i: (0, 0)),
        pl.BlockSpec((G, 1), lambda i: (0, 0)),
    ],
    out_specs=pl.BlockSpec((G, D), lambda i: (0, 0)),
    out_shape=jax.ShapeDtypeStruct((G, D), jnp.float32),
)



def kernel(data, x, RWPE, adj_t, batch, W_rw, b_rw, W1s, b1s, gs, bes, W2s,
           b2s):
    src = adj_t[0]
    dst = adj_t[1]
    pad = EPAD - E
    src_p = jnp.concatenate([src, jnp.zeros((pad,), jnp.int32)])
    dst_p = jnp.concatenate([dst, jnp.full((pad,), N, jnp.int32)])
    src2 = jnp.concatenate([src_p, src_p + N])

    rwpe_p = jnp.pad(RWPE, ((0, 0), (0, D - P)))
    wrw_p = jnp.pad(W_rw.T, ((0, D - P), (0, 0)))

    scale = gs / jnp.sqrt(1.0 + 1e-5)
    W1e = W1s.transpose(0, 2, 1) * scale[:, None, :]
    b1e = (b1s * scale + bes).reshape(9, 1, D)
    W2T = W2s.transpose(0, 2, 1)
    b2r = b2s.reshape(9, 1, D)
    starts = batch[:G].reshape(G, 1).astype(jnp.int32)
    ends = batch[1:].reshape(G, 1).astype(jnp.int32)

    hrw = _t1(x, rwpe_p, wrw_p, b_rw.reshape(1, D))
    for k in range(4):
        agg = _agg_pair(hrw.reshape(2 * N, D), src2, dst_p).reshape(2, N, D)
        hrw = _t2(hrw, agg,
                  W1e[k], b1e[k], W2T[k], b2r[k],
                  W1e[5 + k], b1e[5 + k], W2T[5 + k], b2r[5 + k])
    h = hrw[0]
    aggp = _agg_single(h, src_p, dst_p).reshape(2, N, D)
    return _t3(h, aggp, W1e[4], b1e[4], W2T[4], b2r[4], starts, ends)

# --- scband reference (transcript-rebuilt; emitter-appended) ---
"""Pipeline reference for scband-gin-91302414778875 (READ-ONLY COPY).

The authoritative reference and input builder live on the scoring server;
editing this copy changes nothing except your own understanding.
"""

import jax, jax.numpy as jnp
import numpy as np

N = 10000
E = 320000
D = 128
P = 20
G = 64

def setup_inputs(seed: int = 0) -> dict:
    key = jax.random.key(seed)
    ks = jax.random.split(key, 8)
    data = jnp.zeros((1,), dtype=jnp.float32)
    x = jax.random.normal(ks[0], (N, D), dtype=jnp.float32)
    RWPE = jax.random.normal(ks[1], (N, P), dtype=jnp.float32)
    adj_t = jax.random.randint(ks[2], (2, E), 0, N, dtype=jnp.int32)
    batch = jnp.sort(jax.random.randint(ks[3], (G + 1,), 0, N, dtype=jnp.int32))
    W_rw = jax.random.normal(ks[4], (D, P), dtype=jnp.float32) * 0.05
    b_rw = jnp.zeros((D,), dtype=jnp.float32)
    # 9 GINConv MLPs (conv1..conv5 idx 0-4, conps1..conps4 idx 5-8); n_feat==n_hidden so all same shape
    W1s = jax.random.normal(ks[5], (9, D, D), dtype=jnp.float32) * 0.05
    b1s = jnp.zeros((9, D), dtype=jnp.float32)
    gs = jnp.ones((9, D), dtype=jnp.float32)
    bes = jnp.zeros((9, D), dtype=jnp.float32)
    W2s = jax.random.normal(ks[6], (9, D, D), dtype=jnp.float32) * 0.05
    b2s = jnp.zeros((9, D), dtype=jnp.float32)
    return {"data": data, "x": x, "RWPE": RWPE, "adj_t": adj_t, "batch": batch,
            "W_rw": W_rw, "b_rw": b_rw, "W1s": W1s, "b1s": b1s, "gs": gs,
            "bes": bes, "W2s": W2s, "b2s": b2s}

def _gin(h, src, dst, W1, b1, g, be, W2, b2):
    # GINConv: mlp((1+eps)*x + sum_{j->i} x_j), eps=0; BN in eval mode (running_mean=0, running_var=1)
    agg = jnp.zeros_like(h).at[dst].add(h[src])
    z = h + agg
    z = z @ W1.T + b1
    z = g * (z / jnp.sqrt(1.0 + 1e-5)) + be
    z = jax.nn.relu(z)
    z = z @ W2.T + b2
    return jax.nn.relu(z)

def _segment_csr_sum(h, indptr):
    c = jnp.concatenate([jnp.zeros((1, h.shape[1]), h.dtype), jnp.cumsum(h, axis=0)], axis=0)
    return c[indptr[1:]] - c[indptr[:-1]]

def reference(data, x, RWPE, adj_t, batch, W_rw, b_rw, W1s, b1s, gs, bes, W2s, b2s):
    src, dst = adj_t[0], adj_t[1]
    rw = RWPE @ W_rw.T + b_rw
    h = x + rw
    h = _gin(h, src, dst, W1s[0], b1s[0], gs[0], bes[0], W2s[0], b2s[0])
    # memory_error_occurred=True -> LapPE = zeros_like(x); x = x + LapPE is a no-op
    rw = _gin(rw, src, dst, W1s[5], b1s[5], gs[5], bes[5], W2s[5], b2s[5])
    h = h + rw
    h = _gin(h, src, dst, W1s[1], b1s[1], gs[1], bes[1], W2s[1], b2s[1])
    rw = _gin(rw, src, dst, W1s[6], b1s[6], gs[6], bes[6], W2s[6], b2s[6])
    h = h + rw
    h = _gin(h, src, dst, W1s[2], b1s[2], gs[2], bes[2], W2s[2], b2s[2])
    rw = _gin(rw, src, dst, W1s[7], b1s[7], gs[7], bes[7], W2s[7], b2s[7])
    h = h + rw
    h = _gin(h, src, dst, W1s[3], b1s[3], gs[3], bes[3], W2s[3], b2s[3])
    rw = _gin(rw, src, dst, W1s[8], b1s[8], gs[8], bes[8], W2s[8], b2s[8])
    h = h + rw
    h = _gin(h, src, dst, W1s[4], b1s[4], gs[4], bes[4], W2s[4], b2s[4])
    return _segment_csr_sum(h, batch)

if __name__ == "__main__":
    import jax
    _d = setup_inputs()
    print(jax.jit(kernel)(*tuple(_d.values())))

</pallas_src>

<mosaic_0001>
#map = affine_map<(d0, d1) -> (0, 0)>
#map1 = affine_map<(d0, d1) -> (0)>
module attributes {stable_mosaic.version = 14 : i64} {
  func.func @_agg_pair(%arg0: i32, %arg1: i32, %arg2: memref<20000x128xf32, #tpu.memory_space<hbm>>, %arg3: memref<655360xi32, #tpu.memory_space<hbm>>, %arg4: memref<327680xi32, #tpu.memory_space<hbm>>, %arg5: memref<20000x128xf32, #tpu.memory_space<hbm>>, %arg6: memref<128xi32, #tpu.memory_space<vmem>>, %arg7: memref<128xi32, #tpu.memory_space<vmem>>, %arg8: memref<128x128xf32, #tpu.memory_space<vmem>>, %arg9: memref<16x128xf32, #tpu.memory_space<vmem>>, %arg10: memref<10016x128xf32, #tpu.memory_space<vmem_shared>>, %arg11: memref<!tpu.dma_semaphore, #tpu.memory_space<semaphore_mem>>) attributes {dimension_semantics = [#tpu.dimension_semantics<core_parallel>, #tpu.dimension_semantics<subcore_parallel>], iteration_bounds = array<i64: 2, 16>, scalar_prefetch = 0 : i64, scratch_operands = 6 : i64, tpu.core_type = #tpu.core_type<sc_vector_subcore>, window_params = [{transform_indices = #map}, {transform_indices = #map1}, {transform_indices = #map1}, {transform_indices = #map}]} {
    %broadcast_in_dim3A = arith.constant 0.000000e+00 : f32
    %broadcast_in_dim3A_0 = vector.broadcast %broadcast_in_dim3A : f32 to vector<16xf32>
    %scan3A = arith.constant 0 : i32
    %scan3A_1 = arith.constant 0 : i32
    %scan3A_2 = arith.constant 128 : i32
    %scan3A_3 = arith.addi %scan3A_1, %scan3A_2 : i32
    %scan3A_4 = arith.constant 1 : i32
    scf.for %scan3A_35 = %scan3A_1 to %scan3A_3 step %scan3A_4  : i32 {
      %jit3A_36 = arith.constant 8 : i32
      %div3A = arith.divsi %scan3A_35, %jit3A_36 : i32
      %sign3A = arith.constant 0 : i32
      %sign3A_37 = arith.cmpi sgt, %scan3A_35, %sign3A : i32
      %sign3A_38 = arith.extui %sign3A_37 : i1 to i32
      %sign3A_39 = arith.constant 0 : i32
      %sign3A_40 = arith.cmpi slt, %scan3A_35, %sign3A_39 : i32
      %sign3A_41 = arith.extui %sign3A_40 : i1 to i32
      %sign3A_42 = arith.subi %sign3A_38, %sign3A_41 : i32
      %sign3A_43 = arith.constant 0 : i32
      %sign3A_44 = arith.cmpi sgt, %jit3A_36, %sign3A_43 : i32
      %sign3A_45 = arith.extui %sign3A_44 : i1 to i32
      %sign3A_46 = arith.constant 0 : i32
      %sign3A_47 = arith.cmpi slt, %jit3A_36, %sign3A_46 : i32
      %sign3A_48 = arith.extui %sign3A_47 : i1 to i32
      %sign3A_49 = arith.subi %sign3A_45, %sign3A_48 : i32
      %ne3A = arith.cmpi ne, %sign3A_42, %sign3A_49 : i32
      %rem3A = arith.remsi %scan3A_35, %jit3A_36 : i32
      %ne3A_50 = arith.constant 0 : i32
      %ne3A_51 = arith.cmpi ne, %rem3A, %ne3A_50 : i32
      %and3A = arith.andi %ne3A, %ne3A_51 : i1
      %sub3A = arith.constant 1 : i32
      %sub3A_52 = arith.subi %div3A, %sub3A : i32
      %select_n3A_53 = arith.select %and3A, %sub3A_52, %div3A : i32
      %jit3A_54 = arith.constant 8 : i32
      %eq3A_55 = arith.constant 0 : i32
      %eq3A_56 = arith.cmpi eq, %jit3A_54, %eq3A_55 : i32
      %jit3A_57 = arith.constant 1 : i32
      %select_n3A_58 = arith.select %eq3A_56, %jit3A_57, %jit3A_54 : i32
      %rem3A_59 = arith.remsi %scan3A_35, %select_n3A_58 : i32
      %ne3A_60 = arith.constant 0 : i32
      %ne3A_61 = arith.cmpi ne, %rem3A_59, %ne3A_60 : i32
      %lt3A_62 = arith.constant 0 : i32
      %lt3A_63 = arith.cmpi slt, %rem3A_59, %lt3A_62 : i32
      %lt3A_64 = arith.constant 0 : i32
      %lt3A_65 = arith.cmpi slt, %select_n3A_58, %lt3A_64 : i32
      %ne3A_66 = arith.xori %lt3A_63, %lt3A_65 : i1
      %and3A_67 = arith.andi %ne3A_66, %ne3A_61 : i1
      %add3A = arith.addi %rem3A_59, %select_n3A_58 : i32
      %select_n3A_68 = arith.select %and3A_67, %add3A, %rem3A_59 : i32
      %mul3A_69 = arith.constant 16 : i32
      %mul3A_70 = arith.muli %select_n3A_68, %mul3A_69 : i32
      %swap3A = arith.index_cast %select_n3A_53 : i32 to index
      %swap3A_71 = arith.index_cast %mul3A_70 : i32 to index
      %swap3A_72 = tpu.vector_load %arg9[%swap3A, %swap3A_71] {strides = array<i32>} : memref<16x128xf32, #tpu.memory_space<vmem>>, vector<1x16xf32>,
      %swap3A_73 = vector.shape_cast %swap3A_72 : vector<1x16xf32> to vector<16xf32>
      %swap3A_74 = vector.shape_cast %broadcast_in_dim3A_0 : vector<16xf32> to vector<1x16xf32>
      tpu.vector_store %arg9[%swap3A, %swap3A_71], %swap3A_74 {strides = array<i32>} : memref<16x128xf32, #tpu.memory_space<vmem>>, vector<1x16xf32>,
    }
    %scan3A_5 = arith.constant 128 : i32
    %lt3A = arith.constant 15 : i32
    %lt3A_6 = arith.cmpi slt, %arg1, %lt3A : i32
    %jit3A = arith.constant 640 : i32
    %jit3A_7 = arith.constant 400 : i32
    %select_n3A = arith.select %lt3A_6, %jit3A, %jit3A_7 : i32
    %mul3A = arith.constant 640 : i32
    %mul3A_8 = arith.muli %arg1, %mul3A : i32
    %scan3A_9 = arith.constant 0 : i32
    %scan3A_10 = arith.constant 0 : i32
    %scan3A_11 = arith.constant 40 : i32
    %scan3A_12 = arith.addi %scan3A_10, %scan3A_11 : i32
    %scan3A_13 = arith.constant 1 : i32
    scf.for %scan3A_35 = %scan3A_10 to %scan3A_12 step %scan3A_13  : i32 {
      %mul3A_36 = arith.constant 16 : i32
      %mul3A_37 = arith.muli %scan3A_35, %mul3A_36 : i32
      %lt3A_38 = arith.cmpi slt, %mul3A_37, %select_n3A : i32
      %convert_element_type3A_39 = arith.extui %lt3A_38 : i1 to i32
      %cond3A_40 = arith.constant 0 : i32
      %cond3A_41 = arith.cmpi ne, %convert_element_type3A_39, %cond3A_40 : i32
      scf.if %cond3A_41 {
        %mul3A_42 = arith.constant 16 : i32
        %mul3A_43 = arith.muli %scan3A_35, %mul3A_42 : i32
        %add3A = arith.addi %mul3A_8, %mul3A_43 : i32
        "tpu.region"() ({
          %run_scoped3A = tpu.sem_alloc : memref<!tpu.dma_semaphore, #tpu.memory_space<semaphore_mem>>
          %dma_start3A = arith.constant 0 : i32
          %dma_start3A_44 = tpu.memref_slice %arg10[%add3A, %dma_start3A] : memref<10016x128xf32, #tpu.memory_space<vmem_shared>> -> memref<16x128xf32, #tpu.memory_space<vmem_shared>>
          %dma_start3A_45 = arith.constant 0 : i32
          %dma_start3A_46 = tpu.memref_slice %arg10[%add3A, %dma_start3A_45] : memref<10016x128xf32, #tpu.memory_space<vmem_shared>> -> memref<16x128xf32, #tpu.memory_space<vmem_shared>>
          tpu.enqueue_dma source(%arg9 : memref<16x128xf32, #tpu.memory_space<vmem>>) target(%dma_start3A_46 : memref<16x128xf32, #tpu.memory_space<vmem_shared>>) target_semaphore(%run_scoped3A : memref<!tpu.dma_semaphore, #tpu.memory_space<semaphore_mem>>)
          %dma_wait3A = arith.constant 0 : i32
          %dma_wait3A_47 = tpu.memref_slice %arg10[%add3A, %dma_wait3A] : memref<10016x128xf32, #tpu.memory_space<vmem_shared>> -> memref<16x128xf32, #tpu.memory_space<vmem_shared>>
          %dma_wait3A_48 = arith.constant 0 : i32
          %dma_wait3A_49 = tpu.memref_slice %arg10[%add3A, %dma_wait3A_48] : memref<10016x128xf32, #tpu.memory_space<vmem_shared>> -> memref<16x128xf32, #tpu.memory_space<vmem_shared>>
          tpu.wait_dma2 semaphore(%run_scoped3A : memref<!tpu.dma_semaphore, #tpu.memory_space<semaphore_mem>>) src(%arg9 : memref<16x128xf32, #tpu.memory_space<vmem>>) dst(%dma_wait3A_49 : memref<16x128xf32, #tpu.memory_space<vmem_shared>>)
          tpu.yield
        }) : () -> ()
      } else {
      }
    }
    %scan3A_14 = arith.constant 40 : i32
    %barrier3A = arith.constant 0 : index
    tpu.barrier barrier_id(%barrier3A)
    %mul3A_15 = arith.constant 20480 : i32
    %mul3A_16 = arith.muli %arg1, %mul3A_15 : i32
    %mul3A_17 = arith.constant 327680 : i32
    %mul3A_18 = arith.muli %arg0, %mul3A_17 : i32
    %scan3A_19 = arith.constant 0 : i32
    %scan3A_20 = arith.constant 0 : i32
    %scan3A_21 = arith.constant 160 : i32
    %scan3A_22 = arith.addi %scan3A_20, %scan3A_21 : i32
    %scan3A_23 = arith.constant 1 : i32
    scf.for %scan3A_35 = %scan3A_20 to %scan3A_22 step %scan3A_23  : i32 {
      %mul3A_36 = arith.constant 128 : i32
      %mul3A_37 = arith.muli %scan3A_35, %mul3A_36 : i32
      %add3A = arith.addi %mul3A_16, %mul3A_37 : i32
      %add3A_38 = arith.addi %mul3A_18, %add3A : i32
      "tpu.region"() ({
        %run_scoped3A = tpu.sem_alloc : memref<!tpu.dma_semaphore, #tpu.memory_space<semaphore_mem>>
        %dma_start3A_43 = tpu.memref_slice %arg3[%add3A_38] : memref<655360xi32, #tpu.memory_space<hbm>> -> memref<128xi32, #tpu.memory_space<hbm>>
        %dma_start3A_44 = tpu.memref_slice %arg3[%add3A_38] : memref<655360xi32, #tpu.memory_space<hbm>> -> memref<128xi32, #tpu.memory_space<hbm>>
        tpu.enqueue_dma source(%dma_start3A_44 : memref<128xi32, #tpu.memory_space<hbm>>) target(%arg6 : memref<128xi32, #tpu.memory_space<vmem>>) target_semaphore(%run_scoped3A : memref<!tpu.dma_semaphore, #tpu.memory_space<semaphore_mem>>)
        %dma_wait3A_45 = tpu.memref_slice %arg3[%add3A_38] : memref<655360xi32, #tpu.memory_space<hbm>> -> memref<128xi32, #tpu.memory_space<hbm>>
        %dma_wait3A_46 = tpu.memref_slice %arg3[%add3A_38] : memref<655360xi32, #tpu.memory_space<hbm>> -> memref<128xi32, #tpu.memory_space<hbm>>
        tpu.wait_dma2 semaphore(%run_scoped3A : memref<!tpu.dma_semaphore, #tpu.memory_space<semaphore_mem>>) src(%dma_wait3A_46 : memref<128xi32, #tpu.memory_space<hbm>>) dst(%arg6 : memref<128xi32, #tpu.memory_space<vmem>>)
        tpu.yield
      }) : () -> ()
      "tpu.region"() ({
        %run_scoped3A = tpu.sem_alloc : memref<!tpu.dma_semaphore, #tpu.memory_space<semaphore_mem>>
        %dma_start3A_43 = tpu.memref_slice %arg4[%add3A] : memref<327680xi32, #tpu.memory_space<hbm>> -> memref<128xi32, #tpu.memory_space<hbm>>
        %dma_start3A_44 = tpu.memref_slice %arg4[%add3A] : memref<327680xi32, #tpu.memory_space<hbm>> -> memref<128xi32, #tpu.memory_space<hbm>>
        tpu.enqueue_dma source(%dma_start3A_44 : memref<128xi32, #tpu.memory_space<hbm>>) target(%arg7 : memref<128xi32, #tpu.memory_space<vmem>>) target_semaphore(%run_scoped3A : memref<!tpu.dma_semaphore, #tpu.memory_space<semaphore_mem>>)
        %dma_wait3A_45 = tpu.memref_slice %arg4[%add3A] : memref<327680xi32, #tpu.memory_space<hbm>> -> memref<128xi32, #tpu.memory_space<hbm>>
        %dma_wait3A_46 = tpu.memref_slice %arg4[%add3A] : memref<327680xi32, #tpu.memory_space<hbm>> -> memref<128xi32, #tpu.memory_space<hbm>>
        tpu.wait_dma2 semaphore(%run_scoped3A : memref<!tpu.dma_semaphore, #tpu.memory_space<semaphore_mem>>) src(%dma_wait3A_46 : memref<128xi32, #tpu.memory_space<hbm>>) dst(%arg7 : memref<128xi32, #tpu.memory_space<vmem>>)
        tpu.yield
      }) : () -> ()
      %dma_start3A = arith.constant 0 : i32
      %dma_start3A_39 = arith.constant 0 : i32
      %dma_start3A_40 = tpu.memref_slice %arg2[%dma_start3A, %dma_start3A_39] : memref<20000x128xf32, #tpu.memory_space<hbm>> -> memref<20000x128xf32, #tpu.memory_space<hbm>>
      tpu.enqueue_indirect_dma source(%dma_start3A_40 : memref<20000x128xf32, #tpu.memory_space<hbm>>) target(%arg8 : memref<128x128xf32, #tpu.memory_space<vmem>>) offsets(%arg6 : memref<128xi32, #tpu.memory_space<vmem>>) semaphore(%arg11 : memref<!tpu.dma_semaphore, #tpu.memory_space<semaphore_mem>>)
      %dma_wait3A = arith.constant 0 : i32
      %dma_wait3A_41 = arith.constant 0 : i32
      %dma_wait3A_42 = tpu.memref_slice %arg2[%dma_wait3A, %dma_wait3A_41] : memref<20000x128xf32, #tpu.memory_space<hbm>> -> memref<20000x128xf32, #tpu.memory_space<hbm>>
      tpu.wait_indirect_dma semaphore(%arg11 : memref<!tpu.dma_semaphore, #tpu.memory_space<semaphore_mem>>) src(%dma_wait3A_42 : memref<20000x128xf32, #tpu.memory_space<hbm>>) dst(%arg8 : memref<128x128xf32, #tpu.memory_space<vmem>>)
      "tpu.region"() ({
        %run_scoped3A = tpu.sem_alloc : memref<!tpu.dma_semaphore, #tpu.memory_space<semaphore_mem>>
        %dma_start3A_43 = arith.constant 0 : i32
        %dma_start3A_44 = arith.constant 0 : i32
        %dma_start3A_45 = tpu.memref_slice %arg10[%dma_start3A_43, %dma_start3A_44] : memref<10016x128xf32, #tpu.memory_space<vmem_shared>> -> memref<10016x128xf32, #tpu.memory_space<vmem_shared>>
        tpu.enqueue_indirect_dma source(%arg8 : memref<128x128xf32, #tpu.memory_space<vmem>>) target(%dma_start3A_45 : memref<10016x128xf32, #tpu.memory_space<vmem_shared>>) offsets(%arg7 : memref<128xi32, #tpu.memory_space<vmem>>) semaphore(%run_scoped3A : memref<!tpu.dma_semaphore, #tpu.memory_space<semaphore_mem>>) {add = true}
        %dma_wait3A_46 = arith.constant 0 : i32
        %dma_wait3A_47 = arith.constant 0 : i32
        %dma_wait3A_48 = tpu.memref_slice %arg10[%dma_wait3A_46, %dma_wait3A_47] : memref<10016x128xf32, #tpu.memory_space<vmem_shared>> -> memref<10016x128xf32, #tpu.memory_space<vmem_shared>>
        tpu.wait_indirect_dma semaphore(%run_scoped3A : memref<!tpu.dma_semaphore, #tpu.memory_space<semaphore_mem>>) src(%arg8 : memref<128x128xf32, #tpu.memory_space<vmem>>) dst(%dma_wait3A_48 : memref<10016x128xf32, #tpu.memory_space<vmem_shared>>)
        tpu.yield
      }) : () -> ()
    }
    %scan3A_24 = arith.constant 160 : i32
    %barrier3A_25 = arith.constant 0 : index
    tpu.barrier barrier_id(%barrier3A_25)
    %mul3A_26 = arith.constant 10000 : i32
    %mul3A_27 = arith.muli %arg0, %mul3A_26 : i32
    %lt3A_28 = arith.constant 15 : i32
    %lt3A_29 = arith.cmpi slt, %arg1, %lt3A_28 : i32
    %convert_element_type3A = arith.extui %lt3A_29 : i1 to i32
    %cond3A = arith.constant 0 : i32
    %cond3A_30 = arith.cmpi ne, %convert_element_type3A, %cond3A : i32
    scf.if %cond3A_30 {
      %mul3A_35 = arith.constant 640 : i32
      %mul3A_36 = arith.muli %arg1, %mul3A_35 : i32
      %add3A = arith.addi %mul3A_27, %mul3A_36 : i32
      "tpu.region"() ({
        %run_scoped3A = tpu.sem_alloc : memref<!tpu.dma_semaphore, #tpu.memory_space<semaphore_mem>>
        %dma_start3A = arith.constant 0 : i32
        %dma_start3A_37 = tpu.memref_slice %arg5[%add3A, %dma_start3A] : memref<20000x128xf32, #tpu.memory_space<hbm>> -> memref<640x128xf32, #tpu.memory_space<hbm>>
        %dma_start3A_38 = arith.constant 0 : i32
        %dma_start3A_39 = tpu.memref_slice %arg10[%mul3A_36, %dma_start3A_38] : memref<10016x128xf32, #tpu.memory_space<vmem_shared>> -> memref<640x128xf32, #tpu.memory_space<vmem_shared>>
        tpu.enqueue_dma source(%dma_start3A_39 : memref<640x128xf32, #tpu.memory_space<vmem_shared>>) target(%dma_start3A_37 : memref<640x128xf32, #tpu.memory_space<hbm>>) target_semaphore(%run_scoped3A : memref<!tpu.dma_semaphore, #tpu.memory_space<semaphore_mem>>)
        %dma_wait3A = arith.constant 0 : i32
        %dma_wait3A_40 = tpu.memref_slice %arg5[%add3A, %dma_wait3A] : memref<20000x128xf32, #tpu.memory_space<hbm>> -> memref<640x128xf32, #tpu.memory_space<hbm>>
        %dma_wait3A_41 = arith.constant 0 : i32
        %dma_wait3A_42 = tpu.memref_slice %arg10[%mul3A_36, %dma_wait3A_41] : memref<10016x128xf32, #tpu.memory_space<vmem_shared>> -> memref<640x128xf32, #tpu.memory_space<vmem_shared>>
        tpu.wait_dma2 semaphore(%run_scoped3A : memref<!tpu.dma_semaphore, #tpu.memory_space<semaphore_mem>>) src(%dma_wait3A_42 : memref<640x128xf32, #tpu.memory_space<vmem_shared>>) dst(%dma_wait3A_40 : memref<640x128xf32, #tpu.memory_space<hbm>>)
        tpu.yield
      }) : () -> ()
    } else {
    }
    %eq3A = arith.constant 15 : i32
    %eq3A_31 = arith.cmpi eq, %arg1, %eq3A : i32
    %convert_element_type3A_32 = arith.extui %eq3A_31 : i1 to i32
    %cond3A_33 = arith.constant 0 : i32
    %cond3A_34 = arith.cmpi ne, %convert_element_type3A_32, %cond3A_33 : i32
    scf.if %cond3A_34 {
      %add3A = arith.constant 9600 : i32
      %add3A_35 = arith.addi %mul3A_27, %add3A : i32
      "tpu.region"() ({
        %run_scoped3A = tpu.sem_alloc : memref<!tpu.dma_semaphore, #tpu.memory_space<semaphore_mem>>
        %dma_start3A = arith.constant 0 : i32
        %dma_start3A_36 = tpu.memref_slice %arg5[%add3A_35, %dma_start3A] : memref<20000x128xf32, #tpu.memory_space<hbm>> -> memref<400x128xf32, #tpu.memory_space<hbm>>
        %dma_start3A_37 = arith.constant 9600 : i32
        %dma_start3A_38 = arith.constant 0 : i32
        %dma_start3A_39 = tpu.memref_slice %arg10[%dma_start3A_37, %dma_start3A_38] : memref<10016x128xf32, #tpu.memory_space<vmem_shared>> -> memref<400x128xf32, #tpu.memory_space<vmem_shared>>
        tpu.enqueue_dma source(%dma_start3A_39 : memref<400x128xf32, #tpu.memory_space<vmem_shared>>) target(%dma_start3A_36 : memref<400x128xf32, #tpu.memory_space<hbm>>) target_semaphore(%run_scoped3A : memref<!tpu.dma_semaphore, #tpu.memory_space<semaphore_mem>>)
        %dma_wait3A = arith.constant 0 : i32
        %dma_wait3A_40 = tpu.memref_slice %arg5[%add3A_35, %dma_wait3A] : memref<20000x128xf32, #tpu.memory_space<hbm>> -> memref<400x128xf32, #tpu.memory_space<hbm>>
        %dma_wait3A_41 = arith.constant 9600 : i32
        %dma_wait3A_42 = arith.constant 0 : i32
        %dma_wait3A_43 = tpu.memref_slice %arg10[%dma_wait3A_41, %dma_wait3A_42] : memref<10016x128xf32, #tpu.memory_space<vmem_shared>> -> memref<400x128xf32, #tpu.memory_space<vmem_shared>>
        tpu.wait_dma2 semaphore(%run_scoped3A : memref<!tpu.dma_semaphore, #tpu.memory_space<semaphore_mem>>) src(%dma_wait3A_43 : memref<400x128xf32, #tpu.memory_space<vmem_shared>>) dst(%dma_wait3A_40 : memref<400x128xf32, #tpu.memory_space<hbm>>)
        tpu.yield
      }) : () -> ()
    } else {
    }
    return
  }
}

#map = affine_map<(d0, d1) -> (0, 0)>
#map1 = affine_map<(d0, d1) -> (0)>
module attributes {stable_mosaic.version = 14 : i64} {
  func.func @_agg_pair(%arg0: i32, %arg1: i32, %arg2: memref<20000x128xf32, #tpu.memory_space<hbm>>, %arg3: memref<655360xi32, #tpu.memory_space<hbm>>, %arg4: memref<327680xi32, #tpu.memory_space<hbm>>, %arg5: memref<20000x128xf32, #tpu.memory_space<hbm>>, %arg6: memref<128xi32, #tpu.memory_space<vmem>>, %arg7: memref<128xi32, #tpu.memory_space<vmem>>, %arg8: memref<128x128xf32, #tpu.memory_space<vmem>>, %arg9: memref<16x128xf32, #tpu.memory_space<vmem>>, %arg10: memref<10016x128xf32, #tpu.memory_space<vmem_shared>>, %arg11: memref<!tpu.dma_semaphore, #tpu.memory_space<semaphore_mem>>) attributes {dimension_semantics = [#tpu.dimension_semantics<core_parallel>, #tpu.dimension_semantics<subcore_parallel>], iteration_bounds = array<i64: 2, 16>, scalar_prefetch = 0 : i64, scratch_operands = 6 : i64, tpu.core_type = #tpu.core_type<sc_vector_subcore>, window_params = [{transform_indices = #map}, {transform_indices = #map1}, {transform_indices = #map1}, {transform_indices = #map}]} {
    %broadcast_in_dim3A = arith.constant 0.000000e+00 : f32
    %broadcast_in_dim3A_0 = vector.broadcast %broadcast_in_dim3A : f32 to vector<16xf32>
    %scan3A = arith.constant 0 : i32
    %scan3A_1 = arith.constant 0 : i32
    %scan3A_2 = arith.constant 128 : i32
    %scan3A_3 = arith.addi %scan3A_1, %scan3A_2 : i32
    %scan3A_4 = arith.constant 1 : i32
    scf.for %scan3A_35 = %scan3A_1 to %scan3A_3 step %scan3A_4  : i32 {
      %jit3A_36 = arith.constant 8 : i32
      %div3A = arith.divsi %scan3A_35, %jit3A_36 : i32
      %sign3A = arith.constant 0 : i32
      %sign3A_37 = arith.cmpi sgt, %scan3A_35, %sign3A : i32
      %sign3A_38 = arith.extui %sign3A_37 : i1 to i32
      %sign3A_39 = arith.constant 0 : i32
      %sign3A_40 = arith.cmpi slt, %scan3A_35, %sign3A_39 : i32
      %sign3A_41 = arith.extui %sign3A_40 : i1 to i32
      %sign3A_42 = arith.subi %sign3A_38, %sign3A_41 : i32
      %sign3A_43 = arith.constant 0 : i32
      %sign3A_44 = arith.cmpi sgt, %jit3A_36, %sign3A_43 : i32
      %sign3A_45 = arith.extui %sign3A_44 : i1 to i32
      %sign3A_46 = arith.constant 0 : i32
      %sign3A_47 = arith.cmpi slt, %jit3A_36, %sign3A_46 : i32
      %sign3A_48 = arith.extui %sign3A_47 : i1 to i32
      %sign3A_49 = arith.subi %sign3A_45, %sign3A_48 : i32
      %ne3A = arith.cmpi ne, %sign3A_42, %sign3A_49 : i32
      %rem3A = arith.remsi %scan3A_35, %jit3A_36 : i32
      %ne3A_50 = arith.constant 0 : i32
      %ne3A_51 = arith.cmpi ne, %rem3A, %ne3A_50 : i32
      %and3A = arith.andi %ne3A, %ne3A_51 : i1
      %sub3A = arith.constant 1 : i32
      %sub3A_52 = arith.subi %div3A, %sub3A : i32
      %select_n3A_53 = arith.select %and3A, %sub3A_52, %div3A : i32
      %jit3A_54 = arith.constant 8 : i32
      %eq3A_55 = arith.constant 0 : i32
      %eq3A_56 = arith.cmpi eq, %jit3A_54, %eq3A_55 : i32
      %jit3A_57 = arith.constant 1 : i32
      %select_n3A_58 = arith.select %eq3A_56, %jit3A_57, %jit3A_54 : i32
      %rem3A_59 = arith.remsi %scan3A_35, %select_n3A_58 : i32
      %ne3A_60 = arith.constant 0 : i32
      %ne3A_61 = arith.cmpi ne, %rem3A_59, %ne3A_60 : i32
      %lt3A_62 = arith.constant 0 : i32
      %lt3A_63 = arith.cmpi slt, %rem3A_59, %lt3A_62 : i32
      %lt3A_64 = arith.constant 0 : i32
      %lt3A_65 = arith.cmpi slt, %select_n3A_58, %lt3A_64 : i32
      %ne3A_66 = arith.xori %lt3A_63, %lt3A_65 : i1
      %and3A_67 = arith.andi %ne3A_66, %ne3A_61 : i1
      %add3A = arith.addi %rem3A_59, %select_n3A_58 : i32
      %select_n3A_68 = arith.select %and3A_67, %add3A, %rem3A_59 : i32
      %mul3A_69 = arith.constant 16 : i32
      %mul3A_70 = arith.muli %select_n3A_68, %mul3A_69 : i32
      %swap3A = arith.index_cast %select_n3A_53 : i32 to index
      %swap3A_71 = arith.index_cast %mul3A_70 : i32 to index
      %swap3A_72 = tpu.vector_load %arg9[%swap3A, %swap3A_71] {strides = array<i32>} : memref<16x128xf32, #tpu.memory_space<vmem>>, vector<1x16xf32>,
      %swap3A_73 = vector.shape_cast %swap3A_72 : vector<1x16xf32> to vector<16xf32>
      %swap3A_74 = vector.shape_cast %broadcast_in_dim3A_0 : vector<16xf32> to vector<1x16xf32>
      tpu.vector_store %arg9[%swap3A, %swap3A_71], %swap3A_74 {strides = array<i32>} : memref<16x128xf32, #tpu.memory_space<vmem>>, vector<1x16xf32>,
    }
    %scan3A_5 = arith.constant 128 : i32
    %lt3A = arith.constant 15 : i32
    %lt3A_6 = arith.cmpi slt, %arg1, %lt3A : i32
    %jit3A = arith.constant 640 : i32
    %jit3A_7 = arith.constant 400 : i32
    %select_n3A = arith.select %lt3A_6, %jit3A, %jit3A_7 : i32
    %mul3A = arith.constant 640 : i32
    %mul3A_8 = arith.muli %arg1, %mul3A : i32
    %scan3A_9 = arith.constant 0 : i32
    %scan3A_10 = arith.constant 0 : i32
    %scan3A_11 = arith.constant 40 : i32
    %scan3A_12 = arith.addi %scan3A_10, %scan3A_11 : i32
    %scan3A_13 = arith.constant 1 : i32
    scf.for %scan3A_35 = %scan3A_10 to %scan3A_12 step %scan3A_13  : i32 {
      %mul3A_36 = arith.constant 16 : i32
      %mul3A_37 = arith.muli %scan3A_35, %mul3A_36 : i32
      %lt3A_38 = arith.cmpi slt, %mul3A_37, %select_n3A : i32
      %convert_element_type3A_39 = arith.extui %lt3A_38 : i1 to i32
      %cond3A_40 = arith.constant 0 : i32
      %cond3A_41 = arith.cmpi ne, %convert_element_type3A_39, %cond3A_40 : i32
      scf.if %cond3A_41 {
        %mul3A_42 = arith.constant 16 : i32
        %mul3A_43 = arith.muli %scan3A_35, %mul3A_42 : i32
        %add3A = arith.addi %mul3A_8, %mul3A_43 : i32
        "tpu.region"() ({
          %run_scoped3A = tpu.sem_alloc : memref<!tpu.dma_semaphore, #tpu.memory_space<semaphore_mem>>
          %dma_start3A = arith.constant 0 : i32
          %dma_start3A_44 = tpu.memref_slice %arg10[%add3A, %dma_start3A] : memref<10016x128xf32, #tpu.memory_space<vmem_shared>> -> memref<16x128xf32, #tpu.memory_space<vmem_shared>>
          %dma_start3A_45 = arith.constant 0 : i32
          %dma_start3A_46 = tpu.memref_slice %arg10[%add3A, %dma_start3A_45] : memref<10016x128xf32, #tpu.memory_space<vmem_shared>> -> memref<16x128xf32, #tpu.memory_space<vmem_shared>>
          tpu.enqueue_dma source(%arg9 : memref<16x128xf32, #tpu.memory_space<vmem>>) target(%dma_start3A_46 : memref<16x128xf32, #tpu.memory_space<vmem_shared>>) target_semaphore(%run_scoped3A : memref<!tpu.dma_semaphore, #tpu.memory_space<semaphore_mem>>)
          %dma_wait3A = arith.constant 0 : i32
          %dma_wait3A_47 = tpu.memref_slice %arg10[%add3A, %dma_wait3A] : memref<10016x128xf32, #tpu.memory_space<vmem_shared>> -> memref<16x128xf32, #tpu.memory_space<vmem_shared>>
          %dma_wait3A_48 = arith.constant 0 : i32
          %dma_wait3A_49 = tpu.memref_slice %arg10[%add3A, %dma_wait3A_48] : memref<10016x128xf32, #tpu.memory_space<vmem_shared>> -> memref<16x128xf32, #tpu.memory_space<vmem_shared>>
          tpu.wait_dma2 semaphore(%run_scoped3A : memref<!tpu.dma_semaphore, #tpu.memory_space<semaphore_mem>>) src(%arg9 : memref<16x128xf32, #tpu.memory_space<vmem>>) dst(%dma_wait3A_49 : memref<16x128xf32, #tpu.memory_space<vmem_shared>>)
          tpu.yield
        }) : () -> ()
      } else {
      }
    }
    %scan3A_14 = arith.constant 40 : i32
    %barrier3A = arith.constant 0 : index
    tpu.barrier barrier_id(%barrier3A)
    %mul3A_15 = arith.constant 20480 : i32
    %mul3A_16 = arith.muli %arg1, %mul3A_15 : i32
    %mul3A_17 = arith.constant 327680 : i32
    %mul3A_18 = arith.muli %arg0, %mul3A_17 : i32
    %scan3A_19 = arith.constant 0 : i32
    %scan3A_20 = arith.constant 0 : i32
    %scan3A_21 = arith.constant 160 : i32
    %scan3A_22 = arith.addi %scan3A_20, %scan3A_21 : i32
    %scan3A_23 = arith.constant 1 : i32
    scf.for %scan3A_35 = %scan3A_20 to %scan3A_22 step %scan3A_23  : i32 {
      %mul3A_36 = arith.constant 128 : i32
      %mul3A_37 = arith.muli %scan3A_35, %mul3A_36 : i32
      %add3A = arith.addi %mul3A_16, %mul3A_37 : i32
      %add3A_38 = arith.addi %mul3A_18, %add3A : i32
      "tpu.region"() ({
        %run_scoped3A = tpu.sem_alloc : memref<!tpu.dma_semaphore, #tpu.memory_space<semaphore_mem>>
        %dma_start3A_43 = tpu.memref_slice %arg3[%add3A_38] : memref<655360xi32, #tpu.memory_space<hbm>> -> memref<128xi32, #tpu.memory_space<hbm>>
        %dma_start3A_44 = tpu.memref_slice %arg3[%add3A_38] : memref<655360xi32, #tpu.memory_space<hbm>> -> memref<128xi32, #tpu.memory_space<hbm>>
        tpu.enqueue_dma source(%dma_start3A_44 : memref<128xi32, #tpu.memory_space<hbm>>) target(%arg6 : memref<128xi32, #tpu.memory_space<vmem>>) target_semaphore(%run_scoped3A : memref<!tpu.dma_semaphore, #tpu.memory_space<semaphore_mem>>)
        %dma_wait3A_45 = tpu.memref_slice %arg3[%add3A_38] : memref<655360xi32, #tpu.memory_space<hbm>> -> memref<128xi32, #tpu.memory_space<hbm>>
        %dma_wait3A_46 = tpu.memref_slice %arg3[%add3A_38] : memref<655360xi32, #tpu.memory_space<hbm>> -> memref<128xi32, #tpu.memory_space<hbm>>
        tpu.wait_dma2 semaphore(%run_scoped3A : memref<!tpu.dma_semaphore, #tpu.memory_space<semaphore_mem>>) src(%dma_wait3A_46 : memref<128xi32, #tpu.memory_space<hbm>>) dst(%arg6 : memref<128xi32, #tpu.memory_space<vmem>>)
        tpu.yield
      }) : () -> ()
      "tpu.region"() ({
        %run_scoped3A = tpu.sem_alloc : memref<!tpu.dma_semaphore, #tpu.memory_space<semaphore_mem>>
        %dma_start3A_43 = tpu.memref_slice %arg4[%add3A] : memref<327680xi32, #tpu.memory_space<hbm>> -> memref<128xi32, #tpu.memory_space<hbm>>
        %dma_start3A_44 = tpu.memref_slice %arg4[%add3A] : memref<327680xi32, #tpu.memory_space<hbm>> -> memref<128xi32, #tpu.memory_space<hbm>>
        tpu.enqueue_dma source(%dma_start3A_44 : memref<128xi32, #tpu.memory_space<hbm>>) target(%arg7 : memref<128xi32, #tpu.memory_space<vmem>>) target_semaphore(%run_scoped3A : memref<!tpu.dma_semaphore, #tpu.memory_space<semaphore_mem>>)
        %dma_wait3A_45 = tpu.memref_slice %arg4[%add3A] : memref<327680xi32, #tpu.memory_space<hbm>> -> memref<128xi32, #tpu.memory_space<hbm>>
        %dma_wait3A_46 = tpu.memref_slice %arg4[%add3A] : memref<327680xi32, #tpu.memory_space<hbm>> -> memref<128xi32, #tpu.memory_space<hbm>>
        tpu.wait_dma2 semaphore(%run_scoped3A : memref<!tpu.dma_semaphore, #tpu.memory_space<semaphore_mem>>) src(%dma_wait3A_46 : memref<128xi32, #tpu.memory_space<hbm>>) dst(%arg7 : memref<128xi32, #tpu.memory_space<vmem>>)
        tpu.yield
      }) : () -> ()
      %dma_start3A = arith.constant 0 : i32
      %dma_start3A_39 = arith.constant 0 : i32
      %dma_start3A_40 = tpu.memref_slice %arg2[%dma_start3A, %dma_start3A_39] : memref<20000x128xf32, #tpu.memory_space<hbm>> -> memref<20000x128xf32, #tpu.memory_space<hbm>>
      tpu.enqueue_indirect_dma source(%dma_start3A_40 : memref<20000x128xf32, #tpu.memory_space<hbm>>) target(%arg8 : memref<128x128xf32, #tpu.memory_space<vmem>>) offsets(%arg6 : memref<128xi32, #tpu.memory_space<vmem>>) semaphore(%arg11 : memref<!tpu.dma_semaphore, #tpu.memory_space<semaphore_mem>>)
      %dma_wait3A = arith.constant 0 : i32
      %dma_wait3A_41 = arith.constant 0 : i32
      %dma_wait3A_42 = tpu.memref_slice %arg2[%dma_wait3A, %dma_wait3A_41] : memref<20000x128xf32, #tpu.memory_space<hbm>> -> memref<20000x128xf32, #tpu.memory_space<hbm>>
      tpu.wait_indirect_dma semaphore(%arg11 : memref<!tpu.dma_semaphore, #tpu.memory_space<semaphore_mem>>) src(%dma_wait3A_42 : memref<20000x128xf32, #tpu.memory_space<hbm>>) dst(%arg8 : memref<128x128xf32, #tpu.memory_space<vmem>>)
      "tpu.region"() ({
        %run_scoped3A = tpu.sem_alloc : memref<!tpu.dma_semaphore, #tpu.memory_space<semaphore_mem>>
        %dma_start3A_43 = arith.constant 0 : i32
        %dma_start3A_44 = arith.constant 0 : i32
        %dma_start3A_45 = tpu.memref_slice %arg10[%dma_start3A_43, %dma_start3A_44] : memref<10016x128xf32, #tpu.memory_space<vmem_shared>> -> memref<10016x128xf32, #tpu.memory_space<vmem_shared>>
        tpu.enqueue_indirect_dma source(%arg8 : memref<128x128xf32, #tpu.memory_space<vmem>>) target(%dma_start3A_45 : memref<10016x128xf32, #tpu.memory_space<vmem_shared>>) offsets(%arg7 : memref<128xi32, #tpu.memory_space<vmem>>) semaphore(%run_scoped3A : memref<!tpu.dma_semaphore, #tpu.memory_space<semaphore_mem>>) {add = true}
        %dma_wait3A_46 = arith.constant 0 : i32
        %dma_wait3A_47 = arith.constant 0 : i32
        %dma_wait3A_48 = tpu.memref_slice %arg10[%dma_wait3A_46, %dma_wait3A_47] : memref<10016x128xf32, #tpu.memory_space<vmem_shared>> -> memref<10016x128xf32, #tpu.memory_space<vmem_shared>>
        tpu.wait_indirect_dma semaphore(%run_scoped3A : memref<!tpu.dma_semaphore, #tpu.memory_space<semaphore_mem>>) src(%arg8 : memref<128x128xf32, #tpu.memory_space<vmem>>) dst(%dma_wait3A_48 : memref<10016x128xf32, #tpu.memory_space<vmem_shared>>)
        tpu.yield
      }) : () -> ()
    }
    %scan3A_24 = arith.constant 160 : i32
    %barrier3A_25 = arith.constant 0 : index
    tpu.barrier barrier_id(%barrier3A_25)
    %mul3A_26 = arith.constant 10000 : i32
    %mul3A_27 = arith.muli %arg0, %mul3A_26 : i32
    %lt3A_28 = arith.constant 15 : i32
    %lt3A_29 = arith.cmpi slt, %arg1, %lt3A_28 : i32
    %convert_element_type3A = arith.extui %lt3A_29 : i1 to i32
    %cond3A = arith.constant 0 : i32
    %cond3A_30 = arith.cmpi ne, %convert_element_type3A, %cond3A : i32
    scf.if %cond3A_30 {
      %mul3A_35 = arith.constant 640 : i32
      %mul3A_36 = arith.muli %arg1, %mul3A_35 : i32
      %add3A = arith.addi %mul3A_27, %mul3A_36 : i32
      "tpu.region"() ({
        %run_scoped3A = tpu.sem_alloc : memref<!tpu.dma_semaphore, #tpu.memory_space<semaphore_mem>>
        %dma_start3A = arith.constant 0 : i32
        %dma_start3A_37 = tpu.memref_slice %arg5[%add3A, %dma_start3A] : memref<20000x128xf32, #tpu.memory_space<hbm>> -> memref<640x128xf32, #tpu.memory_space<hbm>>
        %dma_start3A_38 = arith.constant 0 : i32
        %dma_start3A_39 = tpu.memref_slice %arg10[%mul3A_36, %dma_start3A_38] : memref<10016x128xf32, #tpu.memory_space<vmem_shared>> -> memref<640x128xf32, #tpu.memory_space<vmem_shared>>
        tpu.enqueue_dma source(%dma_start3A_39 : memref<640x128xf32, #tpu.memory_space<vmem_shared>>) target(%dma_start3A_37 : memref<640x128xf32, #tpu.memory_space<hbm>>) target_semaphore(%run_scoped3A : memref<!tpu.dma_semaphore, #tpu.memory_space<semaphore_mem>>)
        %dma_wait3A = arith.constant 0 : i32
        %dma_wait3A_40 = tpu.memref_slice %arg5[%add3A, %dma_wait3A] : memref<20000x128xf32, #tpu.memory_space<hbm>> -> memref<640x128xf32, #tpu.memory_space<hbm>>
        %dma_wait3A_41 = arith.constant 0 : i32
        %dma_wait3A_42 = tpu.memref_slice %arg10[%mul3A_36, %dma_wait3A_41] : memref<10016x128xf32, #tpu.memory_space<vmem_shared>> -> memref<640x128xf32, #tpu.memory_space<vmem_shared>>
        tpu.wait_dma2 semaphore(%run_scoped3A : memref<!tpu.dma_semaphore, #tpu.memory_space<semaphore_mem>>) src(%dma_wait3A_42 : memref<640x128xf32, #tpu.memory_space<vmem_shared>>) dst(%dma_wait3A_40 : memref<640x128xf32, #tpu.memory_space<hbm>>)
        tpu.yield
      }) : () -> ()
    } else {
    }
    %eq3A = arith.constant 15 : i32
    %eq3A_31 = arith.cmpi eq, %arg1, %eq3A : i32
    %convert_element_type3A_32 = arith.extui %eq3A_31 : i1 to i32
    %cond3A_33 = arith.constant 0 : i32
    %cond3A_34 = arith.cmpi ne, %convert_element_type3A_32, %cond3A_33 : i32
    scf.if %cond3A_34 {
      %add3A = arith.constant 9600 : i32
      %add3A_35 = arith.addi %mul3A_27, %add3A : i32
      "tpu.region"() ({
        %run_scoped3A = tpu.sem_alloc : memref<!tpu.dma_semaphore, #tpu.memory_space<semaphore_mem>>
        %dma_start3A = arith.constant 0 : i32
        %dma_start3A_36 = tpu.memref_slice %arg5[%add3A_35, %dma_start3A] : memref<20000x128xf32, #tpu.memory_space<hbm>> -> memref<400x128xf32, #tpu.memory_space<hbm>>
        %dma_start3A_37 = arith.constant 9600 : i32
        %dma_start3A_38 = arith.constant 0 : i32
        %dma_start3A_39 = tpu.memref_slice %arg10[%dma_start3A_37, %dma_start3A_38] : memref<10016x128xf32, #tpu.memory_space<vmem_shared>> -> memref<400x128xf32, #tpu.memory_space<vmem_shared>>
        tpu.enqueue_dma source(%dma_start3A_39 : memref<400x128xf32, #tpu.memory_space<vmem_shared>>) target(%dma_start3A_36 : memref<400x128xf32, #tpu.memory_space<hbm>>) target_semaphore(%run_scoped3A : memref<!tpu.dma_semaphore, #tpu.memory_space<semaphore_mem>>)
        %dma_wait3A = arith.constant 0 : i32
        %dma_wait3A_40 = tpu.memref_slice %arg5[%add3A_35, %dma_wait3A] : memref<20000x128xf32, #tpu.memory_space<hbm>> -> memref<400x128xf32, #tpu.memory_space<hbm>>
        %dma_wait3A_41 = arith.constant 9600 : i32
        %dma_wait3A_42 = arith.constant 0 : i32
        %dma_wait3A_43 = tpu.memref_slice %arg10[%dma_wait3A_41, %dma_wait3A_42] : memref<10016x128xf32, #tpu.memory_space<vmem_shared>> -> memref<400x128xf32, #tpu.memory_space<vmem_shared>>
        tpu.wait_dma2 semaphore(%run_scoped3A : memref<!tpu.dma_semaphore, #tpu.memory_space<semaphore_mem>>) src(%dma_wait3A_43 : memref<400x128xf32, #tpu.memory_space<vmem_shared>>) dst(%dma_wait3A_40 : memref<400x128xf32, #tpu.memory_space<hbm>>)
        tpu.yield
      }) : () -> ()
    } else {
    }
    return
  }
}

#map = affine_map<(d0, d1) -> (0, 0)>
#map1 = affine_map<(d0, d1) -> (0)>
module attributes {stable_mosaic.version = 14 : i64} {
  func.func @_agg_pair(%arg0: i32, %arg1: i32, %arg2: memref<20000x128xf32, #tpu.memory_space<hbm>>, %arg3: memref<655360xi32, #tpu.memory_space<hbm>>, %arg4: memref<327680xi32, #tpu.memory_space<hbm>>, %arg5: memref<20000x128xf32, #tpu.memory_space<hbm>>, %arg6: memref<128xi32, #tpu.memory_space<vmem>>, %arg7: memref<128xi32, #tpu.memory_space<vmem>>, %arg8: memref<128x128xf32, #tpu.memory_space<vmem>>, %arg9: memref<16x128xf32, #tpu.memory_space<vmem>>, %arg10: memref<10016x128xf32, #tpu.memory_space<vmem_shared>>, %arg11: memref<!tpu.dma_semaphore, #tpu.memory_space<semaphore_mem>>) attributes {dimension_semantics = [#tpu.dimension_semantics<core_parallel>, #tpu.dimension_semantics<subcore_parallel>], iteration_bounds = array<i64: 2, 16>, scalar_prefetch = 0 : i64, scratch_operands = 6 : i64, tpu.core_type = #tpu.core_type<sc_vector_subcore>, window_params = [{transform_indices = #map}, {transform_indices = #map1}, {transform_indices = #map1}, {transform_indices = #map}]} {
    %broadcast_in_dim3A = arith.constant 0.000000e+00 : f32
    %broadcast_in_dim3A_0 = vector.broadcast %broadcast_in_dim3A : f32 to vector<16xf32>
    %scan3A = arith.constant 0 : i32
    %scan3A_1 = arith.constant 0 : i32
    %scan3A_2 = arith.constant 128 : i32
    %scan3A_3 = arith.addi %scan3A_1, %scan3A_2 : i32
    %scan3A_4 = arith.constant 1 : i32
    scf.for %scan3A_35 = %scan3A_1 to %scan3A_3 step %scan3A_4  : i32 {
      %jit3A_36 = arith.constant 8 : i32
      %div3A = arith.divsi %scan3A_35, %jit3A_36 : i32
      %sign3A = arith.constant 0 : i32
      %sign3A_37 = arith.cmpi sgt, %scan3A_35, %sign3A : i32
      %sign3A_38 = arith.extui %sign3A_37 : i1 to i32
      %sign3A_39 = arith.constant 0 : i32
      %sign3A_40 = arith.cmpi slt, %scan3A_35, %sign3A_39 : i32
      %sign3A_41 = arith.extui %sign3A_40 : i1 to i32
      %sign3A_42 = arith.subi %sign3A_38, %sign3A_41 : i32
      %sign3A_43 = arith.constant 0 : i32
      %sign3A_44 = arith.cmpi sgt, %jit3A_36, %sign3A_43 : i32
      %sign3A_45 = arith.extui %sign3A_44 : i1 to i32
      %sign3A_46 = arith.constant 0 : i32
      %sign3A_47 = arith.cmpi slt, %jit3A_36, %sign3A_46 : i32
      %sign3A_48 = arith.extui %sign3A_47 : i1 to i32
      %sign3A_49 = arith.subi %sign3A_45, %sign3A_48 : i32
      %ne3A = arith.cmpi ne, %sign3A_42, %sign3A_49 : i32
      %rem3A = arith.remsi %scan3A_35, %jit3A_36 : i32
      %ne3A_50 = arith.constant 0 : i32
      %ne3A_51 = arith.cmpi ne, %rem3A, %ne3A_50 : i32
      %and3A = arith.andi %ne3A, %ne3A_51 : i1
      %sub3A = arith.constant 1 : i32
      %sub3A_52 = arith.subi %div3A, %sub3A : i32
      %select_n3A_53 = arith.select %and3A, %sub3A_52, %div3A : i32
      %jit3A_54 = arith.constant 8 : i32
      %eq3A_55 = arith.constant 0 : i32
      %eq3A_56 = arith.cmpi eq, %jit3A_54, %eq3A_55 : i32
      %jit3A_57 = arith.constant 1 : i32
      %select_n3A_58 = arith.select %eq3A_56, %jit3A_57, %jit3A_54 : i32
      %rem3A_59 = arith.remsi %scan3A_35, %select_n3A_58 : i32
      %ne3A_60 = arith.constant 0 : i32
      %ne3A_61 = arith.cmpi ne, %rem3A_59, %ne3A_60 : i32
      %lt3A_62 = arith.constant 0 : i32
      %lt3A_63 = arith.cmpi slt, %rem3A_59, %lt3A_62 : i32
      %lt3A_64 = arith.constant 0 : i32
      %lt3A_65 = arith.cmpi slt, %select_n3A_58, %lt3A_64 : i32
      %ne3A_66 = arith.xori %lt3A_63, %lt3A_65 : i1
      %and3A_67 = arith.andi %ne3A_66, %ne3A_61 : i1
      %add3A = arith.addi %rem3A_59, %select_n3A_58 : i32
      %select_n3A_68 = arith.select %and3A_67, %add3A, %rem3A_59 : i32
      %mul3A_69 = arith.constant 16 : i32
      %mul3A_70 = arith.muli %select_n3A_68, %mul3A_69 : i32
      %swap3A = arith.index_cast %select_n3A_53 : i32 to index
      %swap3A_71 = arith.index_cast %mul3A_70 : i32 to index
      %swap3A_72 = tpu.vector_load %arg9[%swap3A, %swap3A_71] {strides = array<i32>} : memref<16x128xf32, #tpu.memory_space<vmem>>, vector<1x16xf32>,
      %swap3A_73 = vector.shape_cast %swap3A_72 : vector<1x16xf32> to vector<16xf32>
      %swap3A_74 = vector.shape_cast %broadcast_in_dim3A_0 : vector<16xf32> to vector<1x16xf32>
      tpu.vector_store %arg9[%swap3A, %swap3A_71], %swap3A_74 {strides = array<i32>} : memref<16x128xf32, #tpu.memory_space<vmem>>, vector<1x16xf32>,
    }
    %scan3A_5 = arith.constant 128 : i32
    %lt3A = arith.constant 15 : i32
    %lt3A_6 = arith.cmpi slt, %arg1, %lt3A : i32
    %jit3A = arith.constant 640 : i32
    %jit3A_7 = arith.constant 400 : i32
    %select_n3A = arith.select %lt3A_6, %jit3A, %jit3A_7 : i32
    %mul3A = arith.constant 640 : i32
    %mul3A_8 = arith.muli %arg1, %mul3A : i32
    %scan3A_9 = arith.constant 0 : i32
    %scan3A_10 = arith.constant 0 : i32
    %scan3A_11 = arith.constant 40 : i32
    %scan3A_12 = arith.addi %scan3A_10, %scan3A_11 : i32
    %scan3A_13 = arith.constant 1 : i32
    scf.for %scan3A_35 = %scan3A_10 to %scan3A_12 step %scan3A_13  : i32 {
      %mul3A_36 = arith.constant 16 : i32
      %mul3A_37 = arith.muli %scan3A_35, %mul3A_36 : i32
      %lt3A_38 = arith.cmpi slt, %mul3A_37, %select_n3A : i32
      %convert_element_type3A_39 = arith.extui %lt3A_38 : i1 to i32
      %cond3A_40 = arith.constant 0 : i32
      %cond3A_41 = arith.cmpi ne, %convert_element_type3A_39, %cond3A_40 : i32
      scf.if %cond3A_41 {
        %mul3A_42 = arith.constant 16 : i32
        %mul3A_43 = arith.muli %scan3A_35, %mul3A_42 : i32
        %add3A = arith.addi %mul3A_8, %mul3A_43 : i32
        "tpu.region"() ({
          %run_scoped3A = tpu.sem_alloc : memref<!tpu.dma_semaphore, #tpu.memory_space<semaphore_mem>>
          %dma_start3A = arith.constant 0 : i32
          %dma_start3A_44 = tpu.memref_slice %arg10[%add3A, %dma_start3A] : memref<10016x128xf32, #tpu.memory_space<vmem_shared>> -> memref<16x128xf32, #tpu.memory_space<vmem_shared>>
          %dma_start3A_45 = arith.constant 0 : i32
          %dma_start3A_46 = tpu.memref_slice %arg10[%add3A, %dma_start3A_45] : memref<10016x128xf32, #tpu.memory_space<vmem_shared>> -> memref<16x128xf32, #tpu.memory_space<vmem_shared>>
          tpu.enqueue_dma source(%arg9 : memref<16x128xf32, #tpu.memory_space<vmem>>) target(%dma_start3A_46 : memref<16x128xf32, #tpu.memory_space<vmem_shared>>) target_semaphore(%run_scoped3A : memref<!tpu.dma_semaphore, #tpu.memory_space<semaphore_mem>>)
          %dma_wait3A = arith.constant 0 : i32
          %dma_wait3A_47 = tpu.memref_slice %arg10[%add3A, %dma_wait3A] : memref<10016x128xf32, #tpu.memory_space<vmem_shared>> -> memref<16x128xf32, #tpu.memory_space<vmem_shared>>
          %dma_wait3A_48 = arith.constant 0 : i32
          %dma_wait3A_49 = tpu.memref_slice %arg10[%add3A, %dma_wait3A_48] : memref<10016x128xf32, #tpu.memory_space<vmem_shared>> -> memref<16x128xf32, #tpu.memory_space<vmem_shared>>
          tpu.wait_dma2 semaphore(%run_scoped3A : memref<!tpu.dma_semaphore, #tpu.memory_space<semaphore_mem>>) src(%arg9 : memref<16x128xf32, #tpu.memory_space<vmem>>) dst(%dma_wait3A_49 : memref<16x128xf32, #tpu.memory_space<vmem_shared>>)
          tpu.yield
        }) : () -> ()
      } else {
      }
    }
    %scan3A_14 = arith.constant 40 : i32
    %barrier3A = arith.constant 0 : index
    tpu.barrier barrier_id(%barrier3A)
    %mul3A_15 = arith.constant 20480 : i32
    %mul3A_16 = arith.muli %arg1, %mul3A_15 : i32
    %mul3A_17 = arith.constant 327680 : i32
    %mul3A_18 = arith.muli %arg0, %mul3A_17 : i32
    %scan3A_19 = arith.constant 0 : i32
    %scan3A_20 = arith.constant 0 : i32
    %scan3A_21 = arith.constant 160 : i32
    %scan3A_22 = arith.addi %scan3A_20, %scan3A_21 : i32
    %scan3A_23 = arith.constant 1 : i32
    scf.for %scan3A_35 = %scan3A_20 to %scan3A_22 step %scan3A_23  : i32 {
      %mul3A_36 = arith.constant 128 : i32
      %mul3A_37 = arith.muli %scan3A_35, %mul3A_36 : i32
      %add3A = arith.addi %mul3A_16, %mul3A_37 : i32
      %add3A_38 = arith.addi %mul3A_18, %add3A : i32
      "tpu.region"() ({
        %run_scoped3A = tpu.sem_alloc : memref<!tpu.dma_semaphore, #tpu.memory_space<semaphore_mem>>
        %dma_start3A_43 = tpu.memref_slice %arg3[%add3A_38] : memref<655360xi32, #tpu.memory_space<hbm>> -> memref<128xi32, #tpu.memory_space<hbm>>
        %dma_start3A_44 = tpu.memref_slice %arg3[%add3A_38] : memref<655360xi32, #tpu.memory_space<hbm>> -> memref<128xi32, #tpu.memory_space<hbm>>
        tpu.enqueue_dma source(%dma_start3A_44 : memref<128xi32, #tpu.memory_space<hbm>>) target(%arg6 : memref<128xi32, #tpu.memory_space<vmem>>) target_semaphore(%run_scoped3A : memref<!tpu.dma_semaphore, #tpu.memory_space<semaphore_mem>>)
        %dma_wait3A_45 = tpu.memref_slice %arg3[%add3A_38] : memref<655360xi32, #tpu.memory_space<hbm>> -> memref<128xi32, #tpu.memory_space<hbm>>
        %dma_wait3A_46 = tpu.memref_slice %arg3[%add3A_38] : memref<655360xi32, #tpu.memory_space<hbm>> -> memref<128xi32, #tpu.memory_space<hbm>>
        tpu.wait_dma2 semaphore(%run_scoped3A : memref<!tpu.dma_semaphore, #tpu.memory_space<semaphore_mem>>) src(%dma_wait3A_46 : memref<128xi32, #tpu.memory_space<hbm>>) dst(%arg6 : memref<128xi32, #tpu.memory_space<vmem>>)
        tpu.yield
      }) : () -> ()
      "tpu.region"() ({
        %run_scoped3A = tpu.sem_alloc : memref<!tpu.dma_semaphore, #tpu.memory_space<semaphore_mem>>
        %dma_start3A_43 = tpu.memref_slice %arg4[%add3A] : memref<327680xi32, #tpu.memory_space<hbm>> -> memref<128xi32, #tpu.memory_space<hbm>>
        %dma_start3A_44 = tpu.memref_slice %arg4[%add3A] : memref<327680xi32, #tpu.memory_space<hbm>> -> memref<128xi32, #tpu.memory_space<hbm>>
        tpu.enqueue_dma source(%dma_start3A_44 : memref<128xi32, #tpu.memory_space<hbm>>) target(%arg7 : memref<128xi32, #tpu.memory_space<vmem>>) target_semaphore(%run_scoped3A : memref<!tpu.dma_semaphore, #tpu.memory_space<semaphore_mem>>)
        %dma_wait3A_45 = tpu.memref_slice %arg4[%add3A] : memref<327680xi32, #tpu.memory_space<hbm>> -> memref<128xi32, #tpu.memory_space<hbm>>
        %dma_wait3A_46 = tpu.memref_slice %arg4[%add3A] : memref<327680xi32, #tpu.memory_space<hbm>> -> memref<128xi32, #tpu.memory_space<hbm>>
        tpu.wait_dma2 semaphore(%run_scoped3A : memref<!tpu.dma_semaphore, #tpu.memory_space<semaphore_mem>>) src(%dma_wait3A_46 : memref<128xi32, #tpu.memory_space<hbm>>) dst(%arg7 : memref<128xi32, #tpu.memory_space<vmem>>)
        tpu.yield
      }) : () -> ()
      %dma_start3A = arith.constant 0 : i32
      %dma_start3A_39 = arith.constant 0 : i32
      %dma_start3A_40 = tpu.memref_slice %arg2[%dma_start3A, %dma_start3A_39] : memref<20000x128xf32, #tpu.memory_space<hbm>> -> memref<20000x128xf32, #tpu.memory_space<hbm>>
      tpu.enqueue_indirect_dma source(%dma_start3A_40 : memref<20000x128xf32, #tpu.memory_space<hbm>>) target(%arg8 : memref<128x128xf32, #tpu.memory_space<vmem>>) offsets(%arg6 : memref<128xi32, #tpu.memory_space<vmem>>) semaphore(%arg11 : memref<!tpu.dma_semaphore, #tpu.memory_space<semaphore_mem>>)
      %dma_wait3A = arith.constant 0 : i32
      %dma_wait3A_41 = arith.constant 0 : i32
      %dma_wait3A_42 = tpu.memref_slice %arg2[%dma_wait3A, %dma_wait3A_41] : memref<20000x128xf32, #tpu.memory_space<hbm>> -> memref<20000x128xf32, #tpu.memory_space<hbm>>
      tpu.wait_indirect_dma semaphore(%arg11 : memref<!tpu.dma_semaphore, #tpu.memory_space<semaphore_mem>>) src(%dma_wait3A_42 : memref<20000x128xf32, #tpu.memory_space<hbm>>) dst(%arg8 : memref<128x128xf32, #tpu.memory_space<vmem>>)
      "tpu.region"() ({
        %run_scoped3A = tpu.sem_alloc : memref<!tpu.dma_semaphore, #tpu.memory_space<semaphore_mem>>
        %dma_start3A_43 = arith.constant 0 : i32
        %dma_start3A_44 = arith.constant 0 : i32
        %dma_start3A_45 = tpu.memref_slice %arg10[%dma_start3A_43, %dma_start3A_44] : memref<10016x128xf32, #tpu.memory_space<vmem_shared>> -> memref<10016x128xf32, #tpu.memory_space<vmem_shared>>
        tpu.enqueue_indirect_dma source(%arg8 : memref<128x128xf32, #tpu.memory_space<vmem>>) target(%dma_start3A_45 : memref<10016x128xf32, #tpu.memory_space<vmem_shared>>) offsets(%arg7 : memref<128xi32, #tpu.memory_space<vmem>>) semaphore(%run_scoped3A : memref<!tpu.dma_semaphore, #tpu.memory_space<semaphore_mem>>) {add = true}
        %dma_wait3A_46 = arith.constant 0 : i32
        %dma_wait3A_47 = arith.constant 0 : i32
        %dma_wait3A_48 = tpu.memref_slice %arg10[%dma_wait3A_46, %dma_wait3A_47] : memref<10016x128xf32, #tpu.memory_space<vmem_shared>> -> memref<10016x128xf32, #tpu.memory_space<vmem_shared>>
        tpu.wait_indirect_dma semaphore(%run_scoped3A : memref<!tpu.dma_semaphore, #tpu.memory_space<semaphore_mem>>) src(%arg8 : memref<128x128xf32, #tpu.memory_space<vmem>>) dst(%dma_wait3A_48 : memref<10016x128xf32, #tpu.memory_space<vmem_shared>>)
        tpu.yield
      }) : () -> ()
    }
    %scan3A_24 = arith.constant 160 : i32
    %barrier3A_25 = arith.constant 0 : index
    tpu.barrier barrier_id(%barrier3A_25)
    %mul3A_26 = arith.constant 10000 : i32
    %mul3A_27 = arith.muli %arg0, %mul3A_26 : i32
    %lt3A_28 = arith.constant 15 : i32
    %lt3A_29 = arith.cmpi slt, %arg1, %lt3A_28 : i32
    %convert_element_type3A = arith.extui %lt3A_29 : i1 to i32
    %cond3A = arith.constant 0 : i32
    %cond3A_30 = arith.cmpi ne, %convert_element_type3A, %cond3A : i32
    scf.if %cond3A_30 {
      %mul3A_35 = arith.constant 640 : i32
      %mul3A_36 = arith.muli %arg1, %mul3A_35 : i32
      %add3A = arith.addi %mul3A_27, %mul3A_36 : i32
      "tpu.region"() ({
        %run_scoped3A = tpu.sem_alloc : memref<!tpu.dma_semaphore, #tpu.memory_space<semaphore_mem>>
        %dma_start3A = arith.constant 0 : i32
        %dma_start3A_37 = tpu.memref_slice %arg5[%add3A, %dma_start3A] : memref<20000x128xf32, #tpu.memory_space<hbm>> -> memref<640x128xf32, #tpu.memory_space<hbm>>
        %dma_start3A_38 = arith.constant 0 : i32
        %dma_start3A_39 = tpu.memref_slice %arg10[%mul3A_36, %dma_start3A_38] : memref<10016x128xf32, #tpu.memory_space<vmem_shared>> -> memref<640x128xf32, #tpu.memory_space<vmem_shared>>
        tpu.enqueue_dma source(%dma_start3A_39 : memref<640x128xf32, #tpu.memory_space<vmem_shared>>) target(%dma_start3A_37 : memref<640x128xf32, #tpu.memory_space<hbm>>) target_semaphore(%run_scoped3A : memref<!tpu.dma_semaphore, #tpu.memory_space<semaphore_mem>>)
        %dma_wait3A = arith.constant 0 : i32
        %dma_wait3A_40 = tpu.memref_slice %arg5[%add3A, %dma_wait3A] : memref<20000x128xf32, #tpu.memory_space<hbm>> -> memref<640x128xf32, #tpu.memory_space<hbm>>
        %dma_wait3A_41 = arith.constant 0 : i32
        %dma_wait3A_42 = tpu.memref_slice %arg10[%mul3A_36, %dma_wait3A_41] : memref<10016x128xf32, #tpu.memory_space<vmem_shared>> -> memref<640x128xf32, #tpu.memory_space<vmem_shared>>
        tpu.wait_dma2 semaphore(%run_scoped3A : memref<!tpu.dma_semaphore, #tpu.memory_space<semaphore_mem>>) src(%dma_wait3A_42 : memref<640x128xf32, #tpu.memory_space<vmem_shared>>) dst(%dma_wait3A_40 : memref<640x128xf32, #tpu.memory_space<hbm>>)
        tpu.yield
      }) : () -> ()
    } else {
    }
    %eq3A = arith.constant 15 : i32
    %eq3A_31 = arith.cmpi eq, %arg1, %eq3A : i32
    %convert_element_type3A_32 = arith.extui %eq3A_31 : i1 to i32
    %cond3A_33 = arith.constant 0 : i32
    %cond3A_34 = arith.cmpi ne, %convert_element_type3A_32, %cond3A_33 : i32
    scf.if %cond3A_34 {
      %add3A = arith.constant 9600 : i32
      %add3A_35 = arith.addi %mul3A_27, %add3A : i32
      "tpu.region"() ({
        %run_scoped3A = tpu.sem_alloc : memref<!tpu.dma_semaphore, #tpu.memory_space<semaphore_mem>>
        %dma_start3A = arith.constant 0 : i32
        %dma_start3A_36 = tpu.memref_slice %arg5[%add3A_35, %dma_start3A] : memref<20000x128xf32, #tpu.memory_space<hbm>> -> memref<400x128xf32, #tpu.memory_space<hbm>>
        %dma_start3A_37 = arith.constant 9600 : i32
        %dma_start3A_38 = arith.constant 0 : i32
        %dma_start3A_39 = tpu.memref_slice %arg10[%dma_start3A_37, %dma_start3A_38] : memref<10016x128xf32, #tpu.memory_space<vmem_shared>> -> memref<400x128xf32, #tpu.memory_space<vmem_shared>>
        tpu.enqueue_dma source(%dma_start3A_39 : memref<400x128xf32, #tpu.memory_space<vmem_shared>>) target(%dma_start3A_36 : memref<400x128xf32, #tpu.memory_space<hbm>>) target_semaphore(%run_scoped3A : memref<!tpu.dma_semaphore, #tpu.memory_space<semaphore_mem>>)
        %dma_wait3A = arith.constant 0 : i32
        %dma_wait3A_40 = tpu.memref_slice %arg5[%add3A_35, %dma_wait3A] : memref<20000x128xf32, #tpu.memory_space<hbm>> -> memref<400x128xf32, #tpu.memory_space<hbm>>
        %dma_wait3A_41 = arith.constant 9600 : i32
        %dma_wait3A_42 = arith.constant 0 : i32
        %dma_wait3A_43 = tpu.memref_slice %arg10[%dma_wait3A_41, %dma_wait3A_42] : memref<10016x128xf32, #tpu.memory_space<vmem_shared>> -> memref<400x128xf32, #tpu.memory_space<vmem_shared>>
        tpu.wait_dma2 semaphore(%run_scoped3A : memref<!tpu.dma_semaphore, #tpu.memory_space<semaphore_mem>>) src(%dma_wait3A_43 : memref<400x128xf32, #tpu.memory_space<vmem_shared>>) dst(%dma_wait3A_40 : memref<400x128xf32, #tpu.memory_space<hbm>>)
        tpu.yield
      }) : () -> ()
    } else {
    }
    return
  }
}

#map = affine_map<(d0, d1) -> (0, 0)>
#map1 = affine_map<(d0, d1) -> (0)>
module attributes {stable_mosaic.version = 14 : i64} {
  func.func @_agg_pair(%arg0: i32, %arg1: i32, %arg2: memref<20000x128xf32, #tpu.memory_space<hbm>>, %arg3: memref<655360xi32, #tpu.memory_space<hbm>>, %arg4: memref<327680xi32, #tpu.memory_space<hbm>>, %arg5: memref<20000x128xf32, #tpu.memory_space<hbm>>, %arg6: memref<128xi32, #tpu.memory_space<vmem>>, %arg7: memref<128xi32, #tpu.memory_space<vmem>>, %arg8: memref<128x128xf32, #tpu.memory_space<vmem>>, %arg9: memref<16x128xf32, #tpu.memory_space<vmem>>, %arg10: memref<10016x128xf32, #tpu.memory_space<vmem_shared>>, %arg11: memref<!tpu.dma_semaphore, #tpu.memory_space<semaphore_mem>>) attributes {dimension_semantics = [#tpu.dimension_semantics<core_parallel>, #tpu.dimension_semantics<subcore_parallel>], iteration_bounds = array<i64: 2, 16>, scalar_prefetch = 0 : i64, scratch_operands = 6 : i64, tpu.core_type = #tpu.core_type<sc_vector_subcore>, window_params = [{transform_indices = #map}, {transform_indices = #map1}, {transform_indices = #map1}, {transform_indices = #map}]} {
    %broadcast_in_dim3A = arith.constant 0.000000e+00 : f32
    %broadcast_in_dim3A_0 = vector.broadcast %broadcast_in_dim3A : f32 to vector<16xf32>
    %scan3A = arith.constant 0 : i32
    %scan3A_1 = arith.constant 0 : i32
    %scan3A_2 = arith.constant 128 : i32
    %scan3A_3 = arith.addi %scan3A_1, %scan3A_2 : i32
    %scan3A_4 = arith.constant 1 : i32
    scf.for %scan3A_35 = %scan3A_1 to %scan3A_3 step %scan3A_4  : i32 {
      %jit3A_36 = arith.constant 8 : i32
      %div3A = arith.divsi %scan3A_35, %jit3A_36 : i32
      %sign3A = arith.constant 0 : i32
      %sign3A_37 = arith.cmpi sgt, %scan3A_35, %sign3A : i32
      %sign3A_38 = arith.extui %sign3A_37 : i1 to i32
      %sign3A_39 = arith.constant 0 : i32
      %sign3A_40 = arith.cmpi slt, %scan3A_35, %sign3A_39 : i32
      %sign3A_41 = arith.extui %sign3A_40 : i1 to i32
      %sign3A_42 = arith.subi %sign3A_38, %sign3A_41 : i32
      %sign3A_43 = arith.constant 0 : i32
      %sign3A_44 = arith.cmpi sgt, %jit3A_36, %sign3A_43 : i32
      %sign3A_45 = arith.extui %sign3A_44 : i1 to i32
      %sign3A_46 = arith.constant 0 : i32
      %sign3A_47 = arith.cmpi slt, %jit3A_36, %sign3A_46 : i32
      %sign3A_48 = arith.extui %sign3A_47 : i1 to i32
      %sign3A_49 = arith.subi %sign3A_45, %sign3A_48 : i32
      %ne3A = arith.cmpi ne, %sign3A_42, %sign3A_49 : i32
      %rem3A = arith.remsi %scan3A_35, %jit3A_36 : i32
      %ne3A_50 = arith.constant 0 : i32
      %ne3A_51 = arith.cmpi ne, %rem3A, %ne3A_50 : i32
      %and3A = arith.andi %ne3A, %ne3A_51 : i1
      %sub3A = arith.constant 1 : i32
      %sub3A_52 = arith.subi %div3A, %sub3A : i32
      %select_n3A_53 = arith.select %and3A, %sub3A_52, %div3A : i32
      %jit3A_54 = arith.constant 8 : i32
      %eq3A_55 = arith.constant 0 : i32
      %eq3A_56 = arith.cmpi eq, %jit3A_54, %eq3A_55 : i32
      %jit3A_57 = arith.constant 1 : i32
      %select_n3A_58 = arith.select %eq3A_56, %jit3A_57, %jit3A_54 : i32
      %rem3A_59 = arith.remsi %scan3A_35, %select_n3A_58 : i32
      %ne3A_60 = arith.constant 0 : i32
      %ne3A_61 = arith.cmpi ne, %rem3A_59, %ne3A_60 : i32
      %lt3A_62 = arith.constant 0 : i32
      %lt3A_63 = arith.cmpi slt, %rem3A_59, %lt3A_62 : i32
      %lt3A_64 = arith.constant 0 : i32
      %lt3A_65 = arith.cmpi slt, %select_n3A_58, %lt3A_64 : i32
      %ne3A_66 = arith.xori %lt3A_63, %lt3A_65 : i1
      %and3A_67 = arith.andi %ne3A_66, %ne3A_61 : i1
      %add3A = arith.addi %rem3A_59, %select_n3A_58 : i32
      %select_n3A_68 = arith.select %and3A_67, %add3A, %rem3A_59 : i32
      %mul3A_69 = arith.constant 16 : i32
      %mul3A_70 = arith.muli %select_n3A_68, %mul3A_69 : i32
      %swap3A = arith.index_cast %select_n3A_53 : i32 to index
      %swap3A_71 = arith.index_cast %mul3A_70 : i32 to index
      %swap3A_72 = tpu.vector_load %arg9[%swap3A, %swap3A_71] {strides = array<i32>} : memref<16x128xf32, #tpu.memory_space<vmem>>, vector<1x16xf32>,
      %swap3A_73 = vector.shape_cast %swap3A_72 : vector<1x16xf32> to vector<16xf32>
      %swap3A_74 = vector.shape_cast %broadcast_in_dim3A_0 : vector<16xf32> to vector<1x16xf32>
      tpu.vector_store %arg9[%swap3A, %swap3A_71], %swap3A_74 {strides = array<i32>} : memref<16x128xf32, #tpu.memory_space<vmem>>, vector<1x16xf32>,
    }
    %scan3A_5 = arith.constant 128 : i32
    %lt3A = arith.constant 15 : i32
    %lt3A_6 = arith.cmpi slt, %arg1, %lt3A : i32
    %jit3A = arith.constant 640 : i32
    %jit3A_7 = arith.constant 400 : i32
    %select_n3A = arith.select %lt3A_6, %jit3A, %jit3A_7 : i32
    %mul3A = arith.constant 640 : i32
    %mul3A_8 = arith.muli %arg1, %mul3A : i32
    %scan3A_9 = arith.constant 0 : i32
    %scan3A_10 = arith.constant 0 : i32
    %scan3A_11 = arith.constant 40 : i32
    %scan3A_12 = arith.addi %scan3A_10, %scan3A_11 : i32
    %scan3A_13 = arith.constant 1 : i32
    scf.for %scan3A_35 = %scan3A_10 to %scan3A_12 step %scan3A_13  : i32 {
      %mul3A_36 = arith.constant 16 : i32
      %mul3A_37 = arith.muli %scan3A_35, %mul3A_36 : i32
      %lt3A_38 = arith.cmpi slt, %mul3A_37, %select_n3A : i32
      %convert_element_type3A_39 = arith.extui %lt3A_38 : i1 to i32
      %cond3A_40 = arith.constant 0 : i32
      %cond3A_41 = arith.cmpi ne, %convert_element_type3A_39, %cond3A_40 : i32
      scf.if %cond3A_41 {
        %mul3A_42 = arith.constant 16 : i32
        %mul3A_43 = arith.muli %scan3A_35, %mul3A_42 : i32
        %add3A = arith.addi %mul3A_8, %mul3A_43 : i32
        "tpu.region"() ({
          %run_scoped3A = tpu.sem_alloc : memref<!tpu.dma_semaphore, #tpu.memory_space<semaphore_mem>>
          %dma_start3A = arith.constant 0 : i32
          %dma_start3A_44 = tpu.memref_slice %arg10[%add3A, %dma_start3A] : memref<10016x128xf32, #tpu.memory_space<vmem_shared>> -> memref<16x128xf32, #tpu.memory_space<vmem_shared>>
          %dma_start3A_45 = arith.constant 0 : i32
          %dma_start3A_46 = tpu.memref_slice %arg10[%add3A, %dma_start3A_45] : memref<10016x128xf32, #tpu.memory_space<vmem_shared>> -> memref<16x128xf32, #tpu.memory_space<vmem_shared>>
          tpu.enqueue_dma source(%arg9 : memref<16x128xf32, #tpu.memory_space<vmem>>) target(%dma_start3A_46 : memref<16x128xf32, #tpu.memory_space<vmem_shared>>) target_semaphore(%run_scoped3A : memref<!tpu.dma_semaphore, #tpu.memory_space<semaphore_mem>>)
          %dma_wait3A = arith.constant 0 : i32
          %dma_wait3A_47 = tpu.memref_slice %arg10[%add3A, %dma_wait3A] : memref<10016x128xf32, #tpu.memory_space<vmem_shared>> -> memref<16x128xf32, #tpu.memory_space<vmem_shared>>
          %dma_wait3A_48 = arith.constant 0 : i32
          %dma_wait3A_49 = tpu.memref_slice %arg10[%add3A, %dma_wait3A_48] : memref<10016x128xf32, #tpu.memory_space<vmem_shared>> -> memref<16x128xf32, #tpu.memory_space<vmem_shared>>
          tpu.wait_dma2 semaphore(%run_scoped3A : memref<!tpu.dma_semaphore, #tpu.memory_space<semaphore_mem>>) src(%arg9 : memref<16x128xf32, #tpu.memory_space<vmem>>) dst(%dma_wait3A_49 : memref<16x128xf32, #tpu.memory_space<vmem_shared>>)
          tpu.yield
        }) : () -> ()
      } else {
      }
    }
    %scan3A_14 = arith.constant 40 : i32
    %barrier3A = arith.constant 0 : index
    tpu.barrier barrier_id(%barrier3A)
    %mul3A_15 = arith.constant 20480 : i32
    %mul3A_16 = arith.muli %arg1, %mul3A_15 : i32
    %mul3A_17 = arith.constant 327680 : i32
    %mul3A_18 = arith.muli %arg0, %mul3A_17 : i32
    %scan3A_19 = arith.constant 0 : i32
    %scan3A_20 = arith.constant 0 : i32
    %scan3A_21 = arith.constant 160 : i32
    %scan3A_22 = arith.addi %scan3A_20, %scan3A_21 : i32
    %scan3A_23 = arith.constant 1 : i32
    scf.for %scan3A_35 = %scan3A_20 to %scan3A_22 step %scan3A_23  : i32 {
      %mul3A_36 = arith.constant 128 : i32
      %mul3A_37 = arith.muli %scan3A_35, %mul3A_36 : i32
      %add3A = arith.addi %mul3A_16, %mul3A_37 : i32
      %add3A_38 = arith.addi %mul3A_18, %add3A : i32
      "tpu.region"() ({
        %run_scoped3A = tpu.sem_alloc : memref<!tpu.dma_semaphore, #tpu.memory_space<semaphore_mem>>
        %dma_start3A_43 = tpu.memref_slice %arg3[%add3A_38] : memref<655360xi32, #tpu.memory_space<hbm>> -> memref<128xi32, #tpu.memory_space<hbm>>
        %dma_start3A_44 = tpu.memref_slice %arg3[%add3A_38] : memref<655360xi32, #tpu.memory_space<hbm>> -> memref<128xi32, #tpu.memory_space<hbm>>
        tpu.enqueue_dma source(%dma_start3A_44 : memref<128xi32, #tpu.memory_space<hbm>>) target(%arg6 : memref<128xi32, #tpu.memory_space<vmem>>) target_semaphore(%run_scoped3A : memref<!tpu.dma_semaphore, #tpu.memory_space<semaphore_mem>>)
        %dma_wait3A_45 = tpu.memref_slice %arg3[%add3A_38] : memref<655360xi32, #tpu.memory_space<hbm>> -> memref<128xi32, #tpu.memory_space<hbm>>
        %dma_wait3A_46 = tpu.memref_slice %arg3[%add3A_38] : memref<655360xi32, #tpu.memory_space<hbm>> -> memref<128xi32, #tpu.memory_space<hbm>>
        tpu.wait_dma2 semaphore(%run_scoped3A : memref<!tpu.dma_semaphore, #tpu.memory_space<semaphore_mem>>) src(%dma_wait3A_46 : memref<128xi32, #tpu.memory_space<hbm>>) dst(%arg6 : memref<128xi32, #tpu.memory_space<vmem>>)
        tpu.yield
      }) : () -> ()
      "tpu.region"() ({
        %run_scoped3A = tpu.sem_alloc : memref<!tpu.dma_semaphore, #tpu.memory_space<semaphore_mem>>
        %dma_start3A_43 = tpu.memref_slice %arg4[%add3A] : memref<327680xi32, #tpu.memory_space<hbm>> -> memref<128xi32, #tpu.memory_space<hbm>>
        %dma_start3A_44 = tpu.memref_slice %arg4[%add3A] : memref<327680xi32, #tpu.memory_space<hbm>> -> memref<128xi32, #tpu.memory_space<hbm>>
        tpu.enqueue_dma source(%dma_start3A_44 : memref<128xi32, #tpu.memory_space<hbm>>) target(%arg7 : memref<128xi32, #tpu.memory_space<vmem>>) target_semaphore(%run_scoped3A : memref<!tpu.dma_semaphore, #tpu.memory_space<semaphore_mem>>)
        %dma_wait3A_45 = tpu.memref_slice %arg4[%add3A] : memref<327680xi32, #tpu.memory_space<hbm>> -> memref<128xi32, #tpu.memory_space<hbm>>
        %dma_wait3A_46 = tpu.memref_slice %arg4[%add3A] : memref<327680xi32, #tpu.memory_space<hbm>> -> memref<128xi32, #tpu.memory_space<hbm>>
        tpu.wait_dma2 semaphore(%run_scoped3A : memref<!tpu.dma_semaphore, #tpu.memory_space<semaphore_mem>>) src(%dma_wait3A_46 : memref<128xi32, #tpu.memory_space<hbm>>) dst(%arg7 : memref<128xi32, #tpu.memory_space<vmem>>)
        tpu.yield
      }) : () -> ()
      %dma_start3A = arith.constant 0 : i32
      %dma_start3A_39 = arith.constant 0 : i32
      %dma_start3A_40 = tpu.memref_slice %arg2[%dma_start3A, %dma_start3A_39] : memref<20000x128xf32, #tpu.memory_space<hbm>> -> memref<20000x128xf32, #tpu.memory_space<hbm>>
      tpu.enqueue_indirect_dma source(%dma_start3A_40 : memref<20000x128xf32, #tpu.memory_space<hbm>>) target(%arg8 : memref<128x128xf32, #tpu.memory_space<vmem>>) offsets(%arg6 : memref<128xi32, #tpu.memory_space<vmem>>) semaphore(%arg11 : memref<!tpu.dma_semaphore, #tpu.memory_space<semaphore_mem>>)
      %dma_wait3A = arith.constant 0 : i32
      %dma_wait3A_41 = arith.constant 0 : i32
      %dma_wait3A_42 = tpu.memref_slice %arg2[%dma_wait3A, %dma_wait3A_41] : memref<20000x128xf32, #tpu.memory_space<hbm>> -> memref<20000x128xf32, #tpu.memory_space<hbm>>
      tpu.wait_indirect_dma semaphore(%arg11 : memref<!tpu.dma_semaphore, #tpu.memory_space<semaphore_mem>>) src(%dma_wait3A_42 : memref<20000x128xf32, #tpu.memory_space<hbm>>) dst(%arg8 : memref<128x128xf32, #tpu.memory_space<vmem>>)
      "tpu.region"() ({
        %run_scoped3A = tpu.sem_alloc : memref<!tpu.dma_semaphore, #tpu.memory_space<semaphore_mem>>
        %dma_start3A_43 = arith.constant 0 : i32
        %dma_start3A_44 = arith.constant 0 : i32
        %dma_start3A_45 = tpu.memref_slice %arg10[%dma_start3A_43, %dma_start3A_44] : memref<10016x128xf32, #tpu.memory_space<vmem_shared>> -> memref<10016x128xf32, #tpu.memory_space<vmem_shared>>
        tpu.enqueue_indirect_dma source(%arg8 : memref<128x128xf32, #tpu.memory_space<vmem>>) target(%dma_start3A_45 : memref<10016x128xf32, #tpu.memory_space<vmem_shared>>) offsets(%arg7 : memref<128xi32, #tpu.memory_space<vmem>>) semaphore(%run_scoped3A : memref<!tpu.dma_semaphore, #tpu.memory_space<semaphore_mem>>) {add = true}
        %dma_wait3A_46 = arith.constant 0 : i32
        %dma_wait3A_47 = arith.constant 0 : i32
        %dma_wait3A_48 = tpu.memref_slice %arg10[%dma_wait3A_46, %dma_wait3A_47] : memref<10016x128xf32, #tpu.memory_space<vmem_shared>> -> memref<10016x128xf32, #tpu.memory_space<vmem_shared>>
        tpu.wait_indirect_dma semaphore(%run_scoped3A : memref<!tpu.dma_semaphore, #tpu.memory_space<semaphore_mem>>) src(%arg8 : memref<128x128xf32, #tpu.memory_space<vmem>>) dst(%dma_wait3A_48 : memref<10016x128xf32, #tpu.memory_space<vmem_shared>>)
        tpu.yield
      }) : () -> ()
    }
    %scan3A_24 = arith.constant 160 : i32
    %barrier3A_25 = arith.constant 0 : index
    tpu.barrier barrier_id(%barrier3A_25)
    %mul3A_26 = arith.constant 10000 : i32
    %mul3A_27 = arith.muli %arg0, %mul3A_26 : i32
    %lt3A_28 = arith.constant 15 : i32
    %lt3A_29 = arith.cmpi slt, %arg1, %lt3A_28 : i32
    %convert_element_type3A = arith.extui %lt3A_29 : i1 to i32
    %cond3A = arith.constant 0 : i32
    %cond3A_30 = arith.cmpi ne, %convert_element_type3A, %cond3A : i32
    scf.if %cond3A_30 {
      %mul3A_35 = arith.constant 640 : i32
      %mul3A_36 = arith.muli %arg1, %mul3A_35 : i32
      %add3A = arith.addi %mul3A_27, %mul3A_36 : i32
      "tpu.region"() ({
        %run_scoped3A = tpu.sem_alloc : memref<!tpu.dma_semaphore, #tpu.memory_space<semaphore_mem>>
        %dma_start3A = arith.constant 0 : i32
        %dma_start3A_37 = tpu.memref_slice %arg5[%add3A, %dma_start3A] : memref<20000x128xf32, #tpu.memory_space<hbm>> -> memref<640x128xf32, #tpu.memory_space<hbm>>
        %dma_start3A_38 = arith.constant 0 : i32
        %dma_start3A_39 = tpu.memref_slice %arg10[%mul3A_36, %dma_start3A_38] : memref<10016x128xf32, #tpu.memory_space<vmem_shared>> -> memref<640x128xf32, #tpu.memory_space<vmem_shared>>
        tpu.enqueue_dma source(%dma_start3A_39 : memref<640x128xf32, #tpu.memory_space<vmem_shared>>) target(%dma_start3A_37 : memref<640x128xf32, #tpu.memory_space<hbm>>) target_semaphore(%run_scoped3A : memref<!tpu.dma_semaphore, #tpu.memory_space<semaphore_mem>>)
        %dma_wait3A = arith.constant 0 : i32
        %dma_wait3A_40 = tpu.memref_slice %arg5[%add3A, %dma_wait3A] : memref<20000x128xf32, #tpu.memory_space<hbm>> -> memref<640x128xf32, #tpu.memory_space<hbm>>
        %dma_wait3A_41 = arith.constant 0 : i32
        %dma_wait3A_42 = tpu.memref_slice %arg10[%mul3A_36, %dma_wait3A_41] : memref<10016x128xf32, #tpu.memory_space<vmem_shared>> -> memref<640x128xf32, #tpu.memory_space<vmem_shared>>
        tpu.wait_dma2 semaphore(%run_scoped3A : memref<!tpu.dma_semaphore, #tpu.memory_space<semaphore_mem>>) src(%dma_wait3A_42 : memref<640x128xf32, #tpu.memory_space<vmem_shared>>) dst(%dma_wait3A_40 : memref<640x128xf32, #tpu.memory_space<hbm>>)
        tpu.yield
      }) : () -> ()
    } else {
    }
    %eq3A = arith.constant 15 : i32
    %eq3A_31 = arith.cmpi eq, %arg1, %eq3A : i32
    %convert_element_type3A_32 = arith.extui %eq3A_31 : i1 to i32
    %cond3A_33 = arith.constant 0 : i32
    %cond3A_34 = arith.cmpi ne, %convert_element_type3A_32, %cond3A_33 : i32
    scf.if %cond3A_34 {
      %add3A = arith.constant 9600 : i32
      %add3A_35 = arith.addi %mul3A_27, %add3A : i32
      "tpu.region"() ({
        %run_scoped3A = tpu.sem_alloc : memref<!tpu.dma_semaphore, #tpu.memory_space<semaphore_mem>>
        %dma_start3A = arith.constant 0 : i32
        %dma_start3A_36 = tpu.memref_slice %arg5[%add3A_35, %dma_start3A] : memref<20000x128xf32, #tpu.memory_space<hbm>> -> memref<400x128xf32, #tpu.memory_space<hbm>>
        %dma_start3A_37 = arith.constant 9600 : i32
        %dma_start3A_38 = arith.constant 0 : i32
        %dma_start3A_39 = tpu.memref_slice %arg10[%dma_start3A_37, %dma_start3A_38] : memref<10016x128xf32, #tpu.memory_space<vmem_shared>> -> memref<400x128xf32, #tpu.memory_space<vmem_shared>>
        tpu.enqueue_dma source(%dma_start3A_39 : memref<400x128xf32, #tpu.memory_space<vmem_shared>>) target(%dma_start3A_36 : memref<400x128xf32, #tpu.memory_space<hbm>>) target_semaphore(%run_scoped3A : memref<!tpu.dma_semaphore, #tpu.memory_space<semaphore_mem>>)
        %dma_wait3A = arith.constant 0 : i32
        %dma_wait3A_40 = tpu.memref_slice %arg5[%add3A_35, %dma_wait3A] : memref<20000x128xf32, #tpu.memory_space<hbm>> -> memref<400x128xf32, #tpu.memory_space<hbm>>
        %dma_wait3A_41 = arith.constant 9600 : i32
        %dma_wait3A_42 = arith.constant 0 : i32
        %dma_wait3A_43 = tpu.memref_slice %arg10[%dma_wait3A_41, %dma_wait3A_42] : memref<10016x128xf32, #tpu.memory_space<vmem_shared>> -> memref<400x128xf32, #tpu.memory_space<vmem_shared>>
        tpu.wait_dma2 semaphore(%run_scoped3A : memref<!tpu.dma_semaphore, #tpu.memory_space<semaphore_mem>>) src(%dma_wait3A_43 : memref<400x128xf32, #tpu.memory_space<vmem_shared>>) dst(%dma_wait3A_40 : memref<400x128xf32, #tpu.memory_space<hbm>>)
        tpu.yield
      }) : () -> ()
    } else {
    }
    return
  }
}

#map = affine_map<(d0, d1) -> (0, 0)>
#map1 = affine_map<(d0, d1) -> (0)>
module attributes {stable_mosaic.version = 14 : i64} {
  func.func @_agg_single(%arg0: i32, %arg1: i32, %arg2: memref<10000x128xf32, #tpu.memory_space<hbm>>, %arg3: memref<327680xi32, #tpu.memory_space<hbm>>, %arg4: memref<327680xi32, #tpu.memory_space<hbm>>, %arg5: memref<20000x128xf32, #tpu.memory_space<hbm>>, %arg6: memref<128xi32, #tpu.memory_space<vmem>>, %arg7: memref<128xi32, #tpu.memory_space<vmem>>, %arg8: memref<128x128xf32, #tpu.memory_space<vmem>>, %arg9: memref<16x128xf32, #tpu.memory_space<vmem>>, %arg10: memref<10016x128xf32, #tpu.memory_space<vmem_shared>>, %arg11: memref<!tpu.dma_semaphore, #tpu.memory_space<semaphore_mem>>) attributes {dimension_semantics = [#tpu.dimension_semantics<core_parallel>, #tpu.dimension_semantics<subcore_parallel>], iteration_bounds = array<i64: 2, 16>, scalar_prefetch = 0 : i64, scratch_operands = 6 : i64, tpu.core_type = #tpu.core_type<sc_vector_subcore>, window_params = [{transform_indices = #map}, {transform_indices = #map1}, {transform_indices = #map1}, {transform_indices = #map}]} {
    %broadcast_in_dim3A = arith.constant 0.000000e+00 : f32
    %broadcast_in_dim3A_0 = vector.broadcast %broadcast_in_dim3A : f32 to vector<16xf32>
    %scan3A = arith.constant 0 : i32
    %scan3A_1 = arith.constant 0 : i32
    %scan3A_2 = arith.constant 128 : i32
    %scan3A_3 = arith.addi %scan3A_1, %scan3A_2 : i32
    %scan3A_4 = arith.constant 1 : i32
    scf.for %scan3A_35 = %scan3A_1 to %scan3A_3 step %scan3A_4  : i32 {
      %jit3A_36 = arith.constant 8 : i32
      %div3A = arith.divsi %scan3A_35, %jit3A_36 : i32
      %sign3A = arith.constant 0 : i32
      %sign3A_37 = arith.cmpi sgt, %scan3A_35, %sign3A : i32
      %sign3A_38 = arith.extui %sign3A_37 : i1 to i32
      %sign3A_39 = arith.constant 0 : i32
      %sign3A_40 = arith.cmpi slt, %scan3A_35, %sign3A_39 : i32
      %sign3A_41 = arith.extui %sign3A_40 : i1 to i32
      %sign3A_42 = arith.subi %sign3A_38, %sign3A_41 : i32
      %sign3A_43 = arith.constant 0 : i32
      %sign3A_44 = arith.cmpi sgt, %jit3A_36, %sign3A_43 : i32
      %sign3A_45 = arith.extui %sign3A_44 : i1 to i32
      %sign3A_46 = arith.constant 0 : i32
      %sign3A_47 = arith.cmpi slt, %jit3A_36, %sign3A_46 : i32
      %sign3A_48 = arith.extui %sign3A_47 : i1 to i32
      %sign3A_49 = arith.subi %sign3A_45, %sign3A_48 : i32
      %ne3A = arith.cmpi ne, %sign3A_42, %sign3A_49 : i32
      %rem3A = arith.remsi %scan3A_35, %jit3A_36 : i32
      %ne3A_50 = arith.constant 0 : i32
      %ne3A_51 = arith.cmpi ne, %rem3A, %ne3A_50 : i32
      %and3A = arith.andi %ne3A, %ne3A_51 : i1
      %sub3A = arith.constant 1 : i32
      %sub3A_52 = arith.subi %div3A, %sub3A : i32
      %select_n3A_53 = arith.select %and3A, %sub3A_52, %div3A : i32
      %jit3A_54 = arith.constant 8 : i32
      %eq3A_55 = arith.constant 0 : i32
      %eq3A_56 = arith.cmpi eq, %jit3A_54, %eq3A_55 : i32
      %jit3A_57 = arith.constant 1 : i32
      %select_n3A_58 = arith.select %eq3A_56, %jit3A_57, %jit3A_54 : i32
      %rem3A_59 = arith.remsi %scan3A_35, %select_n3A_58 : i32
      %ne3A_60 = arith.constant 0 : i32
      %ne3A_61 = arith.cmpi ne, %rem3A_59, %ne3A_60 : i32
      %lt3A_62 = arith.constant 0 : i32
      %lt3A_63 = arith.cmpi slt, %rem3A_59, %lt3A_62 : i32
      %lt3A_64 = arith.constant 0 : i32
      %lt3A_65 = arith.cmpi slt, %select_n3A_58, %lt3A_64 : i32
      %ne3A_66 = arith.xori %lt3A_63, %lt3A_65 : i1
      %and3A_67 = arith.andi %ne3A_66, %ne3A_61 : i1
      %add3A_68 = arith.addi %rem3A_59, %select_n3A_58 : i32
      %select_n3A_69 = arith.select %and3A_67, %add3A_68, %rem3A_59 : i32
      %mul3A_70 = arith.constant 16 : i32
      %mul3A_71 = arith.muli %select_n3A_69, %mul3A_70 : i32
      %swap3A = arith.index_cast %select_n3A_53 : i32 to index
      %swap3A_72 = arith.index_cast %mul3A_71 : i32 to index
      %swap3A_73 = tpu.vector_load %arg9[%swap3A, %swap3A_72] {strides = array<i32>} : memref<16x128xf32, #tpu.memory_space<vmem>>, vector<1x16xf32>,
      %swap3A_74 = vector.shape_cast %swap3A_73 : vector<1x16xf32> to vector<16xf32>
      %swap3A_75 = vector.shape_cast %broadcast_in_dim3A_0 : vector<16xf32> to vector<1x16xf32>
      tpu.vector_store %arg9[%swap3A, %swap3A_72], %swap3A_75 {strides = array<i32>} : memref<16x128xf32, #tpu.memory_space<vmem>>, vector<1x16xf32>,
    }
    %scan3A_5 = arith.constant 128 : i32
    %lt3A = arith.constant 15 : i32
    %lt3A_6 = arith.cmpi slt, %arg1, %lt3A : i32
    %jit3A = arith.constant 640 : i32
    %jit3A_7 = arith.constant 400 : i32
    %select_n3A = arith.select %lt3A_6, %jit3A, %jit3A_7 : i32
    %mul3A = arith.constant 640 : i32
    %mul3A_8 = arith.muli %arg1, %mul3A : i32
    %scan3A_9 = arith.constant 0 : i32
    %scan3A_10 = arith.constant 0 : i32
    %scan3A_11 = arith.constant 40 : i32
    %scan3A_12 = arith.addi %scan3A_10, %scan3A_11 : i32
    %scan3A_13 = arith.constant 1 : i32
    scf.for %scan3A_35 = %scan3A_10 to %scan3A_12 step %scan3A_13  : i32 {
      %mul3A_36 = arith.constant 16 : i32
      %mul3A_37 = arith.muli %scan3A_35, %mul3A_36 : i32
      %lt3A_38 = arith.cmpi slt, %mul3A_37, %select_n3A : i32
      %convert_element_type3A_39 = arith.extui %lt3A_38 : i1 to i32
      %cond3A_40 = arith.constant 0 : i32
      %cond3A_41 = arith.cmpi ne, %convert_element_type3A_39, %cond3A_40 : i32
      scf.if %cond3A_41 {
        %mul3A_42 = arith.constant 16 : i32
        %mul3A_43 = arith.muli %scan3A_35, %mul3A_42 : i32
        %add3A_44 = arith.addi %mul3A_8, %mul3A_43 : i32
        "tpu.region"() ({
          %run_scoped3A = tpu.sem_alloc : memref<!tpu.dma_semaphore, #tpu.memory_space<semaphore_mem>>
          %dma_start3A = arith.constant 0 : i32
          %dma_start3A_45 = tpu.memref_slice %arg10[%add3A_44, %dma_start3A] : memref<10016x128xf32, #tpu.memory_space<vmem_shared>> -> memref<16x128xf32, #tpu.memory_space<vmem_shared>>
          %dma_start3A_46 = arith.constant 0 : i32
          %dma_start3A_47 = tpu.memref_slice %arg10[%add3A_44, %dma_start3A_46] : memref<10016x128xf32, #tpu.memory_space<vmem_shared>> -> memref<16x128xf32, #tpu.memory_space<vmem_shared>>
          tpu.enqueue_dma source(%arg9 : memref<16x128xf32, #tpu.memory_space<vmem>>) target(%dma_start3A_47 : memref<16x128xf32, #tpu.memory_space<vmem_shared>>) target_semaphore(%run_scoped3A : memref<!tpu.dma_semaphore, #tpu.memory_space<semaphore_mem>>)
          %dma_wait3A = arith.constant 0 : i32
          %dma_wait3A_48 = tpu.memref_slice %arg10[%add3A_44, %dma_wait3A] : memref<10016x128xf32, #tpu.memory_space<vmem_shared>> -> memref<16x128xf32, #tpu.memory_space<vmem_shared>>
          %dma_wait3A_49 = arith.constant 0 : i32
          %dma_wait3A_50 = tpu.memref_slice %arg10[%add3A_44, %dma_wait3A_49] : memref<10016x128xf32, #tpu.memory_space<vmem_shared>> -> memref<16x128xf32, #tpu.memory_space<vmem_shared>>
          tpu.wait_dma2 semaphore(%run_scoped3A : memref<!tpu.dma_semaphore, #tpu.memory_space<semaphore_mem>>) src(%arg9 : memref<16x128xf32, #tpu.memory_space<vmem>>) dst(%dma_wait3A_50 : memref<16x128xf32, #tpu.memory_space<vmem_shared>>)
          tpu.yield
        }) : () -> ()
      } else {
      }
    }
    %scan3A_14 = arith.constant 40 : i32
    %barrier3A = arith.constant 0 : index
    tpu.barrier barrier_id(%barrier3A)
    %mul3A_15 = arith.constant 2 : i32
    %mul3A_16 = arith.muli %arg1, %mul3A_15 : i32
    %add3A = arith.addi %mul3A_16, %arg0 : i32
    %mul3A_17 = arith.constant 10240 : i32
    %mul3A_18 = arith.muli %add3A, %mul3A_17 : i32
    %scan3A_19 = arith.constant 0 : i32
    %scan3A_20 = arith.constant 0 : i32
    %scan3A_21 = arith.constant 80 : i32
    %scan3A_22 = arith.addi %scan3A_20, %scan3A_21 : i32
    %scan3A_23 = arith.constant 1 : i32
    scf.for %scan3A_35 = %scan3A_20 to %scan3A_22 step %scan3A_23  : i32 {
      %mul3A_36 = arith.constant 128 : i32
      %mul3A_37 = arith.muli %scan3A_35, %mul3A_36 : i32
      %add3A_38 = arith.addi %mul3A_18, %mul3A_37 : i32
      %add3A_39 = arith.constant 0 : i32
      %add3A_40 = arith.addi %add3A_39, %add3A_38 : i32
      "tpu.region"() ({
        %run_scoped3A = tpu.sem_alloc : memref<!tpu.dma_semaphore, #tpu.memory_space<semaphore_mem>>
        %dma_start3A_45 = tpu.memref_slice %arg3[%add3A_40] : memref<327680xi32, #tpu.memory_space<hbm>> -> memref<128xi32, #tpu.memory_space<hbm>>
        %dma_start3A_46 = tpu.memref_slice %arg3[%add3A_40] : memref<327680xi32, #tpu.memory_space<hbm>> -> memref<128xi32, #tpu.memory_space<hbm>>
        tpu.enqueue_dma source(%dma_start3A_46 : memref<128xi32, #tpu.memory_space<hbm>>) target(%arg6 : memref<128xi32, #tpu.memory_space<vmem>>) target_semaphore(%run_scoped3A : memref<!tpu.dma_semaphore, #tpu.memory_space<semaphore_mem>>)
        %dma_wait3A_47 = tpu.memref_slice %arg3[%add3A_40] : memref<327680xi32, #tpu.memory_space<hbm>> -> memref<128xi32, #tpu.memory_space<hbm>>
        %dma_wait3A_48 = tpu.memref_slice %arg3[%add3A_40] : memref<327680xi32, #tpu.memory_space<hbm>> -> memref<128xi32, #tpu.memory_space<hbm>>
        tpu.wait_dma2 semaphore(%run_scoped3A : memref<!tpu.dma_semaphore, #tpu.memory_space<semaphore_mem>>) src(%dma_wait3A_48 : memref<128xi32, #tpu.memory_space<hbm>>) dst(%arg6 : memref<128xi32, #tpu.memory_space<vmem>>)
        tpu.yield
      }) : () -> ()
      "tpu.region"() ({
        %run_scoped3A = tpu.sem_alloc : memref<!tpu.dma_semaphore, #tpu.memory_space<semaphore_mem>>
        %dma_start3A_45 = tpu.memref_slice %arg4[%add3A_38] : memref<327680xi32, #tpu.memory_space<hbm>> -> memref<128xi32, #tpu.memory_space<hbm>>
        %dma_start3A_46 = tpu.memref_slice %arg4[%add3A_38] : memref<327680xi32, #tpu.memory_space<hbm>> -> memref<128xi32, #tpu.memory_space<hbm>>
        tpu.enqueue_dma source(%dma_start3A_46 : memref<128xi32, #tpu.memory_space<hbm>>) target(%arg7 : memref<128xi32, #tpu.memory_space<vmem>>) target_semaphore(%run_scoped3A : memref<!tpu.dma_semaphore, #tpu.memory_space<semaphore_mem>>)
        %dma_wait3A_47 = tpu.memref_slice %arg4[%add3A_38] : memref<327680xi32, #tpu.memory_space<hbm>> -> memref<128xi32, #tpu.memory_space<hbm>>
        %dma_wait3A_48 = tpu.memref_slice %arg4[%add3A_38] : memref<327680xi32, #tpu.memory_space<hbm>> -> memref<128xi32, #tpu.memory_space<hbm>>
        tpu.wait_dma2 semaphore(%run_scoped3A : memref<!tpu.dma_semaphore, #tpu.memory_space<semaphore_mem>>) src(%dma_wait3A_48 : memref<128xi32, #tpu.memory_space<hbm>>) dst(%arg7 : memref<128xi32, #tpu.memory_space<vmem>>)
        tpu.yield
      }) : () -> ()
      %dma_start3A = arith.constant 0 : i32
      %dma_start3A_41 = arith.constant 0 : i32
      %dma_start3A_42 = tpu.memref_slice %arg2[%dma_start3A, %dma_start3A_41] : memref<10000x128xf32, #tpu.memory_space<hbm>> -> memref<10000x128xf32, #tpu.memory_space<hbm>>
      tpu.enqueue_indirect_dma source(%dma_start3A_42 : memref<10000x128xf32, #tpu.memory_space<hbm>>) target(%arg8 : memref<128x128xf32, #tpu.memory_space<vmem>>) offsets(%arg6 : memref<128xi32, #tpu.memory_space<vmem>>) semaphore(%arg11 : memref<!tpu.dma_semaphore, #tpu.memory_space<semaphore_mem>>)
      %dma_wait3A = arith.constant 0 : i32
      %dma_wait3A_43 = arith.constant 0 : i32
      %dma_wait3A_44 = tpu.memref_slice %arg2[%dma_wait3A, %dma_wait3A_43] : memref<10000x128xf32, #tpu.memory_space<hbm>> -> memref<10000x128xf32, #tpu.memory_space<hbm>>
      tpu.wait_indirect_dma semaphore(%arg11 : memref<!tpu.dma_semaphore, #tpu.memory_space<semaphore_mem>>) src(%dma_wait3A_44 : memref<10000x128xf32, #tpu.memory_space<hbm>>) dst(%arg8 : memref<128x128xf32, #tpu.memory_space<vmem>>)
      "tpu.region"() ({
        %run_scoped3A = tpu.sem_alloc : memref<!tpu.dma_semaphore, #tpu.memory_space<semaphore_mem>>
        %dma_start3A_45 = arith.constant 0 : i32
        %dma_start3A_46 = arith.constant 0 : i32
        %dma_start3A_47 = tpu.memref_slice %arg10[%dma_start3A_45, %dma_start3A_46] : memref<10016x128xf32, #tpu.memory_space<vmem_shared>> -> memref<10016x128xf32, #tpu.memory_space<vmem_shared>>
        tpu.enqueue_indirect_dma source(%arg8 : memref<128x128xf32, #tpu.memory_space<vmem>>) target(%dma_start3A_47 : memref<10016x128xf32, #tpu.memory_space<vmem_shared>>) offsets(%arg7 : memref<128xi32, #tpu.memory_space<vmem>>) semaphore(%run_scoped3A : memref<!tpu.dma_semaphore, #tpu.memory_space<semaphore_mem>>) {add = true}
        %dma_wait3A_48 = arith.constant 0 : i32
        %dma_wait3A_49 = arith.constant 0 : i32
        %dma_wait3A_50 = tpu.memref_slice %arg10[%dma_wait3A_48, %dma_wait3A_49] : memref<10016x128xf32, #tpu.memory_space<vmem_shared>> -> memref<10016x128xf32, #tpu.memory_space<vmem_shared>>
        tpu.wait_indirect_dma semaphore(%run_scoped3A : memref<!tpu.dma_semaphore, #tpu.memory_space<semaphore_mem>>) src(%arg8 : memref<128x128xf32, #tpu.memory_space<vmem>>) dst(%dma_wait3A_50 : memref<10016x128xf32, #tpu.memory_space<vmem_shared>>)
        tpu.yield
      }) : () -> ()
    }
    %scan3A_24 = arith.constant 80 : i32
    %barrier3A_25 = arith.constant 0 : index
    tpu.barrier barrier_id(%barrier3A_25)
    %mul3A_26 = arith.constant 10000 : i32
    %mul3A_27 = arith.muli %arg0, %mul3A_26 : i32
    %lt3A_28 = arith.constant 15 : i32
    %lt3A_29 = arith.cmpi slt, %arg1, %lt3A_28 : i32
    %convert_element_type3A = arith.extui %lt3A_29 : i1 to i32
    %cond3A = arith.constant 0 : i32
    %cond3A_30 = arith.cmpi ne, %convert_element_type3A, %cond3A : i32
    scf.if %cond3A_30 {
      %mul3A_35 = arith.constant 640 : i32
      %mul3A_36 = arith.muli %arg1, %mul3A_35 : i32
      %add3A_37 = arith.addi %mul3A_27, %mul3A_36 : i32
      "tpu.region"() ({
        %run_scoped3A = tpu.sem_alloc : memref<!tpu.dma_semaphore, #tpu.memory_space<semaphore_mem>>
        %dma_start3A = arith.constant 0 : i32
        %dma_start3A_38 = tpu.memref_slice %arg5[%add3A_37, %dma_start3A] : memref<20000x128xf32, #tpu.memory_space<hbm>> -> memref<640x128xf32, #tpu.memory_space<hbm>>
        %dma_start3A_39 = arith.constant 0 : i32
        %dma_start3A_40 = tpu.memref_slice %arg10[%mul3A_36, %dma_start3A_39] : memref<10016x128xf32, #tpu.memory_space<vmem_shared>> -> memref<640x128xf32, #tpu.memory_space<vmem_shared>>
        tpu.enqueue_dma source(%dma_start3A_40 : memref<640x128xf32, #tpu.memory_space<vmem_shared>>) target(%dma_start3A_38 : memref<640x128xf32, #tpu.memory_space<hbm>>) target_semaphore(%run_scoped3A : memref<!tpu.dma_semaphore, #tpu.memory_space<semaphore_mem>>)
        %dma_wait3A = arith.constant 0 : i32
        %dma_wait3A_41 = tpu.memref_slice %arg5[%add3A_37, %dma_wait3A] : memref<20000x128xf32, #tpu.memory_space<hbm>> -> memref<640x128xf32, #tpu.memory_space<hbm>>
        %dma_wait3A_42 = arith.constant 0 : i32
        %dma_wait3A_43 = tpu.memref_slice %arg10[%mul3A_36, %dma_wait3A_42] : memref<10016x128xf32, #tpu.memory_space<vmem_shared>> -> memref<640x128xf32, #tpu.memory_space<vmem_shared>>
        tpu.wait_dma2 semaphore(%run_scoped3A : memref<!tpu.dma_semaphore, #tpu.memory_space<semaphore_mem>>) src(%dma_wait3A_43 : memref<640x128xf32, #tpu.memory_space<vmem_shared>>) dst(%dma_wait3A_41 : memref<640x128xf32, #tpu.memory_space<hbm>>)
        tpu.yield
      }) : () -> ()
    } else {
    }
    %eq3A = arith.constant 15 : i32
    %eq3A_31 = arith.cmpi eq, %arg1, %eq3A : i32
    %convert_element_type3A_32 = arith.extui %eq3A_31 : i1 to i32
    %cond3A_33 = arith.constant 0 : i32
    %cond3A_34 = arith.cmpi ne, %convert_element_type3A_32, %cond3A_33 : i32
    scf.if %cond3A_34 {
      %add3A_35 = arith.constant 9600 : i32
      %add3A_36 = arith.addi %mul3A_27, %add3A_35 : i32
      "tpu.region"() ({
        %run_scoped3A = tpu.sem_alloc : memref<!tpu.dma_semaphore, #tpu.memory_space<semaphore_mem>>
        %dma_start3A = arith.constant 0 : i32
        %dma_start3A_37 = tpu.memref_slice %arg5[%add3A_36, %dma_start3A] : memref<20000x128xf32, #tpu.memory_space<hbm>> -> memref<400x128xf32, #tpu.memory_space<hbm>>
        %dma_start3A_38 = arith.constant 9600 : i32
        %dma_start3A_39 = arith.constant 0 : i32
        %dma_start3A_40 = tpu.memref_slice %arg10[%dma_start3A_38, %dma_start3A_39] : memref<10016x128xf32, #tpu.memory_space<vmem_shared>> -> memref<400x128xf32, #tpu.memory_space<vmem_shared>>
        tpu.enqueue_dma source(%dma_start3A_40 : memref<400x128xf32, #tpu.memory_space<vmem_shared>>) target(%dma_start3A_37 : memref<400x128xf32, #tpu.memory_space<hbm>>) target_semaphore(%run_scoped3A : memref<!tpu.dma_semaphore, #tpu.memory_space<semaphore_mem>>)
        %dma_wait3A = arith.constant 0 : i32
        %dma_wait3A_41 = tpu.memref_slice %arg5[%add3A_36, %dma_wait3A] : memref<20000x128xf32, #tpu.memory_space<hbm>> -> memref<400x128xf32, #tpu.memory_space<hbm>>
        %dma_wait3A_42 = arith.constant 9600 : i32
        %dma_wait3A_43 = arith.constant 0 : i32
        %dma_wait3A_44 = tpu.memref_slice %arg10[%dma_wait3A_42, %dma_wait3A_43] : memref<10016x128xf32, #tpu.memory_space<vmem_shared>> -> memref<400x128xf32, #tpu.memory_space<vmem_shared>>
        tpu.wait_dma2 semaphore(%run_scoped3A : memref<!tpu.dma_semaphore, #tpu.memory_space<semaphore_mem>>) src(%dma_wait3A_44 : memref<400x128xf32, #tpu.memory_space<vmem_shared>>) dst(%dma_wait3A_41 : memref<400x128xf32, #tpu.memory_space<hbm>>)
        tpu.yield
      }) : () -> ()
    } else {
    }
    return
  }
}

module attributes {stable_mosaic.version = 14 : i64} {
  func.func @_t1_body(%arg0: i32, %arg1: memref<1000x128xf32, #tpu.memory_space<vmem>>, %arg2: memref<1000x128xf32, #tpu.memory_space<vmem>>, %arg3: memref<128x128xf32, #tpu.memory_space<vmem>>, %arg4: memref<1x128xf32, #tpu.memory_space<vmem>>, %arg5: memref<2x1000x128xf32, #tpu.memory_space<vmem>>) attributes {dimension_semantics = [#tpu.dimension_semantics<arbitrary>], iteration_bounds = array<i64: 10>, scalar_prefetch = 0 : i64, scratch_operands = 0 : i64, tpu.core_type = #tpu.core_type<tc>, window_params = [{transform_indices = @transform_0, window_bounds = array<i64: 1000, 128>}, {transform_indices = @transform_1, window_bounds = array<i64: 1000, 128>}, {pipeline_mode = #tpu.pipeline_mode<synchronous>, transform_indices = @transform_2, window_bounds = array<i64: 128, 128>}, {pipeline_mode = #tpu.pipeline_mode<synchronous>, transform_indices = @transform_3, window_bounds = array<i64: 1, 128>}, {transform_indices = @transform_4, window_bounds = array<i64: 2, 1000, 128>}]} {
    %get3A = arith.constant 0 : index
    %get3A_0 = arith.constant 0 : index
    %get3A_1 = vector.load %arg2[%get3A, %get3A_0] : memref<1000x128xf32, #tpu.memory_space<vmem>>, vector<1000x128xf32>
    %get3A_2 = arith.constant 0 : index
    %get3A_3 = arith.constant 0 : index
    %get3A_4 = vector.load %arg3[%get3A_2, %get3A_3] : memref<128x128xf32, #tpu.memory_space<vmem>>, vector<128x128xf32>
    %dot_general3A = arith.constant dense<0.000000e+00> : vector<1000x128xf32>
    %dot_general3A_5 = tpu.matmul %get3A_1, %get3A_4, %dot_general3A {dimension_numbers = #tpu.dot_dimension_numbers<[1], [0], [0], [1], [0, 0, 1, 1], [], []>, transpose_lhs_hint = false} : vector<1000x128xf32>, vector<128x128xf32>, vector<1000x128xf32> -> vector<1000x128xf32>
    %get3A_6 = arith.constant 0 : index
    %get3A_7 = arith.constant 0 : index
    %get3A_8 = vector.load %arg4[%get3A_6, %get3A_7] : memref<1x128xf32, #tpu.memory_space<vmem>>, vector<1x128xf32>
    %add3A = vector.broadcast %get3A_8 : vector<1x128xf32> to vector<1000x128xf32>
    %add3A_9 = arith.addf %dot_general3A_5, %add3A : vector<1000x128xf32>
    %get3A_10 = arith.constant 0 : index
    %get3A_11 = arith.constant 0 : index
    %get3A_12 = vector.load %arg1[%get3A_10, %get3A_11] : memref<1000x128xf32, #tpu.memory_space<vmem>>, vector<1000x128xf32>
    %add3A_13 = arith.addf %get3A_12, %add3A_9 : vector<1000x128xf32>
    %swap3A = arith.constant 0 : index
    %swap3A_14 = arith.constant 0 : index
    %swap3A_15 = arith.constant 0 : index
    %swap3A_16 = vector.load %arg5[%swap3A, %swap3A_14, %swap3A_15] : memref<2x1000x128xf32, #tpu.memory_space<vmem>>, vector<1x1000x128xf32>
    %swap3A_17 = vector.shape_cast %swap3A_16 : vector<1x1000x128xf32> to vector<1000x128xf32>
    %swap3A_18 = vector.shape_cast %add3A_13 : vector<1000x128xf32> to vector<1x1000x128xf32>
    tpu.vector_store %arg5[%swap3A, %swap3A_14, %swap3A_15], %swap3A_18 {strides = array<i32>} : memref<2x1000x128xf32, #tpu.memory_space<vmem>>, vector<1x1000x128xf32>,
    %swap3A_19 = arith.constant 1 : index
    %swap3A_20 = arith.constant 0 : index
    %swap3A_21 = arith.constant 0 : index
    %swap3A_22 = vector.load %arg5[%swap3A_19, %swap3A_20, %swap3A_21] : memref<2x1000x128xf32, #tpu.memory_space<vmem>>, vector<1x1000x128xf32>
    %swap3A_23 = vector.shape_cast %swap3A_22 : vector<1x1000x128xf32> to vector<1000x128xf32>
    %swap3A_24 = vector.shape_cast %add3A_9 : vector<1000x128xf32> to vector<1x1000x128xf32>
    tpu.vector_store %arg5[%swap3A_19, %swap3A_20, %swap3A_21], %swap3A_24 {strides = array<i32>} : memref<2x1000x128xf32, #tpu.memory_space<vmem>>, vector<1x1000x128xf32>,
    return
  }
  func.func @transform_0(%arg0: i32) -> (i32, i32) {
    %c0_i32 = arith.constant 0 : i32
    %c0_i32_0 = arith.constant 0 : i32
    return %arg0, %c0_i32 : i32, i32
  }
  func.func @transform_1(%arg0: i32) -> (i32, i32) {
    %c0_i32 = arith.constant 0 : i32
    %c0_i32_0 = arith.constant 0 : i32
    return %arg0, %c0_i32 : i32, i32
  }
  func.func @transform_2(%arg0: i32) -> (i32, i32) {
    %c0_i32 = arith.constant 0 : i32
    %c0_i32_0 = arith.constant 0 : i32
    %c0_i32_1 = arith.constant 0 : i32
    return %c0_i32, %c0_i32_0 : i32, i32
  }
  func.func @transform_3(%arg0: i32) -> (i32, i32) {
    %c0_i32 = arith.constant 0 : i32
    %c0_i32_0 = arith.constant 0 : i32
    %c0_i32_1 = arith.constant 0 : i32
    return %c0_i32, %c0_i32_0 : i32, i32
  }
  func.func @transform_4(%arg0: i32) -> (i32, i32, i32) {
    %c0_i32 = arith.constant 0 : i32
    %c0_i32_0 = arith.constant 0 : i32
    %c0_i32_1 = arith.constant 0 : i32
    return %c0_i32, %arg0, %c0_i32_0 : i32, i32, i32
  }
}

module attributes {stable_mosaic.version = 14 : i64} {
  func.func @_t2_body(%arg0: i32, %arg1: memref<2x1000x128xf32, #tpu.memory_space<vmem>>, %arg2: memref<2x1000x128xf32, #tpu.memory_space<vmem>>, %arg3: memref<128x128xf32, #tpu.memory_space<vmem>>, %arg4: memref<1x128xf32, #tpu.memory_space<vmem>>, %arg5: memref<128x128xf32, #tpu.memory_space<vmem>>, %arg6: memref<1x128xf32, #tpu.memory_space<vmem>>, %arg7: memref<128x128xf32, #tpu.memory_space<vmem>>, %arg8: memref<1x128xf32, #tpu.memory_space<vmem>>, %arg9: memref<128x128xf32, #tpu.memory_space<vmem>>, %arg10: memref<1x128xf32, #tpu.memory_space<vmem>>, %arg11: memref<2x1000x128xf32, #tpu.memory_space<vmem>>) attributes {dimension_semantics = [#tpu.dimension_semantics<arbitrary>], iteration_bounds = array<i64: 10>, scalar_prefetch = 0 : i64, scratch_operands = 0 : i64, tpu.core_type = #tpu.core_type<tc>, window_params = [{transform_indices = @transform_0, window_bounds = array<i64: 2, 1000, 128>}, {transform_indices = @transform_1, window_bounds = array<i64: 2, 1000, 128>}, {pipeline_mode = #tpu.pipeline_mode<synchronous>, transform_indices = @transform_2, window_bounds = array<i64: 128, 128>}, {pipeline_mode = #tpu.pipeline_mode<synchronous>, transform_indices = @transform_3, window_bounds = array<i64: 1, 128>}, {pipeline_mode = #tpu.pipeline_mode<synchronous>, transform_indices = @transform_4, window_bounds = array<i64: 128, 128>}, {pipeline_mode = #tpu.pipeline_mode<synchronous>, transform_indices = @transform_5, window_bounds = array<i64: 1, 128>}, {pipeline_mode = #tpu.pipeline_mode<synchronous>, transform_indices = @transform_6, window_bounds = array<i64: 128, 128>}, {pipeline_mode = #tpu.pipeline_mode<synchronous>, transform_indices = @transform_7, window_bounds = array<i64: 1, 128>}, {pipeline_mode = #tpu.pipeline_mode<synchronous>, transform_indices = @transform_8, window_bounds = array<i64: 128, 128>}, {pipeline_mode = #tpu.pipeline_mode<synchronous>, transform_indices = @transform_9, window_bounds = array<i64: 1, 128>}, {transform_indices = @transform_10, window_bounds = array<i64: 2, 1000, 128>}]} {
    %get3A = arith.constant 0 : index
    %get3A_0 = arith.constant 0 : index
    %get3A_1 = arith.constant 0 : index
    %get3A_2 = vector.load %arg1[%get3A, %get3A_0, %get3A_1] : memref<2x1000x128xf32, #tpu.memory_space<vmem>>, vector<1x1000x128xf32>
    %get3A_3 = vector.shape_cast %get3A_2 : vector<1x1000x128xf32> to vector<1000x128xf32>
    %get3A_4 = arith.constant 0 : index
    %get3A_5 = arith.constant 0 : index
    %get3A_6 = arith.constant 0 : index
    %get3A_7 = vector.load %arg2[%get3A_4, %get3A_5, %get3A_6] : memref<2x1000x128xf32, #tpu.memory_space<vmem>>, vector<1x1000x128xf32>
    %get3A_8 = vector.shape_cast %get3A_7 : vector<1x1000x128xf32> to vector<1000x128xf32>
    %add3A = arith.addf %get3A_3, %get3A_8 : vector<1000x128xf32>
    %get3A_9 = arith.constant 0 : index
    %get3A_10 = arith.constant 0 : index
    %get3A_11 = vector.load %arg3[%get3A_9, %get3A_10] : memref<128x128xf32, #tpu.memory_space<vmem>>, vector<128x128xf32>
    %get3A_12 = arith.constant 0 : index
    %get3A_13 = arith.constant 0 : index
    %get3A_14 = vector.load %arg4[%get3A_12, %get3A_13] : memref<1x128xf32, #tpu.memory_space<vmem>>, vector<1x128xf32>
    %get3A_15 = arith.constant 0 : index
    %get3A_16 = arith.constant 0 : index
    %get3A_17 = vector.load %arg5[%get3A_15, %get3A_16] : memref<128x128xf32, #tpu.memory_space<vmem>>, vector<128x128xf32>
    %get3A_18 = arith.constant 0 : index
    %get3A_19 = arith.constant 0 : index
    %get3A_20 = vector.load %arg6[%get3A_18, %get3A_19] : memref<1x128xf32, #tpu.memory_space<vmem>>, vector<1x128xf32>
    %dot_general3A = arith.constant dense<0.000000e+00> : vector<1000x128xf32>
    %dot_general3A_21 = tpu.matmul %add3A, %get3A_11, %dot_general3A {dimension_numbers = #tpu.dot_dimension_numbers<[1], [0], [0], [1], [0, 0, 1, 1], [], []>, transpose_lhs_hint = false} : vector<1000x128xf32>, vector<128x128xf32>, vector<1000x128xf32> -> vector<1000x128xf32>
    %add3A_22 = vector.broadcast %get3A_14 : vector<1x128xf32> to vector<1000x128xf32>
    %add3A_23 = arith.addf %dot_general3A_21, %add3A_22 : vector<1000x128xf32>
    %max3A = arith.constant 0.000000e+00 : f32
    %max3A_24 = vector.broadcast %max3A : f32 to vector<1000x128xf32>
    %max3A_25 = arith.maximumf %add3A_23, %max3A_24 : vector<1000x128xf32>
    %dot_general3A_26 = arith.constant dense<0.000000e+00> : vector<1000x128xf32>
    %dot_general3A_27 = tpu.matmul %max3A_25, %get3A_17, %dot_general3A_26 {dimension_numbers = #tpu.dot_dimension_numbers<[1], [0], [0], [1], [0, 0, 1, 1], [], []>, transpose_lhs_hint = false} : vector<1000x128xf32>, vector<128x128xf32>, vector<1000x128xf32> -> vector<1000x128xf32>
    %add3A_28 = vector.broadcast %get3A_20 : vector<1x128xf32> to vector<1000x128xf32>
    %add3A_29 = arith.addf %dot_general3A_27, %add3A_28 : vector<1000x128xf32>
    %max3A_30 = arith.constant 0.000000e+00 : f32
    %max3A_31 = vector.broadcast %max3A_30 : f32 to vector<1000x128xf32>
    %max3A_32 = arith.maximumf %add3A_29, %max3A_31 : vector<1000x128xf32>
    %get3A_33 = arith.constant 1 : index
    %get3A_34 = arith.constant 0 : index
    %get3A_35 = arith.constant 0 : index
    %get3A_36 = vector.load %arg1[%get3A_33, %get3A_34, %get3A_35] : memref<2x1000x128xf32, #tpu.memory_space<vmem>>, vector<1x1000x128xf32>
    %get3A_37 = vector.shape_cast %get3A_36 : vector<1x1000x128xf32> to vector<1000x128xf32>
    %get3A_38 = arith.constant 1 : index
    %get3A_39 = arith.constant 0 : index
    %get3A_40 = arith.constant 0 : index
    %get3A_41 = vector.load %arg2[%get3A_38, %get3A_39, %get3A_40] : memref<2x1000x128xf32, #tpu.memory_space<vmem>>, vector<1x1000x128xf32>
    %get3A_42 = vector.shape_cast %get3A_41 : vector<1x1000x128xf32> to vector<1000x128xf32>
    %add3A_43 = arith.addf %get3A_37, %get3A_42 : vector<1000x128xf32>
    %get3A_44 = arith.constant 0 : index
    %get3A_45 = arith.constant 0 : index
    %get3A_46 = vector.load %arg7[%get3A_44, %get3A_45] : memref<128x128xf32, #tpu.memory_space<vmem>>, vector<128x128xf32>
    %get3A_47 = arith.constant 0 : index
    %get3A_48 = arith.constant 0 : index
    %get3A_49 = vector.load %arg8[%get3A_47, %get3A_48] : memref<1x128xf32, #tpu.memory_space<vmem>>, vector<1x128xf32>
    %get3A_50 = arith.constant 0 : index
    %get3A_51 = arith.constant 0 : index
    %get3A_52 = vector.load %arg9[%get3A_50, %get3A_51] : memref<128x128xf32, #tpu.memory_space<vmem>>, vector<128x128xf32>
    %get3A_53 = arith.constant 0 : index
    %get3A_54 = arith.constant 0 : index
    %get3A_55 = vector.load %arg10[%get3A_53, %get3A_54] : memref<1x128xf32, #tpu.memory_space<vmem>>, vector<1x128xf32>
    %dot_general3A_56 = arith.constant dense<0.000000e+00> : vector<1000x128xf32>
    %dot_general3A_57 = tpu.matmul %add3A_43, %get3A_46, %dot_general3A_56 {dimension_numbers = #tpu.dot_dimension_numbers<[1], [0], [0], [1], [0, 0, 1, 1], [], []>, transpose_lhs_hint = false} : vector<1000x128xf32>, vector<128x128xf32>, vector<1000x128xf32> -> vector<1000x128xf32>
    %add3A_58 = vector.broadcast %get3A_49 : vector<1x128xf32> to vector<1000x128xf32>
    %add3A_59 = arith.addf %dot_general3A_57, %add3A_58 : vector<1000x128xf32>
    %max3A_60 = arith.constant 0.000000e+00 : f32
    %max3A_61 = vector.broadcast %max3A_60 : f32 to vector<1000x128xf32>
    %max3A_62 = arith.maximumf %add3A_59, %max3A_61 : vector<1000x128xf32>
    %dot_general3A_63 = arith.constant dense<0.000000e+00> : vector<1000x128xf32>
    %dot_general3A_64 = tpu.matmul %max3A_62, %get3A_52, %dot_general3A_63 {dimension_numbers = #tpu.dot_dimension_numbers<[1], [0], [0], [1], [0, 0, 1, 1], [], []>, transpose_lhs_hint = false} : vector<1000x128xf32>, vector<128x128xf32>, vector<1000x128xf32> -> vector<1000x128xf32>
    %add3A_65 = vector.broadcast %get3A_55 : vector<1x128xf32> to vector<1000x128xf32>
    %add3A_66 = arith.addf %dot_general3A_64, %add3A_65 : vector<1000x128xf32>
    %max3A_67 = arith.constant 0.000000e+00 : f32
    %max3A_68 = vector.broadcast %max3A_67 : f32 to vector<1000x128xf32>
    %max3A_69 = arith.maximumf %add3A_66, %max3A_68 : vector<1000x128xf32>
    %add3A_70 = arith.addf %max3A_32, %max3A_69 : vector<1000x128xf32>
    %swap3A = arith.constant 0 : index
    %swap3A_71 = arith.constant 0 : index
    %swap3A_72 = arith.constant 0 : index
    %swap3A_73 = vector.load %arg11[%swap3A, %swap3A_71, %swap3A_72] : memref<2x1000x128xf32, #tpu.memory_space<vmem>>, vector<1x1000x128xf32>
    %swap3A_74 = vector.shape_cast %swap3A_73 : vector<1x1000x128xf32> to vector<1000x128xf32>
    %swap3A_75 = vector.shape_cast %add3A_70 : vector<1000x128xf32> to vector<1x1000x128xf32>
    tpu.vector_store %arg11[%swap3A, %swap3A_71, %swap3A_72], %swap3A_75 {strides = array<i32>} : memref<2x1000x128xf32, #tpu.memory_space<vmem>>, vector<1x1000x128xf32>,
    %swap3A_76 = arith.constant 1 : index
    %swap3A_77 = arith.constant 0 : index
    %swap3A_78 = arith.constant 0 : index
    %swap3A_79 = vector.load %arg11[%swap3A_76, %swap3A_77, %swap3A_78] : memref<2x1000x128xf32, #tpu.memory_space<vmem>>, vector<1x1000x128xf32>
    %swap3A_80 = vector.shape_cast %swap3A_79 : vector<1x1000x128xf32> to vector<1000x128xf32>
    %swap3A_81 = vector.shape_cast %max3A_69 : vector<1000x128xf32> to vector<1x1000x128xf32>
    tpu.vector_store %arg11[%swap3A_76, %swap3A_77, %swap3A_78], %swap3A_81 {strides = array<i32>} : memref<2x1000x128xf32, #tpu.memory_space<vmem>>, vector<1x1000x128xf32>,
    return
  }
  func.func @transform_0(%arg0: i32) -> (i32, i32, i32) {
    %c0_i32 = arith.constant 0 : i32
    %c0_i32_0 = arith.constant 0 : i32
    %c0_i32_1 = arith.constant 0 : i32
    return %c0_i32, %arg0, %c0_i32_0 : i32, i32, i32
  }
  func.func @transform_1(%arg0: i32) -> (i32, i32, i32) {
    %c0_i32 = arith.constant 0 : i32
    %c0_i32_0 = arith.constant 0 : i32
    %c0_i32_1 = arith.constant 0 : i32
    return %c0_i32, %arg0, %c0_i32_0 : i32, i32, i32
  }
  func.func @transform_2(%arg0: i32) -> (i32, i32) {
    %c0_i32 = arith.constant 0 : i32
    %c0_i32_0 = arith.constant 0 : i32
    %c0_i32_1 = arith.constant 0 : i32
    return %c0_i32, %c0_i32_0 : i32, i32
  }
  func.func @transform_3(%arg0: i32) -> (i32, i32) {
    %c0_i32 = arith.constant 0 : i32
    %c0_i32_0 = arith.constant 0 : i32
    %c0_i32_1 = arith.constant 0 : i32
    return %c0_i32, %c0_i32_0 : i32, i32
  }
  func.func @transform_4(%arg0: i32) -> (i32, i32) {
    %c0_i32 = arith.constant 0 : i32
    %c0_i32_0 = arith.constant 0 : i32
    %c0_i32_1 = arith.constant 0 : i32
    return %c0_i32, %c0_i32_0 : i32, i32
  }
  func.func @transform_5(%arg0: i32) -> (i32, i32) {
    %c0_i32 = arith.constant 0 : i32
    %c0_i32_0 = arith.constant 0 : i32
    %c0_i32_1 = arith.constant 0 : i32
    return %c0_i32, %c0_i32_0 : i32, i32
  }
  func.func @transform_6(%arg0: i32) -> (i32, i32) {
    %c0_i32 = arith.constant 0 : i32
    %c0_i32_0 = arith.constant 0 : i32
    %c0_i32_1 = arith.constant 0 : i32
    return %c0_i32, %c0_i32_0 : i32, i32
  }
  func.func @transform_7(%arg0: i32) -> (i32, i32) {
    %c0_i32 = arith.constant 0 : i32
    %c0_i32_0 = arith.constant 0 : i32
    %c0_i32_1 = arith.constant 0 : i32
    return %c0_i32, %c0_i32_0 : i32, i32
  }
  func.func @transform_8(%arg0: i32) -> (i32, i32) {
    %c0_i32 = arith.constant 0 : i32
    %c0_i32_0 = arith.constant 0 : i32
    %c0_i32_1 = arith.constant 0 : i32
    return %c0_i32, %c0_i32_0 : i32, i32
  }
  func.func @transform_9(%arg0: i32) -> (i32, i32) {
    %c0_i32 = arith.constant 0 : i32
    %c0_i32_0 = arith.constant 0 : i32
    %c0_i32_1 = arith.constant 0 : i32
    return %c0_i32, %c0_i32_0 : i32, i32
  }
  func.func @transform_10(%arg0: i32) -> (i32, i32, i32) {
    %c0_i32 = arith.constant 0 : i32
    %c0_i32_0 = arith.constant 0 : i32
    %c0_i32_1 = arith.constant 0 : i32
    return %c0_i32, %arg0, %c0_i32_0 : i32, i32, i32
  }
}

module attributes {stable_mosaic.version = 14 : i64} {
  func.func @_t3_body(%arg0: i32, %arg1: memref<1000x128xf32, #tpu.memory_space<vmem>>, %arg2: memref<2x1000x128xf32, #tpu.memory_space<vmem>>, %arg3: memref<128x128xf32, #tpu.memory_space<vmem>>, %arg4: memref<1x128xf32, #tpu.memory_space<vmem>>, %arg5: memref<128x128xf32, #tpu.memory_space<vmem>>, %arg6: memref<1x128xf32, #tpu.memory_space<vmem>>, %arg7: memref<64x1xi32, #tpu.memory_space<vmem>>, %arg8: memref<64x1xi32, #tpu.memory_space<vmem>>, %arg9: memref<64x128xf32, #tpu.memory_space<vmem>>) attributes {dimension_semantics = [#tpu.dimension_semantics<arbitrary>], iteration_bounds = array<i64: 10>, scalar_prefetch = 0 : i64, scratch_operands = 0 : i64, tpu.core_type = #tpu.core_type<tc>, window_params = [{transform_indices = @transform_0, window_bounds = array<i64: 1000, 128>}, {transform_indices = @transform_1, window_bounds = array<i64: 2, 1000, 128>}, {pipeline_mode = #tpu.pipeline_mode<synchronous>, transform_indices = @transform_2, window_bounds = array<i64: 128, 128>}, {pipeline_mode = #tpu.pipeline_mode<synchronous>, transform_indices = @transform_3, window_bounds = array<i64: 1, 128>}, {pipeline_mode = #tpu.pipeline_mode<synchronous>, transform_indices = @transform_4, window_bounds = array<i64: 128, 128>}, {pipeline_mode = #tpu.pipeline_mode<synchronous>, transform_indices = @transform_5, window_bounds = array<i64: 1, 128>}, {pipeline_mode = #tpu.pipeline_mode<synchronous>, transform_indices = @transform_6, window_bounds = array<i64: 64, 1>}, {pipeline_mode = #tpu.pipeline_mode<synchronous>, transform_indices = @transform_7, window_bounds = array<i64: 64, 1>}, {pipeline_mode = #tpu.pipeline_mode<synchronous>, transform_indices = @transform_8, window_bounds = array<i64: 64, 128>}]} {
    %get3A = arith.constant 0 : index
    %get3A_0 = arith.constant 0 : index
    %get3A_1 = vector.load %arg1[%get3A, %get3A_0] : memref<1000x128xf32, #tpu.memory_space<vmem>>, vector<1000x128xf32>
    %get3A_2 = arith.constant 0 : index
    %get3A_3 = arith.constant 0 : index
    %get3A_4 = arith.constant 0 : index
    %get3A_5 = vector.load %arg2[%get3A_2, %get3A_3, %get3A_4] : memref<2x1000x128xf32, #tpu.memory_space<vmem>>, vector<1x1000x128xf32>
    %get3A_6 = vector.shape_cast %get3A_5 : vector<1x1000x128xf32> to vector<1000x128xf32>
    %add3A = arith.addf %get3A_1, %get3A_6 : vector<1000x128xf32>
    %get3A_7 = arith.constant 1 : index
    %get3A_8 = arith.constant 0 : index
    %get3A_9 = arith.constant 0 : index
    %get3A_10 = vector.load %arg2[%get3A_7, %get3A_8, %get3A_9] : memref<2x1000x128xf32, #tpu.memory_space<vmem>>, vector<1x1000x128xf32>
    %get3A_11 = vector.shape_cast %get3A_10 : vector<1x1000x128xf32> to vector<1000x128xf32>
    %add3A_12 = arith.addf %add3A, %get3A_11 : vector<1000x128xf32>
    %get3A_13 = arith.constant 0 : index
    %get3A_14 = arith.constant 0 : index
    %get3A_15 = vector.load %arg3[%get3A_13, %get3A_14] : memref<128x128xf32, #tpu.memory_space<vmem>>, vector<128x128xf32>
    %get3A_16 = arith.constant 0 : index
    %get3A_17 = arith.constant 0 : index
    %get3A_18 = vector.load %arg4[%get3A_16, %get3A_17] : memref<1x128xf32, #tpu.memory_space<vmem>>, vector<1x128xf32>
    %get3A_19 = arith.constant 0 : index
    %get3A_20 = arith.constant 0 : index
    %get3A_21 = vector.load %arg5[%get3A_19, %get3A_20] : memref<128x128xf32, #tpu.memory_space<vmem>>, vector<128x128xf32>
    %get3A_22 = arith.constant 0 : index
    %get3A_23 = arith.constant 0 : index
    %get3A_24 = vector.load %arg6[%get3A_22, %get3A_23] : memref<1x128xf32, #tpu.memory_space<vmem>>, vector<1x128xf32>
    %dot_general3A = arith.constant dense<0.000000e+00> : vector<1000x128xf32>
    %dot_general3A_25 = tpu.matmul %add3A_12, %get3A_15, %dot_general3A {dimension_numbers = #tpu.dot_dimension_numbers<[1], [0], [0], [1], [0, 0, 1, 1], [], []>, transpose_lhs_hint = false} : vector<1000x128xf32>, vector<128x128xf32>, vector<1000x128xf32> -> vector<1000x128xf32>
    %add3A_26 = vector.broadcast %get3A_18 : vector<1x128xf32> to vector<1000x128xf32>
    %add3A_27 = arith.addf %dot_general3A_25, %add3A_26 : vector<1000x128xf32>
    %max3A = arith.constant 0.000000e+00 : f32
    %max3A_28 = vector.broadcast %max3A : f32 to vector<1000x128xf32>
    %max3A_29 = arith.maximumf %add3A_27, %max3A_28 : vector<1000x128xf32>
    %dot_general3A_30 = arith.constant dense<0.000000e+00> : vector<1000x128xf32>
    %dot_general3A_31 = tpu.matmul %max3A_29, %get3A_21, %dot_general3A_30 {dimension_numbers = #tpu.dot_dimension_numbers<[1], [0], [0], [1], [0, 0, 1, 1], [], []>, transpose_lhs_hint = false} : vector<1000x128xf32>, vector<128x128xf32>, vector<1000x128xf32> -> vector<1000x128xf32>
    %add3A_32 = vector.broadcast %get3A_24 : vector<1x128xf32> to vector<1000x128xf32>
    %add3A_33 = arith.addf %dot_general3A_31, %add3A_32 : vector<1000x128xf32>
    %max3A_34 = arith.constant 0.000000e+00 : f32
    %max3A_35 = vector.broadcast %max3A_34 : f32 to vector<1000x128xf32>
    %max3A_36 = arith.maximumf %add3A_33, %max3A_35 : vector<1000x128xf32>
    %iota3A = tpu.iota {dimensions = array<i32: 1>} : vector<64x1000xi32>
    %mul3A = arith.constant 1000 : i32
    %mul3A_37 = arith.muli %arg0, %mul3A : i32
    %add3A_38 = vector.broadcast %mul3A_37 : i32 to vector<64x1000xi32>
    %add3A_39 = arith.addi %iota3A, %add3A_38 : vector<64x1000xi32>
    %get3A_40 = arith.constant 0 : index
    %get3A_41 = arith.constant 0 : index
    %get3A_42 = vector.load %arg7[%get3A_40, %get3A_41] : memref<64x1xi32, #tpu.memory_space<vmem>>, vector<64x1xi32>
    %ge3A = vector.broadcast %get3A_42 : vector<64x1xi32> to vector<64x1000xi32>
    %ge3A_43 = arith.cmpi sge, %add3A_39, %ge3A : vector<64x1000xi32>
    %get3A_44 = arith.constant 0 : index
    %get3A_45 = arith.constant 0 : index
    %get3A_46 = vector.load %arg8[%get3A_44, %get3A_45] : memref<64x1xi32, #tpu.memory_space<vmem>>, vector<64x1xi32>
    %lt3A = vector.broadcast %get3A_46 : vector<64x1xi32> to vector<64x1000xi32>
    %lt3A_47 = arith.cmpi slt, %add3A_39, %lt3A : vector<64x1000xi32>
    %and3A = arith.andi %ge3A_43, %lt3A_47 : vector<64x1000xi1>
    %convert_element_type3A = arith.extui %and3A : vector<64x1000xi1> to vector<64x1000xi32>
    %convert_element_type3A_48 = arith.sitofp %convert_element_type3A : vector<64x1000xi32> to vector<64x1000xf32>
    %dot_general3A_49 = arith.constant dense<0.000000e+00> : vector<64x128xf32>
    %dot_general3A_50 = tpu.matmul %convert_element_type3A_48, %max3A_36, %dot_general3A_49 {dimension_numbers = #tpu.dot_dimension_numbers<[1], [0], [0], [1], [0, 0, 1, 1], [], []>, transpose_lhs_hint = false} : vector<64x1000xf32>, vector<1000x128xf32>, vector<64x128xf32> -> vector<64x128xf32>
    %eq3A = arith.constant 0 : i32
    %eq3A_51 = arith.cmpi eq, %arg0, %eq3A : i32
    %convert_element_type3A_52 = arith.extui %eq3A_51 : i1 to i32
    %cond3A = arith.constant 0 : i32
    %cond3A_53 = arith.cmpi ne, %convert_element_type3A_52, %cond3A : i32
    scf.if %cond3A_53 {
      %broadcast_in_dim3A = arith.constant 0.000000e+00 : f32
      %broadcast_in_dim3A_60 = vector.broadcast %broadcast_in_dim3A : f32 to vector<64x128xf32>
      %swap3A_61 = arith.constant 0 : index
      %swap3A_62 = arith.constant 0 : index
      %swap3A_63 = vector.load %arg9[%swap3A_61, %swap3A_62] : memref<64x128xf32, #tpu.memory_space<vmem>>, vector<64x128xf32>
      tpu.vector_store %arg9[%swap3A_61, %swap3A_62], %broadcast_in_dim3A_60 {strides = array<i32>} : memref<64x128xf32, #tpu.memory_space<vmem>>, vector<64x128xf32>,
    } else {
    }
    %get3A_54 = arith.constant 0 : index
    %get3A_55 = arith.constant 0 : index
    %get3A_56 = vector.load %arg9[%get3A_54, %get3A_55] : memref<64x128xf32, #tpu.memory_space<vmem>>, vector<64x128xf32>
    %add3A_57 = arith.addf %get3A_56, %dot_general3A_50 : vector<64x128xf32>
    %swap3A = arith.constant 0 : index
    %swap3A_58 = arith.constant 0 : index
    %swap3A_59 = vector.load %arg9[%swap3A, %swap3A_58] : memref<64x128xf32, #tpu.memory_space<vmem>>, vector<64x128xf32>
    tpu.vector_store %arg9[%swap3A, %swap3A_58], %add3A_57 {strides = array<i32>} : memref<64x128xf32, #tpu.memory_space<vmem>>, vector<64x128xf32>,
    return
  }
  func.func @transform_0(%arg0: i32) -> (i32, i32) {
    %c0_i32 = arith.constant 0 : i32
    %c0_i32_0 = arith.constant 0 : i32
    return %arg0, %c0_i32 : i32, i32
  }
  func.func @transform_1(%arg0: i32) -> (i32, i32, i32) {
    %c0_i32 = arith.constant 0 : i32
    %c0_i32_0 = arith.constant 0 : i32
    %c0_i32_1 = arith.constant 0 : i32
    return %c0_i32, %arg0, %c0_i32_0 : i32, i32, i32
  }
  func.func @transform_2(%arg0: i32) -> (i32, i32) {
    %c0_i32 = arith.constant 0 : i32
    %c0_i32_0 = arith.constant 0 : i32
    %c0_i32_1 = arith.constant 0 : i32
    return %c0_i32, %c0_i32_0 : i32, i32
  }
  func.func @transform_3(%arg0: i32) -> (i32, i32) {
    %c0_i32 = arith.constant 0 : i32
    %c0_i32_0 = arith.constant 0 : i32
    %c0_i32_1 = arith.constant 0 : i32
    return %c0_i32, %c0_i32_0 : i32, i32
  }
  func.func @transform_4(%arg0: i32) -> (i32, i32) {
    %c0_i32 = arith.constant 0 : i32
    %c0_i32_0 = arith.constant 0 : i32
    %c0_i32_1 = arith.constant 0 : i32
    return %c0_i32, %c0_i32_0 : i32, i32
  }
  func.func @transform_5(%arg0: i32) -> (i32, i32) {
    %c0_i32 = arith.constant 0 : i32
    %c0_i32_0 = arith.constant 0 : i32
    %c0_i32_1 = arith.constant 0 : i32
    return %c0_i32, %c0_i32_0 : i32, i32
  }
  func.func @transform_6(%arg0: i32) -> (i32, i32) {
    %c0_i32 = arith.constant 0 : i32
    %c0_i32_0 = arith.constant 0 : i32
    %c0_i32_1 = arith.constant 0 : i32
    return %c0_i32, %c0_i32_0 : i32, i32
  }
  func.func @transform_7(%arg0: i32) -> (i32, i32) {
    %c0_i32 = arith.constant 0 : i32
    %c0_i32_0 = arith.constant 0 : i32
    %c0_i32_1 = arith.constant 0 : i32
    return %c0_i32, %c0_i32_0 : i32, i32
  }
  func.func @transform_8(%arg0: i32) -> (i32, i32) {
    %c0_i32 = arith.constant 0 : i32
    %c0_i32_0 = arith.constant 0 : i32
    %c0_i32_1 = arith.constant 0 : i32
    return %c0_i32, %c0_i32_0 : i32, i32
  }
}

</mosaic_0001>

<sc_bundles>
// kernel: kernel.13.cloned.1.call-start
scs
__scs_entry_jumppad:
0x0: {  	(pc) =	sbr.rel $0x88, $3  }
0x1: {  	(tag) =	ssettag $0x0;
	lr =	simm.s32 $0x1  }
0x2: {  	[smem:$0x3F95] =	sst lr;
	_ =	strace $0xD0000000  }
0x3: {  	_ = 	snop  }
0x4: {  	_ = 	snop  }
0x5: {  	_ = 	snop  }
0x6: {  	_ = 	snop  }
0x7: {  	_ = 	snop  }
__scs_overlays_trampoline_lowered:
0x8: {  	[smem:$0x3FA4] =	sst s0  }
0x9: {  	[smem:$0x3FA5] =	sst s1  }
0xa: {  	[smem:$0x3FA6] =	sst s2  }
0xb: {  	[smem:$0x3FA7] =	sst s3  }
0xc: {  	[smem:$0x3FA8] =	sst s4  }
0xd: {  	[smem:$0x3FA9] =	sst s5  }
0xe: {  	[smem:$0x3FAA] =	sst s6  }
0xf: {  	[smem:$0x3FAB] =	sst s7  }
0x10: {  	[smem:$0x3FAC] =	sst s8  }
0x11: {  	[smem:$0x3FAD] =	sst s9;
	s0 =	simm.s32 @!p0 $0x0  }
0x12: {  	s1 =	sld [smem:$0x3F93];
	s0 =	simm.s32 @p0 $0x1  }
0x13: {  	[smem:$0x3FAE] =	sst s0;
	s0 =	simm.s32 @!p1 $0x0  }
0x14: {  	s2 =	sld [smem:$0x3F92];
	s0 =	simm.s32 @p1 $0x1  }
0x15: {  	[smem:$0x3FAF] =	sst s0;
	s0 =	simm.s32 @!p2 $0x0  }
0x16: {  	s3 =	sld [smem:$0x3FDB];
	s0 =	simm.s32 @p2 $0x1  }
0x17: {  	s4 =	simm.s32 $0x1BF5;
	[smem:$0x3FB1] =	sst s0  }
0x18: {  	s0 =	sld [smem:$0x3F94];
	_ =	swait.ge [sflag:s4], $0x0  }
0x19: {  	s7 =	sld [smem:$0x3F95]  }
0x1a: {  	s8 =	sadd.s32 $0xFFFFE003, lr  }
0x1b: {  	s9 =	sadd.s32 $0xFFFFFEF7, lr;
	s5 =	simm.s32 $0xFFFFFFFF;
	p2 =	slt.u32 s8, $0xFFFFF086  }
0x1c: {  	p1 =	slt.u32 s9, $0xF7A;
	s5 =	simm.s32 @!p2 $0x0  }
0x1d: {  	s5 =	simm.s32 @p1 $0x1;
	p0 =	seq.s32 s7, s2  }
0x1e: {  	s7 =	smul.u32 @!p0 $0xF7A, s2;
	p2 =	seq.s32 @!p0 s5, $0x0  }
0x1f: {  	s9 =	smul.u32 $0xF7A, s1;
	s8 =	simm.s32 @!p0 $0x1BF5;
	p2 =	por !p2, p0  }
0x20: {  	[sflag:s8] =	ssyncset.s32 @!p0 $0xFFFFF086;
	s6 =	sadd.s32 @!p0 s3, s7;
	s7 =	simm.s32 @!p0 $0x108  }
0x21: {  	s3 =	sadd.s32 s3, s9;
	s6 =	sadd.s32 @!p0 $0x88, s6;
	s7 =	simm.s32 @p2 $0x1082  }
0x22: {  	[simem:s7], [sflag:s8] =	dma.local @!p0 [hbm:s6], $0xF7A  }
0x23: {  	s9 =	sor.u32 $0xD0000000, s2;
	s6 =	simm.s32 $0x108;
	_ =	swait.ge @!p0 [sflag:s8], $0x0  }
0x24: {  	s3 =	sadd.s32 $0x88, s3;
	s6 =	simm.s32 @!p1 $0x1082;
	[sflag:s4] =	ssyncset.s32 $0xFFFFF086  }
0x25: {  	[simem:s6], [sflag:s4] =	dma.local [hbm:s3], $0xF7A  }
0x26: {  	[smem:$0x3F95] =	sst s1;
	(tag) =	ssettag s2;
	_ =	strace s9  }
0x27: {  	s1 =	sld [smem:$0x3FA5]  }
0x28: {  	s2 =	sld [smem:$0x3FA6]  }
0x29: {  	s4 =	sld [smem:$0x3FA8]  }
0x2a: {  	p0 =	seq.s32 s5, $0x0;
	s5 =	sld [smem:$0x3FA9]  }
0x2b: {  	s6 =	sld [smem:$0x3FAA]  }
0x2c: {  	s7 =	sld [smem:$0x3FAB]  }
0x2d: {  	s3 =	simm.s32 $0x108;
	s8 =	sld [smem:$0x3FAC]  }
0x2e: {  	s3 =	simm.s32 @!p0 $0x1082;
	s9 =	sld [smem:$0x3FAD]  }
0x2f: {  	lr =	sadd.s32 s0, s3;
	s0 =	sld [smem:$0x3FA4]  }
0x30: {  	s3 =	sld [smem:$0x3FA7]  }
0x31: {  	[smem:$0x3FB0] =	sst s10  }
0x32: {  	s10 =	sld [smem:$0x3FAE];
	_ =	sdelay $0x3  }
0x33: {  	p0 =	seq.s32 s10, $0x1;
	s10 =	sld [smem:$0x3FB0];
	_ =	sdelay $0x3  }
0x34: {  	[smem:$0x3FB0] =	sst s10  }
0x35: {  	s10 =	sld [smem:$0x3FAF];
	_ =	sdelay $0x3  }
0x36: {  	p1 =	seq.s32 s10, $0x1;
	s10 =	sld [smem:$0x3FB0];
	_ =	sdelay $0x3  }
0x37: {  	[smem:$0x3FB0] =	sst s10  }
0x38: {  	s10 =	sld [smem:$0x3FB1]  }
0x39: {  	_ = 	snop;
	(pc) =	sbr.ind lr, $3  }
0x3a: {  	_ = 	snop  }
0x3b: {  	_ = 	snop  }
0x3c: {  	p2 =	seq.s32 s10, $0x1;
	s10 =	sld [smem:$0x3FB0]  }
0x3d: {  	_ =	shalt  }
0x3e: {  	_ =	shalt  }
0x3f: {  	_ =	shalt  }
0x40: {  	_ =	shalt  }
0x41: {  	_ =	shalt  }
0x42: {  	_ =	shalt  }
0x43: {  	_ =	shalt  }
0x44: {  	_ =	shalt  }
0x45: {  	_ =	shalt  }
0x46: {  	_ =	shalt  }
0x47: {  	_ =	shalt  }
0x48: {  	_ =	shalt  }
0x49: {  	_ =	shalt  }
0x4a: {  	_ =	shalt  }
0x4b: {  	_ =	shalt  }
0x4c: {  	_ =	shalt  }
0x4d: {  	_ =	shalt  }
0x4e: {  	_ =	shalt  }
0x4f: {  	_ =	shalt  }
0x50: {  	_ =	shalt  }
0x51: {  	_ =	shalt  }
0x52: {  	_ =	shalt  }
0x53: {  	_ =	shalt  }
0x54: {  	_ =	shalt  }
0x55: {  	_ =	shalt  }
0x56: {  	_ =	shalt  }
0x57: {  	_ =	shalt  }
0x58: {  	_ =	shalt  }
0x59: {  	_ =	shalt  }
0x5a: {  	_ =	shalt  }
0x5b: {  	_ =	shalt  }
0x5c: {  	_ =	shalt  }
0x5d: {  	_ =	shalt  }
0x5e: {  	_ =	shalt  }
0x5f: {  	_ =	shalt  }
0x60: {  	_ =	shalt  }
0x61: {  	_ =	shalt  }
0x62: {  	_ =	shalt  }
0x63: {  	_ =	shalt  }
0x64: {  	_ =	shalt  }
0x65: {  	_ =	shalt  }
0x66: {  	_ =	shalt  }
0x67: {  	_ =	shalt  }
0x68: {  	_ =	shalt  }
0x69: {  	_ =	shalt  }
0x6a: {  	_ =	shalt  }
0x6b: {  	_ =	shalt  }
0x6c: {  	_ =	shalt  }
0x6d: {  	_ =	shalt  }
0x6e: {  	_ =	shalt  }
0x6f: {  	_ =	shalt  }
0x70: {  	_ =	shalt  }
0x71: {  	_ =	shalt  }
0x72: {  	_ =	shalt  }
0x73: {  	_ =	shalt  }
0x74: {  	_ =	shalt  }
0x75: {  	_ =	shalt  }
0x76: {  	_ =	shalt  }
0x77: {  	_ =	shalt  }
0x78: {  	_ =	shalt  }
0x79: {  	_ =	shalt  }
0x7a: {  	_ =	shalt  }
0x7b: {  	_ =	shalt  }
0x7c: {  	_ =	shalt  }
0x7d: {  	_ =	shalt  }
0x7e: {  	_ =	shalt  }
0x7f: {  	_ =	shalt  }
0x80: {  	_ =	shalt  }
0x81: {  	_ =	shalt  }
0x82: {  	_ =	shalt  }
0x83: {  	_ =	shalt  }
0x84: {  	_ =	shalt  }
0x85: {  	_ =	shalt  }
0x86: {  	_ =	shalt  }
0x87: {  	_ =	shalt  }
.Lfunc_end0:
.L_simem_size_0:
called_computation_lowered:
.L_overlay_start_0:
0x88: {  	s2 =	sld [smem:$0x3FD9]  }
0x89: {  	s3 =	sld [smem:$0x3FFE];
	_ =	sdelay $0x1  }
0x8a: {  	s1 =	srdreg.scid  }
0x8b: {  	s0 =	sand.u32 $0x1, s1  }
0x8c: {  	s16 =	sshll.u32 s0, $0xA;
	s2 =	sadd.s32 s3, s2  }
0x8d: {  	s2 =	sadd.s32 s2, s16  }
0x8e: {  	[smem:$0x3FBC] =	sst s2  }
0x8f: {  	_ = 	snop  }
0x90: {  	(tm) =	ssettm $0x1  }
0x91: {  	s17 =	sld [smem:$0x3FFB];
	_ =	sdelay $0x3  }
0x92: {  	_ =	strace s17  }
0x93: {  	s2 =	sld [smem:$0x3FFC];
	_ =	sdelay $0x3  }
0x94: {  	_ =	strace s2  }
0x95: {  	s2 =	sld [smem:$0x3FFD];
	_ =	sdelay $0x3  }
0x96: {  	_ =	strace s2  }
0x97: {  	_ =	strace $0x8FFFFFFF  }
0x98: {  	s18 =	sld [smem:$0x3FDB];
	_ =	sdelay $0x1  }
0x99: {  	s19 =	simm.s32 $_scs_section_size  }
0x9a: {  	s4 =	simm.s32 $_size__tile_overlayer_lowered;
	s5 =	simm.s32 $_tile_overlayer_lowered  }
0x9b: {  	s22 =	simm.s32 $0x1BFF;
	s21 =	sshll.u32 s5, $0x1;
	s2 =	sadd.s32 s19, s18  }
0x9c: {  	s6 =	simm.s32 $0x0;
	s20 =	sshll.u32 s4, $0x1;
	s4 =	sadd.s32 s21, s2  }
0x9d: {  	[timem:s6], [sflag:s22] =	dma.local [hbm:s4], s20  }
0x9e: {  	_ =	swait.ge [sflag:s22], s20  }
0x9f: {  	s3 =	ssub.s32 $0x0, s20;
	[sflag:s22] =	ssyncset.done $0x0  }
0xa0: {  	[sflag:s22] =	ssyncadd.s32 s3;
	_ =	sdelay $0x1  }
0xa1: {  	s23 =	simm.s32 $0x1B8B  }
0xa2: {  	_ =	swait.ge [sflag:s23], $0x1  }
0xa3: {  	[sflag:s23] =	ssyncset.done $0x0  }
0xa4: {  	s25 =	simm.s32 $0x1B8E;
	s24 =	sld [smem:$0x3FFE];
	[sflag:s23] =	ssyncadd.s32 $0xFFFFFFFF  }
0xa5: {  	s26 =	simm.s32 $execute0_lowered;
	[smem:$0x3FD2] =	sst s25  }
0xa6: {  	s4 =	sshll.u32 s26, $0x1;
	_ =	strace $0x80000046;
	[dreg:$0x1] =	wrdreg $0xFFFFFFFF  }
0xa7: {  	s28 =	simm.s32 $_size_execute0_lowered;
	s2 =	sadd.s32 s2, s4;
	[dreg:$0x0] =	wrdreg $0x0  }
0xa8: {  	s4 =	sshll.u32 s28, $0x1;
	[dreg:$0x2] =	wrdreg s2  }
0xa9: {  	[dreg:$0x3] =	wrdreg s4  }
0xaa: {  	[dreg:$0x4] =	wrdreg $0xC0  }
0xab: {  	_ =	task [dreg:s6], $0x5FFFF  }
0xac: {  	[dreg:$0x1] =	wrdreg $0xFFFFFFFF  }
0xad: {  	[dreg:$0x0] =	wrdreg $0x60  }
0xae: {  	[dreg:$0x2] =	wrdreg s24  }
0xaf: {  	[dreg:$0x3] =	wrdreg $0x49000  }
0xb0: {  	[dreg:$0x4] =	wrdreg $0x9  }
0xb1: {  	_ =	task.clear_ibuf [dreg:s6], $0x5FFFF;
	_ =	strace $0x90000046  }
0xb2: {  	s29 =	simm.s32 $0x9;
	_ =	strace $0x80000048  }
0xb3: {  	_ =	swait.ge [sflag:s29], $0x1  }
0xb4: {  	[sflag:s29] =	ssyncadd.s32 $0xFFFFFFFF  }
0xb5: {  	_ =	strace $0x90000048  }
0xb6: {  	_ =	sfence  }
0xb7: {  	s30 =	sld [smem:$0x0];
	_ =	sdelay $0x2  }
0xb8: {  	s31 =	sshll.u32 s1, $0xD;
	s1 =	sshrl.u32 s1, $0x2  }
0xb9: {  	s3 =	sand.u32 $0x4000, s31;
	s1 =	sadd.s32 s1, s30  }
0xba: {  	s0 =	sor.u32 s3, s0;
	s1 =	sshll.u32 s1, $0x11  }
0xbb: {  	s0 =	sor.u32 s1, s0  }
0xbc: {  	s0 =	sadd.s32 $0x8F2B, s0  }
0xbd: {  	[sflag:s0] =	ssyncadd.remote.s32 $0x1  }
0xbe: {  	_ =	sfence.sel $0xFFFF  }
0xbf: {  	[dreg:$0x0] =	wrdreg $0xFFFFFFFF;
	(pc) =	sbr.abs _section_cstart, $3  }
0xc0: {  	[dreg:$0x1] =	wrdreg $0xFFFFFFFF  }
0xc1: {  	_ =	task.clear_ibuf [dreg:s6], $0x2FFFF;
	_ =	strace $0x9FFFFFFF  }
0xc2: {  	(tm) =	ssettm $0x7FFFFFFF  }
0xc3: {  	_ =	shalt  }
tec
execute0_lowered:
.L_overlay_start_1:
0x0: {  	(tag) =	ssettag $0x1  }
0x1: {  	s5 =	rddreg [dreg:$0x0]  }
0x2: {  	s1 =	srdreg.scid;
	s0 =	stileid.u32  }
0x3: {  	s2 =	rddreg [dreg:$0x1];
	s3 =	simm.s32 $0x0;
	s4 =	smul.u32 $0x5000, s0  }
0x4: {  	s15 =	simm.s32 $0x1;
	s17 =	simm.s32 $0x0;
	s8 =	smul.u32 $0xA00, s0  }
0x5: {  	s6 =	sand.u32 $0x1, s1;
	s1 =	rddreg [dreg:$0x2];
	s9 =	smul.u32 $0x2800, s0  }
0x6: {  	[smem:$0x7FF] =	sst s3;
	s12 =	smul.u32 $0x50000, s0;
	s13 =	sadd.s32 $0x7D600, s5  }
0x7: {  	p0 =	seq.s32 s0, $0xF;
	s16 =	sadd.s32 $0x12C000, s2;
	s7 =	smul.u32 $0x50000, s6  }
0x8: {  	_ =	strace $0x80000047;
	s25 =	ssub.s32 $0x2, s6;
	s28 =	smul.u32 $0x138800, s6  }
0x9: {  	s29 =	smul.u32 $0x27100, s6;
	s16 =	sshrl.u32 @p0 s16, $0x3;
	s10 =	sadd.s32 s8, s5  }
0xa: {  	s26 =	sshrl.u32 s25, $0x1;
	s30 =	sshrl.u32 s12, $0x2;
	s12 =	simm.s32 $0x2  }
0xb: {  	s7 =	sadd.s32 s4, s7;
	s4 =	sadd.s32 $0x2F400, s5;
	s14 =	ssub.s32 s25, s26  }
0xc: {  	s6 =	sadd.s32 s30, s2;
	s8 =	sadd.s32 s9, s29;
	s10 =	sadd.s32 $0x25400, s10  }
0xd: {  	s7 =	sshrl.u32 s7, $0x3;
	s9 =	smax.u32 s14, $0x1;
	s14 =	simm.s32 $0x100  }
0xe: {  	s11 =	sadd.s32 s7, s5;
	s5 =	simm.s32 $0x19;
	s7 =	sshrl.u32 s28, $0x3  }
0xf: {  	s5 =	simm.s32 @!p0 $0x28;
	s31 =	sadd.s32 s13, s7;
	s7 =	sadd.s32 s13, s8  }
0x10: {  	v0 =	vimm.f32 $0.0e+00;
	s11 =	sadd.s32 $0x11400, s11;
	s13 =	simm.s32 $0x80;
	s8 =	sadd.s32 $0x25800, s31  }
.LBB2_1:
0x11: {  	s18 =	simm.s32 $0x0;
	s19 =	simm.s32 $0x0  }
.LBB2_2:
0x12: {  	p1 =	sne.s32 s19, $0x1FC0  }
.Ltmp0:
0x13: {  	_ = 	snop;
	(pc) =	sbr.rel @p1 .LBB2_2-.Ltmp0, $4  }
0x14: {  	s20 =	sand.u32 $0x1E00, s19  }
0x15: {  	s21 =	sand.u32 $0x70, s18;
	s20 =	sshrl.u32 s20, $0x2  }
0x16: {  	s20 =	sor.u32 s21, s20  }
0x17: {  	s18 =	sadd.s32 $0x10, s18;
	s19 =	sadd.s32 $0x40, s19;
	[tilespmem:s20+$0x4100] =	vst v0  }
0x18: {  	p1 =	sle.u32 s5, $0x0  }
0x19: {  	s18 =	simm.s32 @!p1 $0x4100;
	s20 =	simm.s32 @!p1 $0x2  }
0x1a: {  	[spmem:s6] =	stream.linear.scatter @!p1 [tilespmem:s18], [sflag:$0x2], $0x800, $0x38;
	[tilespmem:$0x18200] =	vst v63  }
0x1b: {  	_ =	swait.ge @!p1 [sflag:s20], $0x800  }
0x1c: {  	s19 =	smov.u32 s6;
	s18 =	simm.s32 $0x1;
	[sflag:s20] =	ssyncset.done @!p1 $0x0  }
.LBB2_4:
0x1d: {  	[sflag:s20] =	ssyncadd.s32 @!p1 $0xFFFFF800;
	s20 =	smov.u32 s18;
	s18 =	sadd.s32 $0x1, s18  }
0x1e: {  	s19 =	sadd.s32 $0x800, s19;
	p2 =	sne.s32 s18, $0x28  }
.Ltmp1:
0x1f: {  	p1 =	sge.u32 s20, s5;
	(pc) =	sbr.rel @p2 .LBB2_4-.Ltmp1, $4  }
0x20: {  	s21 =	simm.s32 @!p1 $0x4100;
	s20 =	simm.s32 @!p1 $0x2  }
0x21: {  	[spmem:s19] =	stream.linear.scatter @!p1 [tilespmem:s21], [sflag:$0x2], $0x800, $0x38;
	[tilespmem:$0x18200] =	vst v63  }
0x22: {  	_ =	swait.ge @!p1 [sflag:s20], $0x800  }
0x23: {  	[sflag:s20] =	ssyncset.done @!p1 $0x0  }
0x24: {  	[sflag:s20] =	ssyncadd.s32 @!p1 $0xFFFFF800  }
0x25: {  	s18 =	sadd.s32 $0x0, s11;
	[bflag:$0x0] =	sbarrier.arrive $0xFFFF  }
0x26: {  	[tilespmem:s3], [sflag:$0x2] =	stream.linear.gather [hbm4b:s18+s3], $0x80, $0x38;
	[tilespmem:$0x18200] =	vst v63  }
0x27: {  	_ =	swait.ge [sflag:s12], $0x80  }
0x28: {  	[sflag:s12] =	ssyncset.done $0x0  }
0x29: {  	s31 =	sadd.s32 $0x0, s10;
	[sflag:s12] =	ssyncadd.s32 $0xFFFFFF80  }
0x2a: {  	[tilespmem:s13], [sflag:$0x2] =	stream.linear.gather [hbm4b:s31+s3], $0x80, $0x38;
	[tilespmem:$0x18200] =	vst v63  }
0x2b: {  	_ =	swait.ge [sflag:s12], $0x80  }
0x2c: {  	[sflag:s12] =	ssyncset.done $0x0  }
0x2d: {  	[sflag:s12] =	ssyncadd.s32 $0xFFFFFF80  }
0x2e: {  	[tilespmem:s14], [sflag:$0x1] =	stream.indirect.gather [hbm4b:s4+s13], $0x80, s3, s13, $0xb8;
	[tilespmem:$0x18200] =	vst v63  }
0x2f: {  	_ =	swait.ge [sflag:s15], $0x4000  }
0x30: {  	[sflag:s15] =	ssyncset.done $0x0  }
0x31: {  	[sflag:s15] =	ssyncadd.s32 $0xFFFFC000  }
0x32: {  	[spmem:s2] =	stream.indirect.scatter.add.f32 [tilespmem:s14], [sflag:$0x2], $0x80, s13, s13, $0xb8;
	[tilespmem:$0x18200] =	vst v63  }
0x33: {  	_ =	swait.ge [sflag:s12], $0x4000  }
0x34: {  	s19 =	simm.s32 $0x20;
	s18 =	simm.s32 $0x10;
	[sflag:s12] =	ssyncset.done $0x0  }
.LBB2_6:
0x35: {  	s20 =	sadd.s32 s18, s11  }
0x36: {  	[sflag:s12] =	ssyncadd.s32 $0xFFFFC000;
	s21 =	smov.u32 s19;
	s22 =	sadd.s32 $0x10, s19  }
0x37: {  	[tilespmem:s3], [sflag:$0x2] =	stream.linear.gather [hbm4b:s20+s3], $0x80, $0x38;
	[tilespmem:$0x18200] =	vst v63  }
0x38: {  	p1 =	sne.s32 s19, $0x9F0;
	_ =	swait.ge [sflag:s12], $0x80  }
0x39: {  	[sflag:s12] =	ssyncset.done $0x0  }
0x3a: {  	s19 =	sadd.s32 s18, s10;
	s18 =	smov.u32 s21;
	[sflag:s12] =	ssyncadd.s32 $0xFFFFFF80  }
0x3b: {  	[tilespmem:s13], [sflag:$0x2] =	stream.linear.gather [hbm4b:s19+s3], $0x80, $0x38;
	[tilespmem:$0x18200] =	vst v63  }
0x3c: {  	_ =	swait.ge [sflag:s12], $0x80  }
0x3d: {  	[sflag:s12] =	ssyncset.done $0x0  }
0x3e: {  	[sflag:s12] =	ssyncadd.s32 $0xFFFFFF80  }
0x3f: {  	[tilespmem:s14], [sflag:$0x1] =	stream.indirect.gather [hbm4b:s4+s13], $0x80, s3, s13, $0xb8;
	[tilespmem:$0x18200] =	vst v63  }
0x40: {  	_ =	swait.ge [sflag:s15], $0x4000  }
.Ltmp2:
0x41: {  	[sflag:s15] =	ssyncset.done $0x0;
	(pc) =	sbr.rel @p1 .LBB2_6-.Ltmp2, $4  }
0x42: {  	[sflag:s15] =	ssyncadd.s32 $0xFFFFC000  }
0x43: {  	[spmem:s2] =	stream.indirect.scatter.add.f32 [tilespmem:s14], [sflag:$0x2], $0x80, s13, s13, $0xb8;
	[tilespmem:$0x18200] =	vst v63  }
0x44: {  	_ =	swait.ge [sflag:s12], $0x4000  }
0x45: {  	s19 =	smov.u32 s22;
	[sflag:s12] =	ssyncset.done $0x0  }
0x46: {  	s19 =	sadd.s32 s18, s11;
	[sflag:s12] =	ssyncadd.s32 $0xFFFFC000  }
0x47: {  	[tilespmem:s3], [sflag:$0x2] =	stream.linear.gather [hbm4b:s19+s3], $0x80, $0x38;
	[tilespmem:$0x18200] =	vst v63  }
0x48: {  	_ =	swait.ge [sflag:s12], $0x80  }
0x49: {  	[sflag:s12] =	ssyncset.done $0x0  }
0x4a: {  	s31 =	sadd.s32 s18, s10;
	[sflag:s12] =	ssyncadd.s32 $0xFFFFFF80  }
0x4b: {  	[tilespmem:s13], [sflag:$0x2] =	stream.linear.gather [hbm4b:s31+s3], $0x80, $0x38;
	[tilespmem:$0x18200] =	vst v63  }
0x4c: {  	_ =	swait.ge [sflag:s12], $0x80  }
0x4d: {  	[sflag:s12] =	ssyncset.done $0x0  }
0x4e: {  	[sflag:s12] =	ssyncadd.s32 $0xFFFFFF80  }
0x4f: {  	[tilespmem:s14], [sflag:$0x1] =	stream.indirect.gather [hbm4b:s4+s13], $0x80, s3, s13, $0xb8;
	[tilespmem:$0x18200] =	vst v63  }
0x50: {  	_ =	swait.ge [sflag:s15], $0x4000  }
0x51: {  	[sflag:s15] =	ssyncset.done $0x0  }
0x52: {  	[sflag:s15] =	ssyncadd.s32 $0xFFFFC000  }
0x53: {  	[spmem:s2] =	stream.indirect.scatter.add.f32 [tilespmem:s14], [sflag:$0x2], $0x80, s13, s13, $0xb8;
	[tilespmem:$0x18200] =	vst v63  }
0x54: {  	_ =	swait.ge [sflag:s12], $0x4000  }
0x55: {  	[sflag:s12] =	ssyncset.done $0x0  }
0x56: {  	[sflag:s12] =	ssyncadd.s32 $0xFFFFC000  }
0x57: {  	s18 =	simm.s32 @p0 $0x1FC2;
	[bflag:$0x0] =	sbarrier.arrive $0xFFFF  }
0x58: {  	[hbm:s8], [sflag:s18] =	dma.local @p0 [spmem:s16], $0x1900  }
0x59: {  	s18 =	simm.s32 @p0 $0x2  }
0x5a: {  	s17 =	sadd.s32 $0x1, s17;
	_ =	swait.ge @p0 [sflag:s18], $0x1900  }
0x5b: {  	s19 =	sshll.u32 @!p0 s0, $0x6;
	p1 =	sne.s32 s17, s9;
	[sflag:s18] =	ssyncset.done @p0 $0x0  }
0x5c: {  	[sflag:s18] =	ssyncadd.s32 @p0 $0xFFFFE700;
	s18 =	sor.u32 @!p0 $0x1C02, s19;
	s19 =	sshrl.u32 @!p0 s6, $0x3  }
0x5d: {  	[hbm:s7], [sflag:s18] =	dma.local @!p0 [spmem:s19], $0x2800  }
.Ltmp3:
0x5e: {  	_ = 	snop;
	(pc) =	sbr.rel @p1 .LBB2_1-.Ltmp3, $4  }
0x5f: {  	s18 =	simm.s32 @!p0 $0x2  }
0x60: {  	_ =	swait.ge @!p0 [sflag:s18], $0x2800  }
0x61: {  	[sflag:s18] =	ssyncset.done @!p0 $0x0  }
0x62: {  	[sflag:s18] =	ssyncadd.s32 @!p0 $0xFFFFD800  }
0x63: {  	_ =	sfence.sel $0x180000  }
0x64: {  	[bflag:$0x0] =	sbarrier.arrive $0xFFFF  }
0x65: {  	p0 =	sne.s32 s0, $0x0;
	_ =	strace $0x90000047  }
0x66: {  	s0 =	sadd.s32 @!p0 $0x100000, s1;
	[bflag:$0x2] =	sbarrier.arrive $0xFFFF  }
0x67: {  	[sflag:s0] =	ssyncadd.tile.s32 @!p0 $0x1;
	_ =	shalt  }
.Lfunc_end2:
_tile_overlayer_lowered:
.L_overlay_start_2:
0x68: {  	(tag) =	ssettag $0x2  }
0x69: {  	s0 =	rddreg [dreg:$0x0];
	s2 =	stileid.u32  }
0x6a: {  	s1 =	rddreg [dreg:$0x1];
	p0 =	sne.s32 s2, $0x0  }
0x6b: {  	s3 =	rddreg [dreg:$0x2];
	[bflag:$0x3] =	sbarrier.arrive $0xFFFF;
	s2 =	simm.s32 @!p0 $0x1C02  }
0x6c: {  	[timem:s3], [sflag:s2] =	dma.local @!p0 [hbm:s0], s1  }
0x6d: {  	s0 =	simm.s32 @!p0 $0x2  }
0x6e: {  	_ =	swait.ge @!p0 [sflag:s0], s1  }
0x6f: {  	s1 =	ssub.s32 @!p0 $0x0, s1;
	[sflag:s0] =	ssyncset.done @!p0 $0x0  }
0x70: {  	[sflag:s0] =	ssyncadd.s32 @!p0 s1  }
0x71: {  	[bflag:$0x3] =	sbarrier.arrive $0xFFFF  }
0x72: {  	_ =	shalt  }

// kernel: kernel.16.cloned.1.call-start
scs
__scs_entry_jumppad:
0x0: {  	(pc) =	sbr.rel $0x88, $3  }
0x1: {  	(tag) =	ssettag $0x0;
	lr =	simm.s32 $0x1  }
0x2: {  	[smem:$0x3F95] =	sst lr;
	_ =	strace $0xD0000000  }
0x3: {  	_ = 	snop  }
0x4: {  	_ = 	snop  }
0x5: {  	_ = 	snop  }
0x6: {  	_ = 	snop  }
0x7: {  	_ = 	snop  }
__scs_overlays_trampoline_lowered:
0x8: {  	[smem:$0x3FA4] =	sst s0  }
0x9: {  	[smem:$0x3FA5] =	sst s1  }
0xa: {  	[smem:$0x3FA6] =	sst s2  }
0xb: {  	[smem:$0x3FA7] =	sst s3  }
0xc: {  	[smem:$0x3FA8] =	sst s4  }
0xd: {  	[smem:$0x3FA9] =	sst s5  }
0xe: {  	[smem:$0x3FAA] =	sst s6  }
0xf: {  	[smem:$0x3FAB] =	sst s7  }
0x10: {  	[smem:$0x3FAC] =	sst s8  }
0x11: {  	[smem:$0x3FAD] =	sst s9;
	s0 =	simm.s32 @!p0 $0x0  }
0x12: {  	s1 =	sld [smem:$0x3F93];
	s0 =	simm.s32 @p0 $0x1  }
0x13: {  	[smem:$0x3FAE] =	sst s0;
	s0 =	simm.s32 @!p1 $0x0  }
0x14: {  	s2 =	sld [smem:$0x3F92];
	s0 =	simm.s32 @p1 $0x1  }
0x15: {  	[smem:$0x3FAF] =	sst s0;
	s0 =	simm.s32 @!p2 $0x0  }
0x16: {  	s3 =	sld [smem:$0x3FDB];
	s0 =	simm.s32 @p2 $0x1  }
0x17: {  	s4 =	simm.s32 $0x1BF5;
	[smem:$0x3FB1] =	sst s0  }
0x18: {  	s0 =	sld [smem:$0x3F94];
	_ =	swait.ge [sflag:s4], $0x0  }
0x19: {  	s7 =	sld [smem:$0x3F95]  }
0x1a: {  	s8 =	sadd.s32 $0xFFFFE003, lr  }
0x1b: {  	s9 =	sadd.s32 $0xFFFFFEF7, lr;
	s5 =	simm.s32 $0xFFFFFFFF;
	p2 =	slt.u32 s8, $0xFFFFF086  }
0x1c: {  	p1 =	slt.u32 s9, $0xF7A;
	s5 =	simm.s32 @!p2 $0x0  }
0x1d: {  	s5 =	simm.s32 @p1 $0x1;
	p0 =	seq.s32 s7, s2  }
0x1e: {  	s7 =	smul.u32 @!p0 $0xF7A, s2;
	p2 =	seq.s32 @!p0 s5, $0x0  }
0x1f: {  	s9 =	smul.u32 $0xF7A, s1;
	s8 =	simm.s32 @!p0 $0x1BF5;
	p2 =	por !p2, p0  }
0x20: {  	[sflag:s8] =	ssyncset.s32 @!p0 $0xFFFFF086;
	s6 =	sadd.s32 @!p0 s3, s7;
	s7 =	simm.s32 @!p0 $0x108  }
0x21: {  	s3 =	sadd.s32 s3, s9;
	s6 =	sadd.s32 @!p0 $0x88, s6;
	s7 =	simm.s32 @p2 $0x1082  }
0x22: {  	[simem:s7], [sflag:s8] =	dma.local @!p0 [hbm:s6], $0xF7A  }
0x23: {  	s9 =	sor.u32 $0xD0000000, s2;
	s6 =	simm.s32 $0x108;
	_ =	swait.ge @!p0 [sflag:s8], $0x0  }
0x24: {  	s3 =	sadd.s32 $0x88, s3;
	s6 =	simm.s32 @!p1 $0x1082;
	[sflag:s4] =	ssyncset.s32 $0xFFFFF086  }
0x25: {  	[simem:s6], [sflag:s4] =	dma.local [hbm:s3], $0xF7A  }
0x26: {  	[smem:$0x3F95] =	sst s1;
	(tag) =	ssettag s2;
	_ =	strace s9  }
0x27: {  	s1 =	sld [smem:$0x3FA5]  }
0x28: {  	s2 =	sld [smem:$0x3FA6]  }
0x29: {  	s4 =	sld [smem:$0x3FA8]  }
0x2a: {  	p0 =	seq.s32 s5, $0x0;
	s5 =	sld [smem:$0x3FA9]  }
0x2b: {  	s6 =	sld [smem:$0x3FAA]  }
0x2c: {  	s7 =	sld [smem:$0x3FAB]  }
0x2d: {  	s3 =	simm.s32 $0x108;
	s8 =	sld [smem:$0x3FAC]  }
0x2e: {  	s3 =	simm.s32 @!p0 $0x1082;
	s9 =	sld [smem:$0x3FAD]  }
0x2f: {  	lr =	sadd.s32 s0, s3;
	s0 =	sld [smem:$0x3FA4]  }
0x30: {  	s3 =	sld [smem:$0x3FA7]  }
0x31: {  	[smem:$0x3FB0] =	sst s10  }
0x32: {  	s10 =	sld [smem:$0x3FAE];
	_ =	sdelay $0x3  }
0x33: {  	p0 =	seq.s32 s10, $0x1;
	s10 =	sld [smem:$0x3FB0];
	_ =	sdelay $0x3  }
0x34: {  	[smem:$0x3FB0] =	sst s10  }
0x35: {  	s10 =	sld [smem:$0x3FAF];
	_ =	sdelay $0x3  }
0x36: {  	p1 =	seq.s32 s10, $0x1;
	s10 =	sld [smem:$0x3FB0];
	_ =	sdelay $0x3  }
0x37: {  	[smem:$0x3FB0] =	sst s10  }
0x38: {  	s10 =	sld [smem:$0x3FB1]  }
0x39: {  	_ = 	snop;
	(pc) =	sbr.ind lr, $3  }
0x3a: {  	_ = 	snop  }
0x3b: {  	_ = 	snop  }
0x3c: {  	p2 =	seq.s32 s10, $0x1;
	s10 =	sld [smem:$0x3FB0]  }
0x3d: {  	_ =	shalt  }
0x3e: {  	_ =	shalt  }
0x3f: {  	_ =	shalt  }
0x40: {  	_ =	shalt  }
0x41: {  	_ =	shalt  }
0x42: {  	_ =	shalt  }
0x43: {  	_ =	shalt  }
0x44: {  	_ =	shalt  }
0x45: {  	_ =	shalt  }
0x46: {  	_ =	shalt  }
0x47: {  	_ =	shalt  }
0x48: {  	_ =	shalt  }
0x49: {  	_ =	shalt  }
0x4a: {  	_ =	shalt  }
0x4b: {  	_ =	shalt  }
0x4c: {  	_ =	shalt  }
0x4d: {  	_ =	shalt  }
0x4e: {  	_ =	shalt  }
0x4f: {  	_ =	shalt  }
0x50: {  	_ =	shalt  }
0x51: {  	_ =	shalt  }
0x52: {  	_ =	shalt  }
0x53: {  	_ =	shalt  }
0x54: {  	_ =	shalt  }
0x55: {  	_ =	shalt  }
0x56: {  	_ =	shalt  }
0x57: {  	_ =	shalt  }
0x58: {  	_ =	shalt  }
0x59: {  	_ =	shalt  }
0x5a: {  	_ =	shalt  }
0x5b: {  	_ =	shalt  }
0x5c: {  	_ =	shalt  }
0x5d: {  	_ =	shalt  }
0x5e: {  	_ =	shalt  }
0x5f: {  	_ =	shalt  }
0x60: {  	_ =	shalt  }
0x61: {  	_ =	shalt  }
0x62: {  	_ =	shalt  }
0x63: {  	_ =	shalt  }
0x64: {  	_ =	shalt  }
0x65: {  	_ =	shalt  }
0x66: {  	_ =	shalt  }
0x67: {  	_ =	shalt  }
0x68: {  	_ =	shalt  }
0x69: {  	_ =	shalt  }
0x6a: {  	_ =	shalt  }
0x6b: {  	_ =	shalt  }
0x6c: {  	_ =	shalt  }
0x6d: {  	_ =	shalt  }
0x6e: {  	_ =	shalt  }
0x6f: {  	_ =	shalt  }
0x70: {  	_ =	shalt  }
0x71: {  	_ =	shalt  }
0x72: {  	_ =	shalt  }
0x73: {  	_ =	shalt  }
0x74: {  	_ =	shalt  }
0x75: {  	_ =	shalt  }
0x76: {  	_ =	shalt  }
0x77: {  	_ =	shalt  }
0x78: {  	_ =	shalt  }
0x79: {  	_ =	shalt  }
0x7a: {  	_ =	shalt  }
0x7b: {  	_ =	shalt  }
0x7c: {  	_ =	shalt  }
0x7d: {  	_ =	shalt  }
0x7e: {  	_ =	shalt  }
0x7f: {  	_ =	shalt  }
0x80: {  	_ =	shalt  }
0x81: {  	_ =	shalt  }
0x82: {  	_ =	shalt  }
0x83: {  	_ =	shalt  }
0x84: {  	_ =	shalt  }
0x85: {  	_ =	shalt  }
0x86: {  	_ =	shalt  }
0x87: {  	_ =	shalt  }
.Lfunc_end0:
.L_simem_size_0:
called_computation.1_lowered:
.L_overlay_start_0:
0x88: {  	s2 =	sld [smem:$0x3FD9]  }
0x89: {  	s3 =	sld [smem:$0x3FFE];
	_ =	sdelay $0x1  }
0x8a: {  	s1 =	srdreg.scid  }
0x8b: {  	s0 =	sand.u32 $0x1, s1  }
0x8c: {  	s16 =	sshll.u32 s0, $0xA;
	s2 =	sadd.s32 s3, s2  }
0x8d: {  	s2 =	sadd.s32 s2, s16  }
0x8e: {  	[smem:$0x3FBC] =	sst s2  }
0x8f: {  	_ = 	snop  }
0x90: {  	(tm) =	ssettm $0x1  }
0x91: {  	s17 =	sld [smem:$0x3FFB];
	_ =	sdelay $0x3  }
0x92: {  	_ =	strace s17  }
0x93: {  	s2 =	sld [smem:$0x3FFC];
	_ =	sdelay $0x3  }
0x94: {  	_ =	strace s2  }
0x95: {  	s2 =	sld [smem:$0x3FFD];
	_ =	sdelay $0x3  }
0x96: {  	_ =	strace s2  }
0x97: {  	_ =	strace $0x8FFFFFFF  }
0x98: {  	s18 =	sld [smem:$0x3FDB];
	_ =	sdelay $0x1  }
0x99: {  	s19 =	simm.s32 $_scs_section_size  }
0x9a: {  	s4 =	simm.s32 $_size__tile_overlayer_lowered;
	s5 =	simm.s32 $_tile_overlayer_lowered  }
0x9b: {  	s22 =	simm.s32 $0x1BFF;
	s21 =	sshll.u32 s5, $0x1;
	s2 =	sadd.s32 s19, s18  }
0x9c: {  	s6 =	simm.s32 $0x0;
	s20 =	sshll.u32 s4, $0x1;
	s4 =	sadd.s32 s21, s2  }
0x9d: {  	[timem:s6], [sflag:s22] =	dma.local [hbm:s4], s20  }
0x9e: {  	_ =	swait.ge [sflag:s22], s20  }
0x9f: {  	s3 =	ssub.s32 $0x0, s20;
	[sflag:s22] =	ssyncset.done $0x0  }
0xa0: {  	[sflag:s22] =	ssyncadd.s32 s3;
	_ =	sdelay $0x1  }
0xa1: {  	s23 =	simm.s32 $0x1B8B  }
0xa2: {  	_ =	swait.ge [sflag:s23], $0x1  }
0xa3: {  	[sflag:s23] =	ssyncset.done $0x0  }
0xa4: {  	s25 =	simm.s32 $0x1B8E;
	s24 =	sld [smem:$0x3FFE];
	[sflag:s23] =	ssyncadd.s32 $0xFFFFFFFF  }
0xa5: {  	s26 =	simm.s32 $execute0_lowered;
	[smem:$0x3FD2] =	sst s25  }
0xa6: {  	s4 =	sshll.u32 s26, $0x1;
	_ =	strace $0x80000049;
	[dreg:$0x1] =	wrdreg $0xFFFFFFFF  }
0xa7: {  	s28 =	simm.s32 $_size_execute0_lowered;
	s2 =	sadd.s32 s2, s4;
	[dreg:$0x0] =	wrdreg $0x0  }
0xa8: {  	s4 =	sshll.u32 s28, $0x1;
	[dreg:$0x2] =	wrdreg s2  }
0xa9: {  	[dreg:$0x3] =	wrdreg s4  }
0xaa: {  	[dreg:$0x4] =	wrdreg $0xC0  }
0xab: {  	_ =	task [dreg:s6], $0x5FFFF  }
0xac: {  	[dreg:$0x1] =	wrdreg $0xFFFFFFFF  }
0xad: {  	[dreg:$0x0] =	wrdreg $0x60  }
0xae: {  	[dreg:$0x2] =	wrdreg s24  }
0xaf: {  	[dreg:$0x3] =	wrdreg $0x49000  }
0xb0: {  	[dreg:$0x4] =	wrdreg $0x9  }
0xb1: {  	_ =	task.clear_ibuf [dreg:s6], $0x5FFFF;
	_ =	strace $0x90000049  }
0xb2: {  	s29 =	simm.s32 $0x9;
	_ =	strace $0x8000004B  }
0xb3: {  	_ =	swait.ge [sflag:s29], $0x1  }
0xb4: {  	[sflag:s29] =	ssyncadd.s32 $0xFFFFFFFF  }
0xb5: {  	_ =	strace $0x9000004B  }
0xb6: {  	_ =	sfence  }
0xb7: {  	s30 =	sld [smem:$0x0];
	_ =	sdelay $0x2  }
0xb8: {  	s31 =	sshll.u32 s1, $0xD;
	s1 =	sshrl.u32 s1, $0x2  }
0xb9: {  	s3 =	sand.u32 $0x4000, s31;
	s1 =	sadd.s32 s1, s30  }
0xba: {  	s0 =	sor.u32 s3, s0;
	s1 =	sshll.u32 s1, $0x11  }
0xbb: {  	s0 =	sor.u32 s1, s0  }
0xbc: {  	s0 =	sadd.s32 $0x8F2B, s0  }
0xbd: {  	[sflag:s0] =	ssyncadd.remote.s32 $0x1  }
0xbe: {  	_ =	sfence.sel $0xFFFF  }
0xbf: {  	[dreg:$0x0] =	wrdreg $0xFFFFFFFF;
	(pc) =	sbr.abs _section_cstart, $3  }
0xc0: {  	[dreg:$0x1] =	wrdreg $0xFFFFFFFF  }
0xc1: {  	_ =	task.clear_ibuf [dreg:s6], $0x2FFFF;
	_ =	strace $0x9FFFFFFF  }
0xc2: {  	(tm) =	ssettm $0x7FFFFFFF  }
0xc3: {  	_ =	shalt  }
tec
execute0_lowered:
.L_overlay_start_1:
0x0: {  	(tag) =	ssettag $0x1  }
0x1: {  	s5 =	rddreg [dreg:$0x0]  }
0x2: {  	s1 =	srdreg.scid;
	s0 =	stileid.u32  }
0x3: {  	s2 =	rddreg [dreg:$0x1];
	s3 =	simm.s32 $0x0;
	s4 =	smul.u32 $0x5000, s0  }
0x4: {  	s15 =	simm.s32 $0x1;
	s17 =	simm.s32 $0x0;
	s8 =	smul.u32 $0xA00, s0  }
0x5: {  	s6 =	sand.u32 $0x1, s1;
	s1 =	rddreg [dreg:$0x2];
	s9 =	smul.u32 $0x2800, s0  }
0x6: {  	[smem:$0x7FF] =	sst s3;
	s12 =	smul.u32 $0x50000, s0;
	s13 =	sadd.s32 $0x7D600, s5  }
0x7: {  	p0 =	seq.s32 s0, $0xF;
	s16 =	sadd.s32 $0x12C000, s2;
	s7 =	smul.u32 $0x50000, s6  }
0x8: {  	_ =	strace $0x8000004A;
	s25 =	ssub.s32 $0x2, s6;
	s28 =	smul.u32 $0x138800, s6  }
0x9: {  	s29 =	smul.u32 $0x27100, s6;
	s16 =	sshrl.u32 @p0 s16, $0x3;
	s10 =	sadd.s32 s8, s5  }
0xa: {  	s26 =	sshrl.u32 s25, $0x1;
	s30 =	sshrl.u32 s12, $0x2;
	s12 =	simm.s32 $0x2  }
0xb: {  	s7 =	sadd.s32 s4, s7;
	s4 =	sadd.s32 $0x2F400, s5;
	s14 =	ssub.s32 s25, s26  }
0xc: {  	s6 =	sadd.s32 s30, s2;
	s8 =	sadd.s32 s9, s29;
	s10 =	sadd.s32 $0x25400, s10  }
0xd: {  	s7 =	sshrl.u32 s7, $0x3;
	s9 =	smax.u32 s14, $0x1;
	s14 =	simm.s32 $0x100  }
0xe: {  	s11 =	sadd.s32 s7, s5;
	s5 =	simm.s32 $0x19;
	s7 =	sshrl.u32 s28, $0x3  }
0xf: {  	s5 =	simm.s32 @!p0 $0x28;
	s31 =	sadd.s32 s13, s7;
	s7 =	sadd.s32 s13, s8  }
0x10: {  	v0 =	vimm.f32 $0.0e+00;
	s11 =	sadd.s32 $0x11400, s11;
	s13 =	simm.s32 $0x80;
	s8 =	sadd.s32 $0x25800, s31  }
.LBB2_1:
0x11: {  	s18 =	simm.s32 $0x0;
	s19 =	simm.s32 $0x0  }
.LBB2_2:
0x12: {  	p1 =	sne.s32 s19, $0x1FC0  }
.Ltmp0:
0x13: {  	_ = 	snop;
	(pc) =	sbr.rel @p1 .LBB2_2-.Ltmp0, $4  }
0x14: {  	s20 =	sand.u32 $0x1E00, s19  }
0x15: {  	s21 =	sand.u32 $0x70, s18;
	s20 =	sshrl.u32 s20, $0x2  }
0x16: {  	s20 =	sor.u32 s21, s20  }
0x17: {  	s18 =	sadd.s32 $0x10, s18;
	s19 =	sadd.s32 $0x40, s19;
	[tilespmem:s20+$0x4100] =	vst v0  }
0x18: {  	p1 =	sle.u32 s5, $0x0  }
0x19: {  	s18 =	simm.s32 @!p1 $0x4100;
	s20 =	simm.s32 @!p1 $0x2  }
0x1a: {  	[spmem:s6] =	stream.linear.scatter @!p1 [tilespmem:s18], [sflag:$0x2], $0x800, $0x38;
	[tilespmem:$0x18200] =	vst v63  }
0x1b: {  	_ =	swait.ge @!p1 [sflag:s20], $0x800  }
0x1c: {  	s19 =	smov.u32 s6;
	s18 =	simm.s32 $0x1;
	[sflag:s20] =	ssyncset.done @!p1 $0x0  }
.LBB2_4:
0x1d: {  	[sflag:s20] =	ssyncadd.s32 @!p1 $0xFFFFF800;
	s20 =	smov.u32 s18;
	s18 =	sadd.s32 $0x1, s18  }
0x1e: {  	s19 =	sadd.s32 $0x800, s19;
	p2 =	sne.s32 s18, $0x28  }
.Ltmp1:
0x1f: {  	p1 =	sge.u32 s20, s5;
	(pc) =	sbr.rel @p2 .LBB2_4-.Ltmp1, $4  }
0x20: {  	s21 =	simm.s32 @!p1 $0x4100;
	s20 =	simm.s32 @!p1 $0x2  }
0x21: {  	[spmem:s19] =	stream.linear.scatter @!p1 [tilespmem:s21], [sflag:$0x2], $0x800, $0x38;
	[tilespmem:$0x18200] =	vst v63  }
0x22: {  	_ =	swait.ge @!p1 [sflag:s20], $0x800  }
0x23: {  	[sflag:s20] =	ssyncset.done @!p1 $0x0  }
0x24: {  	[sflag:s20] =	ssyncadd.s32 @!p1 $0xFFFFF800  }
0x25: {  	s18 =	sadd.s32 $0x0, s11;
	[bflag:$0x0] =	sbarrier.arrive $0xFFFF  }
0x26: {  	[tilespmem:s3], [sflag:$0x2] =	stream.linear.gather [hbm4b:s18+s3], $0x80, $0x38;
	[tilespmem:$0x18200] =	vst v63  }
0x27: {  	_ =	swait.ge [sflag:s12], $0x80  }
0x28: {  	[sflag:s12] =	ssyncset.done $0x0  }
0x29: {  	s31 =	sadd.s32 $0x0, s10;
	[sflag:s12] =	ssyncadd.s32 $0xFFFFFF80  }
0x2a: {  	[tilespmem:s13], [sflag:$0x2] =	stream.linear.gather [hbm4b:s31+s3], $0x80, $0x38;
	[tilespmem:$0x18200] =	vst v63  }
0x2b: {  	_ =	swait.ge [sflag:s12], $0x80  }
0x2c: {  	[sflag:s12] =	ssyncset.done $0x0  }
0x2d: {  	[sflag:s12] =	ssyncadd.s32 $0xFFFFFF80  }
0x2e: {  	[tilespmem:s14], [sflag:$0x1] =	stream.indirect.gather [hbm4b:s4+s13], $0x80, s3, s13, $0xb8;
	[tilespmem:$0x18200] =	vst v63  }
0x2f: {  	_ =	swait.ge [sflag:s15], $0x4000  }
0x30: {  	[sflag:s15] =	ssyncset.done $0x0  }
0x31: {  	[sflag:s15] =	ssyncadd.s32 $0xFFFFC000  }
0x32: {  	[spmem:s2] =	stream.indirect.scatter.add.f32 [tilespmem:s14], [sflag:$0x2], $0x80, s13, s13, $0xb8;
	[tilespmem:$0x18200] =	vst v63  }
0x33: {  	_ =	swait.ge [sflag:s12], $0x4000  }
0x34: {  	s19 =	simm.s32 $0x20;
	s18 =	simm.s32 $0x10;
	[sflag:s12] =	ssyncset.done $0x0  }
.LBB2_6:
0x35: {  	s20 =	sadd.s32 s18, s11  }
0x36: {  	[sflag:s12] =	ssyncadd.s32 $0xFFFFC000;
	s21 =	smov.u32 s19;
	s22 =	sadd.s32 $0x10, s19  }
0x37: {  	[tilespmem:s3], [sflag:$0x2] =	stream.linear.gather [hbm4b:s20+s3], $0x80, $0x38;
	[tilespmem:$0x18200] =	vst v63  }
0x38: {  	p1 =	sne.s32 s19, $0x9F0;
	_ =	swait.ge [sflag:s12], $0x80  }
0x39: {  	[sflag:s12] =	ssyncset.done $0x0  }
0x3a: {  	s19 =	sadd.s32 s18, s10;
	s18 =	smov.u32 s21;
	[sflag:s12] =	ssyncadd.s32 $0xFFFFFF80  }
0x3b: {  	[tilespmem:s13], [sflag:$0x2] =	stream.linear.gather [hbm4b:s19+s3], $0x80, $0x38;
	[tilespmem:$0x18200] =	vst v63  }
0x3c: {  	_ =	swait.ge [sflag:s12], $0x80  }
0x3d: {  	[sflag:s12] =	ssyncset.done $0x0  }
0x3e: {  	[sflag:s12] =	ssyncadd.s32 $0xFFFFFF80  }
0x3f: {  	[tilespmem:s14], [sflag:$0x1] =	stream.indirect.gather [hbm4b:s4+s13], $0x80, s3, s13, $0xb8;
	[tilespmem:$0x18200] =	vst v63  }
0x40: {  	_ =	swait.ge [sflag:s15], $0x4000  }
.Ltmp2:
0x41: {  	[sflag:s15] =	ssyncset.done $0x0;
	(pc) =	sbr.rel @p1 .LBB2_6-.Ltmp2, $4  }
0x42: {  	[sflag:s15] =	ssyncadd.s32 $0xFFFFC000  }
0x43: {  	[spmem:s2] =	stream.indirect.scatter.add.f32 [tilespmem:s14], [sflag:$0x2], $0x80, s13, s13, $0xb8;
	[tilespmem:$0x18200] =	vst v63  }
0x44: {  	_ =	swait.ge [sflag:s12], $0x4000  }
0x45: {  	s19 =	smov.u32 s22;
	[sflag:s12] =	ssyncset.done $0x0  }
0x46: {  	s19 =	sadd.s32 s18, s11;
	[sflag:s12] =	ssyncadd.s32 $0xFFFFC000  }
0x47: {  	[tilespmem:s3], [sflag:$0x2] =	stream.linear.gather [hbm4b:s19+s3], $0x80, $0x38;
	[tilespmem:$0x18200] =	vst v63  }
0x48: {  	_ =	swait.ge [sflag:s12], $0x80  }
0x49: {  	[sflag:s12] =	ssyncset.done $0x0  }
0x4a: {  	s31 =	sadd.s32 s18, s10;
	[sflag:s12] =	ssyncadd.s32 $0xFFFFFF80  }
0x4b: {  	[tilespmem:s13], [sflag:$0x2] =	stream.linear.gather [hbm4b:s31+s3], $0x80, $0x38;
	[tilespmem:$0x18200] =	vst v63  }
0x4c: {  	_ =	swait.ge [sflag:s12], $0x80  }
0x4d: {  	[sflag:s12] =	ssyncset.done $0x0  }
0x4e: {  	[sflag:s12] =	ssyncadd.s32 $0xFFFFFF80  }
0x4f: {  	[tilespmem:s14], [sflag:$0x1] =	stream.indirect.gather [hbm4b:s4+s13], $0x80, s3, s13, $0xb8;
	[tilespmem:$0x18200] =	vst v63  }
0x50: {  	_ =	swait.ge [sflag:s15], $0x4000  }
0x51: {  	[sflag:s15] =	ssyncset.done $0x0  }
0x52: {  	[sflag:s15] =	ssyncadd.s32 $0xFFFFC000  }
0x53: {  	[spmem:s2] =	stream.indirect.scatter.add.f32 [tilespmem:s14], [sflag:$0x2], $0x80, s13, s13, $0xb8;
	[tilespmem:$0x18200] =	vst v63  }
0x54: {  	_ =	swait.ge [sflag:s12], $0x4000  }
0x55: {  	[sflag:s12] =	ssyncset.done $0x0  }
0x56: {  	[sflag:s12] =	ssyncadd.s32 $0xFFFFC000  }
0x57: {  	s18 =	simm.s32 @p0 $0x1FC2;
	[bflag:$0x0] =	sbarrier.arrive $0xFFFF  }
0x58: {  	[hbm:s8], [sflag:s18] =	dma.local @p0 [spmem:s16], $0x1900  }
0x59: {  	s18 =	simm.s32 @p0 $0x2  }
0x5a: {  	s17 =	sadd.s32 $0x1, s17;
	_ =	swait.ge @p0 [sflag:s18], $0x1900  }
0x5b: {  	s19 =	sshll.u32 @!p0 s0, $0x6;
	p1 =	sne.s32 s17, s9;
	[sflag:s18] =	ssyncset.done @p0 $0x0  }
0x5c: {  	[sflag:s18] =	ssyncadd.s32 @p0 $0xFFFFE700;
	s18 =	sor.u32 @!p0 $0x1C02, s19;
	s19 =	sshrl.u32 @!p0 s6, $0x3  }
0x5d: {  	[hbm:s7], [sflag:s18] =	dma.local @!p0 [spmem:s19], $0x2800  }
.Ltmp3:
0x5e: {  	_ = 	snop;
	(pc) =	sbr.rel @p1 .LBB2_1-.Ltmp3, $4  }
0x5f: {  	s18 =	simm.s32 @!p0 $0x2  }
0x60: {  	_ =	swait.ge @!p0 [sflag:s18], $0x2800  }
0x61: {  	[sflag:s18] =	ssyncset.done @!p0 $0x0  }
0x62: {  	[sflag:s18] =	ssyncadd.s32 @!p0 $0xFFFFD800  }
0x63: {  	_ =	sfence.sel $0x180000  }
0x64: {  	[bflag:$0x0] =	sbarrier.arrive $0xFFFF  }
0x65: {  	p0 =	sne.s32 s0, $0x0;
	_ =	strace $0x9000004A  }
0x66: {  	s0 =	sadd.s32 @!p0 $0x100000, s1;
	[bflag:$0x2] =	sbarrier.arrive $0xFFFF  }
0x67: {  	[sflag:s0] =	ssyncadd.tile.s32 @!p0 $0x1;
	_ =	shalt  }
.Lfunc_end2:
_tile_overlayer_lowered:
.L_overlay_start_2:
0x68: {  	(tag) =	ssettag $0x2  }
0x69: {  	s0 =	rddreg [dreg:$0x0];
	s2 =	stileid.u32  }
0x6a: {  	s1 =	rddreg [dreg:$0x1];
	p0 =	sne.s32 s2, $0x0  }
0x6b: {  	s3 =	rddreg [dreg:$0x2];
	[bflag:$0x3] =	sbarrier.arrive $0xFFFF;
	s2 =	simm.s32 @!p0 $0x1C02  }
0x6c: {  	[timem:s3], [sflag:s2] =	dma.local @!p0 [hbm:s0], s1  }
0x6d: {  	s0 =	simm.s32 @!p0 $0x2  }
0x6e: {  	_ =	swait.ge @!p0 [sflag:s0], s1  }
0x6f: {  	s1 =	ssub.s32 @!p0 $0x0, s1;
	[sflag:s0] =	ssyncset.done @!p0 $0x0  }
0x70: {  	[sflag:s0] =	ssyncadd.s32 @!p0 s1  }
0x71: {  	[bflag:$0x3] =	sbarrier.arrive $0xFFFF  }
0x72: {  	_ =	shalt  }

// kernel: kernel.19.cloned.1.call-start
scs
__scs_entry_jumppad:
0x0: {  	(pc) =	sbr.rel $0x88, $3  }
0x1: {  	(tag) =	ssettag $0x0;
	lr =	simm.s32 $0x1  }
0x2: {  	[smem:$0x3F95] =	sst lr;
	_ =	strace $0xD0000000  }
0x3: {  	_ = 	snop  }
0x4: {  	_ = 	snop  }
0x5: {  	_ = 	snop  }
0x6: {  	_ = 	snop  }
0x7: {  	_ = 	snop  }
__scs_overlays_trampoline_lowered:
0x8: {  	[smem:$0x3FA4] =	sst s0  }
0x9: {  	[smem:$0x3FA5] =	sst s1  }
0xa: {  	[smem:$0x3FA6] =	sst s2  }
0xb: {  	[smem:$0x3FA7] =	sst s3  }
0xc: {  	[smem:$0x3FA8] =	sst s4  }
0xd: {  	[smem:$0x3FA9] =	sst s5  }
0xe: {  	[smem:$0x3FAA] =	sst s6  }
0xf: {  	[smem:$0x3FAB] =	sst s7  }
0x10: {  	[smem:$0x3FAC] =	sst s8  }
0x11: {  	[smem:$0x3FAD] =	sst s9;
	s0 =	simm.s32 @!p0 $0x0  }
0x12: {  	s1 =	sld [smem:$0x3F93];
	s0 =	simm.s32 @p0 $0x1  }
0x13: {  	[smem:$0x3FAE] =	sst s0;
	s0 =	simm.s32 @!p1 $0x0  }
0x14: {  	s2 =	sld [smem:$0x3F92];
	s0 =	simm.s32 @p1 $0x1  }
0x15: {  	[smem:$0x3FAF] =	sst s0;
	s0 =	simm.s32 @!p2 $0x0  }
0x16: {  	s3 =	sld [smem:$0x3FDB];
	s0 =	simm.s32 @p2 $0x1  }
0x17: {  	s4 =	simm.s32 $0x1BF5;
	[smem:$0x3FB1] =	sst s0  }
0x18: {  	s0 =	sld [smem:$0x3F94];
	_ =	swait.ge [sflag:s4], $0x0  }
0x19: {  	s7 =	sld [smem:$0x3F95]  }
0x1a: {  	s8 =	sadd.s32 $0xFFFFE003, lr  }
0x1b: {  	s9 =	sadd.s32 $0xFFFFFEF7, lr;
	s5 =	simm.s32 $0xFFFFFFFF;
	p2 =	slt.u32 s8, $0xFFFFF086  }
0x1c: {  	p1 =	slt.u32 s9, $0xF7A;
	s5 =	simm.s32 @!p2 $0x0  }
0x1d: {  	s5 =	simm.s32 @p1 $0x1;
	p0 =	seq.s32 s7, s2  }
0x1e: {  	s7 =	smul.u32 @!p0 $0xF7A, s2;
	p2 =	seq.s32 @!p0 s5, $0x0  }
0x1f: {  	s9 =	smul.u32 $0xF7A, s1;
	s8 =	simm.s32 @!p0 $0x1BF5;
	p2 =	por !p2, p0  }
0x20: {  	[sflag:s8] =	ssyncset.s32 @!p0 $0xFFFFF086;
	s6 =	sadd.s32 @!p0 s3, s7;
	s7 =	simm.s32 @!p0 $0x108  }
0x21: {  	s3 =	sadd.s32 s3, s9;
	s6 =	sadd.s32 @!p0 $0x88, s6;
	s7 =	simm.s32 @p2 $0x1082  }
0x22: {  	[simem:s7], [sflag:s8] =	dma.local @!p0 [hbm:s6], $0xF7A  }
0x23: {  	s9 =	sor.u32 $0xD0000000, s2;
	s6 =	simm.s32 $0x108;
	_ =	swait.ge @!p0 [sflag:s8], $0x0  }
0x24: {  	s3 =	sadd.s32 $0x88, s3;
	s6 =	simm.s32 @!p1 $0x1082;
	[sflag:s4] =	ssyncset.s32 $0xFFFFF086  }
0x25: {  	[simem:s6], [sflag:s4] =	dma.local [hbm:s3], $0xF7A  }
0x26: {  	[smem:$0x3F95] =	sst s1;
	(tag) =	ssettag s2;
	_ =	strace s9  }
0x27: {  	s1 =	sld [smem:$0x3FA5]  }
0x28: {  	s2 =	sld [smem:$0x3FA6]  }
0x29: {  	s4 =	sld [smem:$0x3FA8]  }
0x2a: {  	p0 =	seq.s32 s5, $0x0;
	s5 =	sld [smem:$0x3FA9]  }
0x2b: {  	s6 =	sld [smem:$0x3FAA]  }
0x2c: {  	s7 =	sld [smem:$0x3FAB]  }
0x2d: {  	s3 =	simm.s32 $0x108;
	s8 =	sld [smem:$0x3FAC]  }
0x2e: {  	s3 =	simm.s32 @!p0 $0x1082;
	s9 =	sld [smem:$0x3FAD]  }
0x2f: {  	lr =	sadd.s32 s0, s3;
	s0 =	sld [smem:$0x3FA4]  }
0x30: {  	s3 =	sld [smem:$0x3FA7]  }
0x31: {  	[smem:$0x3FB0] =	sst s10  }
0x32: {  	s10 =	sld [smem:$0x3FAE];
	_ =	sdelay $0x3  }
0x33: {  	p0 =	seq.s32 s10, $0x1;
	s10 =	sld [smem:$0x3FB0];
	_ =	sdelay $0x3  }
0x34: {  	[smem:$0x3FB0] =	sst s10  }
0x35: {  	s10 =	sld [smem:$0x3FAF];
	_ =	sdelay $0x3  }
0x36: {  	p1 =	seq.s32 s10, $0x1;
	s10 =	sld [smem:$0x3FB0];
	_ =	sdelay $0x3  }
0x37: {  	[smem:$0x3FB0] =	sst s10  }
0x38: {  	s10 =	sld [smem:$0x3FB1]  }
0x39: {  	_ = 	snop;
	(pc) =	sbr.ind lr, $3  }
0x3a: {  	_ = 	snop  }
0x3b: {  	_ = 	snop  }
0x3c: {  	p2 =	seq.s32 s10, $0x1;
	s10 =	sld [smem:$0x3FB0]  }
0x3d: {  	_ =	shalt  }
0x3e: {  	_ =	shalt  }
0x3f: {  	_ =	shalt  }
0x40: {  	_ =	shalt  }
0x41: {  	_ =	shalt  }
0x42: {  	_ =	shalt  }
0x43: {  	_ =	shalt  }
0x44: {  	_ =	shalt  }
0x45: {  	_ =	shalt  }
0x46: {  	_ =	shalt  }
0x47: {  	_ =	shalt  }
0x48: {  	_ =	shalt  }
0x49: {  	_ =	shalt  }
0x4a: {  	_ =	shalt  }
0x4b: {  	_ =	shalt  }
0x4c: {  	_ =	shalt  }
0x4d: {  	_ =	shalt  }
0x4e: {  	_ =	shalt  }
0x4f: {  	_ =	shalt  }
0x50: {  	_ =	shalt  }
0x51: {  	_ =	shalt  }
0x52: {  	_ =	shalt  }
0x53: {  	_ =	shalt  }
0x54: {  	_ =	shalt  }
0x55: {  	_ =	shalt  }
0x56: {  	_ =	shalt  }
0x57: {  	_ =	shalt  }
0x58: {  	_ =	shalt  }
0x59: {  	_ =	shalt  }
0x5a: {  	_ =	shalt  }
0x5b: {  	_ =	shalt  }
0x5c: {  	_ =	shalt  }
0x5d: {  	_ =	shalt  }
0x5e: {  	_ =	shalt  }
0x5f: {  	_ =	shalt  }
0x60: {  	_ =	shalt  }
0x61: {  	_ =	shalt  }
0x62: {  	_ =	shalt  }
0x63: {  	_ =	shalt  }
0x64: {  	_ =	shalt  }
0x65: {  	_ =	shalt  }
0x66: {  	_ =	shalt  }
0x67: {  	_ =	shalt  }
0x68: {  	_ =	shalt  }
0x69: {  	_ =	shalt  }
0x6a: {  	_ =	shalt  }
0x6b: {  	_ =	shalt  }
0x6c: {  	_ =	shalt  }
0x6d: {  	_ =	shalt  }
0x6e: {  	_ =	shalt  }
0x6f: {  	_ =	shalt  }
0x70: {  	_ =	shalt  }
0x71: {  	_ =	shalt  }
0x72: {  	_ =	shalt  }
0x73: {  	_ =	shalt  }
0x74: {  	_ =	shalt  }
0x75: {  	_ =	shalt  }
0x76: {  	_ =	shalt  }
0x77: {  	_ =	shalt  }
0x78: {  	_ =	shalt  }
0x79: {  	_ =	shalt  }
0x7a: {  	_ =	shalt  }
0x7b: {  	_ =	shalt  }
0x7c: {  	_ =	shalt  }
0x7d: {  	_ =	shalt  }
0x7e: {  	_ =	shalt  }
0x7f: {  	_ =	shalt  }
0x80: {  	_ =	shalt  }
0x81: {  	_ =	shalt  }
0x82: {  	_ =	shalt  }
0x83: {  	_ =	shalt  }
0x84: {  	_ =	shalt  }
0x85: {  	_ =	shalt  }
0x86: {  	_ =	shalt  }
0x87: {  	_ =	shalt  }
.Lfunc_end0:
.L_simem_size_0:
called_computation.2_lowered:
.L_overlay_start_0:
0x88: {  	s2 =	sld [smem:$0x3FD9]  }
0x89: {  	s3 =	sld [smem:$0x3FFE];
	_ =	sdelay $0x1  }
0x8a: {  	s1 =	srdreg.scid  }
0x8b: {  	s0 =	sand.u32 $0x1, s1  }
0x8c: {  	s16 =	sshll.u32 s0, $0xA;
	s2 =	sadd.s32 s3, s2  }
0x8d: {  	s2 =	sadd.s32 s2, s16  }
0x8e: {  	[smem:$0x3FBC] =	sst s2  }
0x8f: {  	_ = 	snop  }
0x90: {  	(tm) =	ssettm $0x1  }
0x91: {  	s17 =	sld [smem:$0x3FFB];
	_ =	sdelay $0x3  }
0x92: {  	_ =	strace s17  }
0x93: {  	s2 =	sld [smem:$0x3FFC];
	_ =	sdelay $0x3  }
0x94: {  	_ =	strace s2  }
0x95: {  	s2 =	sld [smem:$0x3FFD];
	_ =	sdelay $0x3  }
0x96: {  	_ =	strace s2  }
0x97: {  	_ =	strace $0x8FFFFFFF  }
0x98: {  	s18 =	sld [smem:$0x3FDB];
	_ =	sdelay $0x1  }
0x99: {  	s19 =	simm.s32 $_scs_section_size  }
0x9a: {  	s4 =	simm.s32 $_size__tile_overlayer_lowered;
	s5 =	simm.s32 $_tile_overlayer_lowered  }
0x9b: {  	s22 =	simm.s32 $0x1BFF;
	s21 =	sshll.u32 s5, $0x1;
	s2 =	sadd.s32 s19, s18  }
0x9c: {  	s6 =	simm.s32 $0x0;
	s20 =	sshll.u32 s4, $0x1;
	s4 =	sadd.s32 s21, s2  }
0x9d: {  	[timem:s6], [sflag:s22] =	dma.local [hbm:s4], s20  }
0x9e: {  	_ =	swait.ge [sflag:s22], s20  }
0x9f: {  	s3 =	ssub.s32 $0x0, s20;
	[sflag:s22] =	ssyncset.done $0x0  }
0xa0: {  	[sflag:s22] =	ssyncadd.s32 s3;
	_ =	sdelay $0x1  }
0xa1: {  	s23 =	simm.s32 $0x1B8B  }
0xa2: {  	_ =	swait.ge [sflag:s23], $0x1  }
0xa3: {  	[sflag:s23] =	ssyncset.done $0x0  }
0xa4: {  	s25 =	simm.s32 $0x1B8E;
	s24 =	sld [smem:$0x3FFE];
	[sflag:s23] =	ssyncadd.s32 $0xFFFFFFFF  }
0xa5: {  	s26 =	simm.s32 $execute0_lowered;
	[smem:$0x3FD2] =	sst s25  }
0xa6: {  	s4 =	sshll.u32 s26, $0x1;
	_ =	strace $0x8000004C;
	[dreg:$0x1] =	wrdreg $0xFFFFFFFF  }
0xa7: {  	s28 =	simm.s32 $_size_execute0_lowered;
	s2 =	sadd.s32 s2, s4;
	[dreg:$0x0] =	wrdreg $0x0  }
0xa8: {  	s4 =	sshll.u32 s28, $0x1;
	[dreg:$0x2] =	wrdreg s2  }
0xa9: {  	[dreg:$0x3] =	wrdreg s4  }
0xaa: {  	[dreg:$0x4] =	wrdreg $0xC0  }
0xab: {  	_ =	task [dreg:s6], $0x5FFFF  }
0xac: {  	[dreg:$0x1] =	wrdreg $0xFFFFFFFF  }
0xad: {  	[dreg:$0x0] =	wrdreg $0x60  }
0xae: {  	[dreg:$0x2] =	wrdreg s24  }
0xaf: {  	[dreg:$0x3] =	wrdreg $0x49000  }
0xb0: {  	[dreg:$0x4] =	wrdreg $0x9  }
0xb1: {  	_ =	task.clear_ibuf [dreg:s6], $0x5FFFF;
	_ =	strace $0x9000004C  }
0xb2: {  	s29 =	simm.s32 $0x9;
	_ =	strace $0x8000004E  }
0xb3: {  	_ =	swait.ge [sflag:s29], $0x1  }
0xb4: {  	[sflag:s29] =	ssyncadd.s32 $0xFFFFFFFF  }
0xb5: {  	_ =	strace $0x9000004E  }
0xb6: {  	_ =	sfence  }
0xb7: {  	s30 =	sld [smem:$0x0];
	_ =	sdelay $0x2  }
0xb8: {  	s31 =	sshll.u32 s1, $0xD;
	s1 =	sshrl.u32 s1, $0x2  }
0xb9: {  	s3 =	sand.u32 $0x4000, s31;
	s1 =	sadd.s32 s1, s30  }
0xba: {  	s0 =	sor.u32 s3, s0;
	s1 =	sshll.u32 s1, $0x11  }
0xbb: {  	s0 =	sor.u32 s1, s0  }
0xbc: {  	s0 =	sadd.s32 $0x8F2B, s0  }
0xbd: {  	[sflag:s0] =	ssyncadd.remote.s32 $0x1  }
0xbe: {  	_ =	sfence.sel $0xFFFF  }
0xbf: {  	[dreg:$0x0] =	wrdreg $0xFFFFFFFF;
	(pc) =	sbr.abs _section_cstart, $3  }
0xc0: {  	[dreg:$0x1] =	wrdreg $0xFFFFFFFF  }
0xc1: {  	_ =	task.clear_ibuf [dreg:s6], $0x2FFFF;
	_ =	strace $0x9FFFFFFF  }
0xc2: {  	(tm) =	ssettm $0x7FFFFFFF  }
0xc3: {  	_ =	shalt  }
tec
execute0_lowered:
.L_overlay_start_1:
0x0: {  	(tag) =	ssettag $0x1  }
0x1: {  	s5 =	rddreg [dreg:$0x0]  }
0x2: {  	s1 =	srdreg.scid;
	s0 =	stileid.u32  }
0x3: {  	s2 =	rddreg [dreg:$0x1];
	s3 =	simm.s32 $0x0;
	s4 =	smul.u32 $0x5000, s0  }
0x4: {  	s15 =	simm.s32 $0x1;
	s17 =	simm.s32 $0x0;
	s8 =	smul.u32 $0xA00, s0  }
0x5: {  	s6 =	sand.u32 $0x1, s1;
	s1 =	rddreg [dreg:$0x2];
	s9 =	smul.u32 $0x2800, s0  }
0x6: {  	[smem:$0x7FF] =	sst s3;
	s12 =	smul.u32 $0x50000, s0;
	s13 =	sadd.s32 $0x7D600, s5  }
0x7: {  	p0 =	seq.s32 s0, $0xF;
	s16 =	sadd.s32 $0x12C000, s2;
	s7 =	smul.u32 $0x50000, s6  }
0x8: {  	_ =	strace $0x8000004D;
	s25 =	ssub.s32 $0x2, s6;
	s28 =	smul.u32 $0x138800, s6  }
0x9: {  	s29 =	smul.u32 $0x27100, s6;
	s16 =	sshrl.u32 @p0 s16, $0x3;
	s10 =	sadd.s32 s8, s5  }
0xa: {  	s26 =	sshrl.u32 s25, $0x1;
	s30 =	sshrl.u32 s12, $0x2;
	s12 =	simm.s32 $0x2  }
0xb: {  	s7 =	sadd.s32 s4, s7;
	s4 =	sadd.s32 $0x2F400, s5;
	s14 =	ssub.s32 s25, s26  }
0xc: {  	s6 =	sadd.s32 s30, s2;
	s8 =	sadd.s32 s9, s29;
	s10 =	sadd.s32 $0x25400, s10  }
0xd: {  	s7 =	sshrl.u32 s7, $0x3;
	s9 =	smax.u32 s14, $0x1;
	s14 =	simm.s32 $0x100  }
0xe: {  	s11 =	sadd.s32 s7, s5;
	s5 =	simm.s32 $0x19;
	s7 =	sshrl.u32 s28, $0x3  }
0xf: {  	s5 =	simm.s32 @!p0 $0x28;
	s31 =	sadd.s32 s13, s7;
	s7 =	sadd.s32 s13, s8  }
0x10: {  	v0 =	vimm.f32 $0.0e+00;
	s11 =	sadd.s32 $0x11400, s11;
	s13 =	simm.s32 $0x80;
	s8 =	sadd.s32 $0x25800, s31  }
.LBB2_1:
0x11: {  	s18 =	simm.s32 $0x0;
	s19 =	simm.s32 $0x0  }
.LBB2_2:
0x12: {  	p1 =	sne.s32 s19, $0x1FC0  }
.Ltmp0:
0x13: {  	_ = 	snop;
	(pc) =	sbr.rel @p1 .LBB2_2-.Ltmp0, $4  }
0x14: {  	s20 =	sand.u32 $0x1E00, s19  }
0x15: {  	s21 =	sand.u32 $0x70, s18;
	s20 =	sshrl.u32 s20, $0x2  }
0x16: {  	s20 =	sor.u32 s21, s20  }
0x17: {  	s18 =	sadd.s32 $0x10, s18;
	s19 =	sadd.s32 $0x40, s19;
	[tilespmem:s20+$0x4100] =	vst v0  }
0x18: {  	p1 =	sle.u32 s5, $0x0  }
0x19: {  	s18 =	simm.s32 @!p1 $0x4100;
	s20 =	simm.s32 @!p1 $0x2  }
0x1a: {  	[spmem:s6] =	stream.linear.scatter @!p1 [tilespmem:s18], [sflag:$0x2], $0x800, $0x38;
	[tilespmem:$0x18200] =	vst v63  }
0x1b: {  	_ =	swait.ge @!p1 [sflag:s20], $0x800  }
0x1c: {  	s19 =	smov.u32 s6;
	s18 =	simm.s32 $0x1;
	[sflag:s20] =	ssyncset.done @!p1 $0x0  }
.LBB2_4:
0x1d: {  	[sflag:s20] =	ssyncadd.s32 @!p1 $0xFFFFF800;
	s20 =	smov.u32 s18;
	s18 =	sadd.s32 $0x1, s18  }
0x1e: {  	s19 =	sadd.s32 $0x800, s19;
	p2 =	sne.s32 s18, $0x28  }
.Ltmp1:
0x1f: {  	p1 =	sge.u32 s20, s5;
	(pc) =	sbr.rel @p2 .LBB2_4-.Ltmp1, $4  }
0x20: {  	s21 =	simm.s32 @!p1 $0x4100;
	s20 =	simm.s32 @!p1 $0x2  }
0x21: {  	[spmem:s19] =	stream.linear.scatter @!p1 [tilespmem:s21], [sflag:$0x2], $0x800, $0x38;
	[tilespmem:$0x18200] =	vst v63  }
0x22: {  	_ =	swait.ge @!p1 [sflag:s20], $0x800  }
0x23: {  	[sflag:s20] =	ssyncset.done @!p1 $0x0  }
0x24: {  	[sflag:s20] =	ssyncadd.s32 @!p1 $0xFFFFF800  }
0x25: {  	s18 =	sadd.s32 $0x0, s11;
	[bflag:$0x0] =	sbarrier.arrive $0xFFFF  }
0x26: {  	[tilespmem:s3], [sflag:$0x2] =	stream.linear.gather [hbm4b:s18+s3], $0x80, $0x38;
	[tilespmem:$0x18200] =	vst v63  }
0x27: {  	_ =	swait.ge [sflag:s12], $0x80  }
0x28: {  	[sflag:s12] =	ssyncset.done $0x0  }
0x29: {  	s31 =	sadd.s32 $0x0, s10;
	[sflag:s12] =	ssyncadd.s32 $0xFFFFFF80  }
0x2a: {  	[tilespmem:s13], [sflag:$0x2] =	stream.linear.gather [hbm4b:s31+s3], $0x80, $0x38;
	[tilespmem:$0x18200] =	vst v63  }
0x2b: {  	_ =	swait.ge [sflag:s12], $0x80  }
0x2c: {  	[sflag:s12] =	ssyncset.done $0x0  }
0x2d: {  	[sflag:s12] =	ssyncadd.s32 $0xFFFFFF80  }
0x2e: {  	[tilespmem:s14], [sflag:$0x1] =	stream.indirect.gather [hbm4b:s4+s13], $0x80, s3, s13, $0xb8;
	[tilespmem:$0x18200] =	vst v63  }
0x2f: {  	_ =	swait.ge [sflag:s15], $0x4000  }
0x30: {  	[sflag:s15] =	ssyncset.done $0x0  }
0x31: {  	[sflag:s15] =	ssyncadd.s32 $0xFFFFC000  }
0x32: {  	[spmem:s2] =	stream.indirect.scatter.add.f32 [tilespmem:s14], [sflag:$0x2], $0x80, s13, s13, $0xb8;
	[tilespmem:$0x18200] =	vst v63  }
0x33: {  	_ =	swait.ge [sflag:s12], $0x4000  }
0x34: {  	s19 =	simm.s32 $0x20;
	s18 =	simm.s32 $0x10;
	[sflag:s12] =	ssyncset.done $0x0  }
.LBB2_6:
0x35: {  	s20 =	sadd.s32 s18, s11  }
0x36: {  	[sflag:s12] =	ssyncadd.s32 $0xFFFFC000;
	s21 =	smov.u32 s19;
	s22 =	sadd.s32 $0x10, s19  }
0x37: {  	[tilespmem:s3], [sflag:$0x2] =	stream.linear.gather [hbm4b:s20+s3], $0x80, $0x38;
	[tilespmem:$0x18200] =	vst v63  }
0x38: {  	p1 =	sne.s32 s19, $0x9F0;
	_ =	swait.ge [sflag:s12], $0x80  }
0x39: {  	[sflag:s12] =	ssyncset.done $0x0  }
0x3a: {  	s19 =	sadd.s32 s18, s10;
	s18 =	smov.u32 s21;
	[sflag:s12] =	ssyncadd.s32 $0xFFFFFF80  }
0x3b: {  	[tilespmem:s13], [sflag:$0x2] =	stream.linear.gather [hbm4b:s19+s3], $0x80, $0x38;
	[tilespmem:$0x18200] =	vst v63  }
0x3c: {  	_ =	swait.ge [sflag:s12], $0x80  }
0x3d: {  	[sflag:s12] =	ssyncset.done $0x0  }
0x3e: {  	[sflag:s12] =	ssyncadd.s32 $0xFFFFFF80  }
0x3f: {  	[tilespmem:s14], [sflag:$0x1] =	stream.indirect.gather [hbm4b:s4+s13], $0x80, s3, s13, $0xb8;
	[tilespmem:$0x18200] =	vst v63  }
0x40: {  	_ =	swait.ge [sflag:s15], $0x4000  }
.Ltmp2:
0x41: {  	[sflag:s15] =	ssyncset.done $0x0;
	(pc) =	sbr.rel @p1 .LBB2_6-.Ltmp2, $4  }
0x42: {  	[sflag:s15] =	ssyncadd.s32 $0xFFFFC000  }
0x43: {  	[spmem:s2] =	stream.indirect.scatter.add.f32 [tilespmem:s14], [sflag:$0x2], $0x80, s13, s13, $0xb8;
	[tilespmem:$0x18200] =	vst v63  }
0x44: {  	_ =	swait.ge [sflag:s12], $0x4000  }
0x45: {  	s19 =	smov.u32 s22;
	[sflag:s12] =	ssyncset.done $0x0  }
0x46: {  	s19 =	sadd.s32 s18, s11;
	[sflag:s12] =	ssyncadd.s32 $0xFFFFC000  }
0x47: {  	[tilespmem:s3], [sflag:$0x2] =	stream.linear.gather [hbm4b:s19+s3], $0x80, $0x38;
	[tilespmem:$0x18200] =	vst v63  }
0x48: {  	_ =	swait.ge [sflag:s12], $0x80  }
0x49: {  	[sflag:s12] =	ssyncset.done $0x0  }
0x4a: {  	s31 =	sadd.s32 s18, s10;
	[sflag:s12] =	ssyncadd.s32 $0xFFFFFF80  }
0x4b: {  	[tilespmem:s13], [sflag:$0x2] =	stream.linear.gather [hbm4b:s31+s3], $0x80, $0x38;
	[tilespmem:$0x18200] =	vst v63  }
0x4c: {  	_ =	swait.ge [sflag:s12], $0x80  }
0x4d: {  	[sflag:s12] =	ssyncset.done $0x0  }
0x4e: {  	[sflag:s12] =	ssyncadd.s32 $0xFFFFFF80  }
0x4f: {  	[tilespmem:s14], [sflag:$0x1] =	stream.indirect.gather [hbm4b:s4+s13], $0x80, s3, s13, $0xb8;
	[tilespmem:$0x18200] =	vst v63  }
0x50: {  	_ =	swait.ge [sflag:s15], $0x4000  }
0x51: {  	[sflag:s15] =	ssyncset.done $0x0  }
0x52: {  	[sflag:s15] =	ssyncadd.s32 $0xFFFFC000  }
0x53: {  	[spmem:s2] =	stream.indirect.scatter.add.f32 [tilespmem:s14], [sflag:$0x2], $0x80, s13, s13, $0xb8;
	[tilespmem:$0x18200] =	vst v63  }
0x54: {  	_ =	swait.ge [sflag:s12], $0x4000  }
0x55: {  	[sflag:s12] =	ssyncset.done $0x0  }
0x56: {  	[sflag:s12] =	ssyncadd.s32 $0xFFFFC000  }
0x57: {  	s18 =	simm.s32 @p0 $0x1FC2;
	[bflag:$0x0] =	sbarrier.arrive $0xFFFF  }
0x58: {  	[hbm:s8], [sflag:s18] =	dma.local @p0 [spmem:s16], $0x1900  }
0x59: {  	s18 =	simm.s32 @p0 $0x2  }
0x5a: {  	s17 =	sadd.s32 $0x1, s17;
	_ =	swait.ge @p0 [sflag:s18], $0x1900  }
0x5b: {  	s19 =	sshll.u32 @!p0 s0, $0x6;
	p1 =	sne.s32 s17, s9;
	[sflag:s18] =	ssyncset.done @p0 $0x0  }
0x5c: {  	[sflag:s18] =	ssyncadd.s32 @p0 $0xFFFFE700;
	s18 =	sor.u32 @!p0 $0x1C02, s19;
	s19 =	sshrl.u32 @!p0 s6, $0x3  }
0x5d: {  	[hbm:s7], [sflag:s18] =	dma.local @!p0 [spmem:s19], $0x2800  }
.Ltmp3:
0x5e: {  	_ = 	snop;
	(pc) =	sbr.rel @p1 .LBB2_1-.Ltmp3, $4  }
0x5f: {  	s18 =	simm.s32 @!p0 $0x2  }
0x60: {  	_ =	swait.ge @!p0 [sflag:s18], $0x2800  }
0x61: {  	[sflag:s18] =	ssyncset.done @!p0 $0x0  }
0x62: {  	[sflag:s18] =	ssyncadd.s32 @!p0 $0xFFFFD800  }
0x63: {  	_ =	sfence.sel $0x180000  }
0x64: {  	[bflag:$0x0] =	sbarrier.arrive $0xFFFF  }
0x65: {  	p0 =	sne.s32 s0, $0x0;
	_ =	strace $0x9000004D  }
0x66: {  	s0 =	sadd.s32 @!p0 $0x100000, s1;
	[bflag:$0x2] =	sbarrier.arrive $0xFFFF  }
0x67: {  	[sflag:s0] =	ssyncadd.tile.s32 @!p0 $0x1;
	_ =	shalt  }
.Lfunc_end2:
_tile_overlayer_lowered:
.L_overlay_start_2:
0x68: {  	(tag) =	ssettag $0x2  }
0x69: {  	s0 =	rddreg [dreg:$0x0];
	s2 =	stileid.u32  }
0x6a: {  	s1 =	rddreg [dreg:$0x1];
	p0 =	sne.s32 s2, $0x0  }
0x6b: {  	s3 =	rddreg [dreg:$0x2];
	[bflag:$0x3] =	sbarrier.arrive $0xFFFF;
	s2 =	simm.s32 @!p0 $0x1C02  }
0x6c: {  	[timem:s3], [sflag:s2] =	dma.local @!p0 [hbm:s0], s1  }
0x6d: {  	s0 =	simm.s32 @!p0 $0x2  }
0x6e: {  	_ =	swait.ge @!p0 [sflag:s0], s1  }
0x6f: {  	s1 =	ssub.s32 @!p0 $0x0, s1;
	[sflag:s0] =	ssyncset.done @!p0 $0x0  }
0x70: {  	[sflag:s0] =	ssyncadd.s32 @!p0 s1  }
0x71: {  	[bflag:$0x3] =	sbarrier.arrive $0xFFFF  }
0x72: {  	_ =	shalt  }

// kernel: kernel.22.cloned.1.call-start
scs
__scs_entry_jumppad:
0x0: {  	(pc) =	sbr.rel $0x88, $3  }
0x1: {  	(tag) =	ssettag $0x0;
	lr =	simm.s32 $0x1  }
0x2: {  	[smem:$0x3F95] =	sst lr;
	_ =	strace $0xD0000000  }
0x3: {  	_ = 	snop  }
0x4: {  	_ = 	snop  }
0x5: {  	_ = 	snop  }
0x6: {  	_ = 	snop  }
0x7: {  	_ = 	snop  }
__scs_overlays_trampoline_lowered:
0x8: {  	[smem:$0x3FA4] =	sst s0  }
0x9: {  	[smem:$0x3FA5] =	sst s1  }
0xa: {  	[smem:$0x3FA6] =	sst s2  }
0xb: {  	[smem:$0x3FA7] =	sst s3  }
0xc: {  	[smem:$0x3FA8] =	sst s4  }
0xd: {  	[smem:$0x3FA9] =	sst s5  }
0xe: {  	[smem:$0x3FAA] =	sst s6  }
0xf: {  	[smem:$0x3FAB] =	sst s7  }
0x10: {  	[smem:$0x3FAC] =	sst s8  }
0x11: {  	[smem:$0x3FAD] =	sst s9;
	s0 =	simm.s32 @!p0 $0x0  }
0x12: {  	s1 =	sld [smem:$0x3F93];
	s0 =	simm.s32 @p0 $0x1  }
0x13: {  	[smem:$0x3FAE] =	sst s0;
	s0 =	simm.s32 @!p1 $0x0  }
0x14: {  	s2 =	sld [smem:$0x3F92];
	s0 =	simm.s32 @p1 $0x1  }
0x15: {  	[smem:$0x3FAF] =	sst s0;
	s0 =	simm.s32 @!p2 $0x0  }
0x16: {  	s3 =	sld [smem:$0x3FDB];
	s0 =	simm.s32 @p2 $0x1  }
0x17: {  	s4 =	simm.s32 $0x1BF5;
	[smem:$0x3FB1] =	sst s0  }
0x18: {  	s0 =	sld [smem:$0x3F94];
	_ =	swait.ge [sflag:s4], $0x0  }
0x19: {  	s7 =	sld [smem:$0x3F95]  }
0x1a: {  	s8 =	sadd.s32 $0xFFFFE003, lr  }
0x1b: {  	s9 =	sadd.s32 $0xFFFFFEF7, lr;
	s5 =	simm.s32 $0xFFFFFFFF;
	p2 =	slt.u32 s8, $0xFFFFF086  }
0x1c: {  	p1 =	slt.u32 s9, $0xF7A;
	s5 =	simm.s32 @!p2 $0x0  }
0x1d: {  	s5 =	simm.s32 @p1 $0x1;
	p0 =	seq.s32 s7, s2  }
0x1e: {  	s7 =	smul.u32 @!p0 $0xF7A, s2;
	p2 =	seq.s32 @!p0 s5, $0x0  }
0x1f: {  	s9 =	smul.u32 $0xF7A, s1;
	s8 =	simm.s32 @!p0 $0x1BF5;
	p2 =	por !p2, p0  }
0x20: {  	[sflag:s8] =	ssyncset.s32 @!p0 $0xFFFFF086;
	s6 =	sadd.s32 @!p0 s3, s7;
	s7 =	simm.s32 @!p0 $0x108  }
0x21: {  	s3 =	sadd.s32 s3, s9;
	s6 =	sadd.s32 @!p0 $0x88, s6;
	s7 =	simm.s32 @p2 $0x1082  }
0x22: {  	[simem:s7], [sflag:s8] =	dma.local @!p0 [hbm:s6], $0xF7A  }
0x23: {  	s9 =	sor.u32 $0xD0000000, s2;
	s6 =	simm.s32 $0x108;
	_ =	swait.ge @!p0 [sflag:s8], $0x0  }
0x24: {  	s3 =	sadd.s32 $0x88, s3;
	s6 =	simm.s32 @!p1 $0x1082;
	[sflag:s4] =	ssyncset.s32 $0xFFFFF086  }
0x25: {  	[simem:s6], [sflag:s4] =	dma.local [hbm:s3], $0xF7A  }
0x26: {  	[smem:$0x3F95] =	sst s1;
	(tag) =	ssettag s2;
	_ =	strace s9  }
0x27: {  	s1 =	sld [smem:$0x3FA5]  }
0x28: {  	s2 =	sld [smem:$0x3FA6]  }
0x29: {  	s4 =	sld [smem:$0x3FA8]  }
0x2a: {  	p0 =	seq.s32 s5, $0x0;
	s5 =	sld [smem:$0x3FA9]  }
0x2b: {  	s6 =	sld [smem:$0x3FAA]  }
0x2c: {  	s7 =	sld [smem:$0x3FAB]  }
0x2d: {  	s3 =	simm.s32 $0x108;
	s8 =	sld [smem:$0x3FAC]  }
0x2e: {  	s3 =	simm.s32 @!p0 $0x1082;
	s9 =	sld [smem:$0x3FAD]  }
0x2f: {  	lr =	sadd.s32 s0, s3;
	s0 =	sld [smem:$0x3FA4]  }
0x30: {  	s3 =	sld [smem:$0x3FA7]  }
0x31: {  	[smem:$0x3FB0] =	sst s10  }
0x32: {  	s10 =	sld [smem:$0x3FAE];
	_ =	sdelay $0x3  }
0x33: {  	p0 =	seq.s32 s10, $0x1;
	s10 =	sld [smem:$0x3FB0];
	_ =	sdelay $0x3  }
0x34: {  	[smem:$0x3FB0] =	sst s10  }
0x35: {  	s10 =	sld [smem:$0x3FAF];
	_ =	sdelay $0x3  }
0x36: {  	p1 =	seq.s32 s10, $0x1;
	s10 =	sld [smem:$0x3FB0];
	_ =	sdelay $0x3  }
0x37: {  	[smem:$0x3FB0] =	sst s10  }
0x38: {  	s10 =	sld [smem:$0x3FB1]  }
0x39: {  	_ = 	snop;
	(pc) =	sbr.ind lr, $3  }
0x3a: {  	_ = 	snop  }
0x3b: {  	_ = 	snop  }
0x3c: {  	p2 =	seq.s32 s10, $0x1;
	s10 =	sld [smem:$0x3FB0]  }
0x3d: {  	_ =	shalt  }
0x3e: {  	_ =	shalt  }
0x3f: {  	_ =	shalt  }
0x40: {  	_ =	shalt  }
0x41: {  	_ =	shalt  }
0x42: {  	_ =	shalt  }
0x43: {  	_ =	shalt  }
0x44: {  	_ =	shalt  }
0x45: {  	_ =	shalt  }
0x46: {  	_ =	shalt  }
0x47: {  	_ =	shalt  }
0x48: {  	_ =	shalt  }
0x49: {  	_ =	shalt  }
0x4a: {  	_ =	shalt  }
0x4b: {  	_ =	shalt  }
0x4c: {  	_ =	shalt  }
0x4d: {  	_ =	shalt  }
0x4e: {  	_ =	shalt  }
0x4f: {  	_ =	shalt  }
0x50: {  	_ =	shalt  }
0x51: {  	_ =	shalt  }
0x52: {  	_ =	shalt  }
0x53: {  	_ =	shalt  }
0x54: {  	_ =	shalt  }
0x55: {  	_ =	shalt  }
0x56: {  	_ =	shalt  }
0x57: {  	_ =	shalt  }
0x58: {  	_ =	shalt  }
0x59: {  	_ =	shalt  }
0x5a: {  	_ =	shalt  }
0x5b: {  	_ =	shalt  }
0x5c: {  	_ =	shalt  }
0x5d: {  	_ =	shalt  }
0x5e: {  	_ =	shalt  }
0x5f: {  	_ =	shalt  }
0x60: {  	_ =	shalt  }
0x61: {  	_ =	shalt  }
0x62: {  	_ =	shalt  }
0x63: {  	_ =	shalt  }
0x64: {  	_ =	shalt  }
0x65: {  	_ =	shalt  }
0x66: {  	_ =	shalt  }
0x67: {  	_ =	shalt  }
0x68: {  	_ =	shalt  }
0x69: {  	_ =	shalt  }
0x6a: {  	_ =	shalt  }
0x6b: {  	_ =	shalt  }
0x6c: {  	_ =	shalt  }
0x6d: {  	_ =	shalt  }
0x6e: {  	_ =	shalt  }
0x6f: {  	_ =	shalt  }
0x70: {  	_ =	shalt  }
0x71: {  	_ =	shalt  }
0x72: {  	_ =	shalt  }
0x73: {  	_ =	shalt  }
0x74: {  	_ =	shalt  }
0x75: {  	_ =	shalt  }
0x76: {  	_ =	shalt  }
0x77: {  	_ =	shalt  }
0x78: {  	_ =	shalt  }
0x79: {  	_ =	shalt  }
0x7a: {  	_ =	shalt  }
0x7b: {  	_ =	shalt  }
0x7c: {  	_ =	shalt  }
0x7d: {  	_ =	shalt  }
0x7e: {  	_ =	shalt  }
0x7f: {  	_ =	shalt  }
0x80: {  	_ =	shalt  }
0x81: {  	_ =	shalt  }
0x82: {  	_ =	shalt  }
0x83: {  	_ =	shalt  }
0x84: {  	_ =	shalt  }
0x85: {  	_ =	shalt  }
0x86: {  	_ =	shalt  }
0x87: {  	_ =	shalt  }
.Lfunc_end0:
.L_simem_size_0:
called_computation.3_lowered:
.L_overlay_start_0:
0x88: {  	s2 =	sld [smem:$0x3FD9]  }
0x89: {  	s3 =	sld [smem:$0x3FFE];
	_ =	sdelay $0x1  }
0x8a: {  	s1 =	srdreg.scid  }
0x8b: {  	s0 =	sand.u32 $0x1, s1  }
0x8c: {  	s16 =	sshll.u32 s0, $0xA;
	s2 =	sadd.s32 s3, s2  }
0x8d: {  	s2 =	sadd.s32 s2, s16  }
0x8e: {  	[smem:$0x3FBC] =	sst s2  }
0x8f: {  	_ = 	snop  }
0x90: {  	(tm) =	ssettm $0x1  }
0x91: {  	s17 =	sld [smem:$0x3FFB];
	_ =	sdelay $0x3  }
0x92: {  	_ =	strace s17  }
0x93: {  	s2 =	sld [smem:$0x3FFC];
	_ =	sdelay $0x3  }
0x94: {  	_ =	strace s2  }
0x95: {  	s2 =	sld [smem:$0x3FFD];
	_ =	sdelay $0x3  }
0x96: {  	_ =	strace s2  }
0x97: {  	_ =	strace $0x8FFFFFFF  }
0x98: {  	s18 =	sld [smem:$0x3FDB];
	_ =	sdelay $0x1  }
0x99: {  	s19 =	simm.s32 $_scs_section_size  }
0x9a: {  	s4 =	simm.s32 $_size__tile_overlayer_lowered;
	s5 =	simm.s32 $_tile_overlayer_lowered  }
0x9b: {  	s22 =	simm.s32 $0x1BFF;
	s21 =	sshll.u32 s5, $0x1;
	s2 =	sadd.s32 s19, s18  }
0x9c: {  	s6 =	simm.s32 $0x0;
	s20 =	sshll.u32 s4, $0x1;
	s4 =	sadd.s32 s21, s2  }
0x9d: {  	[timem:s6], [sflag:s22] =	dma.local [hbm:s4], s20  }
0x9e: {  	_ =	swait.ge [sflag:s22], s20  }
0x9f: {  	s3 =	ssub.s32 $0x0, s20;
	[sflag:s22] =	ssyncset.done $0x0  }
0xa0: {  	[sflag:s22] =	ssyncadd.s32 s3;
	_ =	sdelay $0x1  }
0xa1: {  	s23 =	simm.s32 $0x1B8B  }
0xa2: {  	_ =	swait.ge [sflag:s23], $0x1  }
0xa3: {  	[sflag:s23] =	ssyncset.done $0x0  }
0xa4: {  	s25 =	simm.s32 $0x1B8E;
	s24 =	sld [smem:$0x3FFE];
	[sflag:s23] =	ssyncadd.s32 $0xFFFFFFFF  }
0xa5: {  	s26 =	simm.s32 $execute0_lowered;
	[smem:$0x3FD2] =	sst s25  }
0xa6: {  	s4 =	sshll.u32 s26, $0x1;
	_ =	strace $0x8000004F;
	[dreg:$0x1] =	wrdreg $0xFFFFFFFF  }
0xa7: {  	s28 =	simm.s32 $_size_execute0_lowered;
	s2 =	sadd.s32 s2, s4;
	[dreg:$0x0] =	wrdreg $0x0  }
0xa8: {  	s4 =	sshll.u32 s28, $0x1;
	[dreg:$0x2] =	wrdreg s2  }
0xa9: {  	[dreg:$0x3] =	wrdreg s4  }
0xaa: {  	[dreg:$0x4] =	wrdreg $0xC0  }
0xab: {  	_ =	task [dreg:s6], $0x5FFFF  }
0xac: {  	[dreg:$0x1] =	wrdreg $0xFFFFFFFF  }
0xad: {  	[dreg:$0x0] =	wrdreg $0x60  }
0xae: {  	[dreg:$0x2] =	wrdreg s24  }
0xaf: {  	[dreg:$0x3] =	wrdreg $0x49000  }
0xb0: {  	[dreg:$0x4] =	wrdreg $0x9  }
0xb1: {  	_ =	task.clear_ibuf [dreg:s6], $0x5FFFF;
	_ =	strace $0x9000004F  }
0xb2: {  	s29 =	simm.s32 $0x9;
	_ =	strace $0x80000051  }
0xb3: {  	_ =	swait.ge [sflag:s29], $0x1  }
0xb4: {  	[sflag:s29] =	ssyncadd.s32 $0xFFFFFFFF  }
0xb5: {  	_ =	strace $0x90000051  }
0xb6: {  	_ =	sfence  }
0xb7: {  	s30 =	sld [smem:$0x0];
	_ =	sdelay $0x2  }
0xb8: {  	s31 =	sshll.u32 s1, $0xD;
	s1 =	sshrl.u32 s1, $0x2  }
0xb9: {  	s3 =	sand.u32 $0x4000, s31;
	s1 =	sadd.s32 s1, s30  }
0xba: {  	s0 =	sor.u32 s3, s0;
	s1 =	sshll.u32 s1, $0x11  }
0xbb: {  	s0 =	sor.u32 s1, s0  }
0xbc: {  	s0 =	sadd.s32 $0x8F2B, s0  }
0xbd: {  	[sflag:s0] =	ssyncadd.remote.s32 $0x1  }
0xbe: {  	_ =	sfence.sel $0xFFFF  }
0xbf: {  	[dreg:$0x0] =	wrdreg $0xFFFFFFFF;
	(pc) =	sbr.abs _section_cstart, $3  }
0xc0: {  	[dreg:$0x1] =	wrdreg $0xFFFFFFFF  }
0xc1: {  	_ =	task.clear_ibuf [dreg:s6], $0x2FFFF;
	_ =	strace $0x9FFFFFFF  }
0xc2: {  	(tm) =	ssettm $0x7FFFFFFF  }
0xc3: {  	_ =	shalt  }
tec
execute0_lowered:
.L_overlay_start_1:
0x0: {  	(tag) =	ssettag $0x1  }
0x1: {  	s5 =	rddreg [dreg:$0x0]  }
0x2: {  	s1 =	srdreg.scid;
	s0 =	stileid.u32  }
0x3: {  	s2 =	rddreg [dreg:$0x1];
	s3 =	simm.s32 $0x0;
	s4 =	smul.u32 $0x5000, s0  }
0x4: {  	s15 =	simm.s32 $0x1;
	s17 =	simm.s32 $0x0;
	s8 =	smul.u32 $0xA00, s0  }
0x5: {  	s6 =	sand.u32 $0x1, s1;
	s1 =	rddreg [dreg:$0x2];
	s9 =	smul.u32 $0x2800, s0  }
0x6: {  	[smem:$0x7FF] =	sst s3;
	s12 =	smul.u32 $0x50000, s0;
	s13 =	sadd.s32 $0x7D600, s5  }
0x7: {  	p0 =	seq.s32 s0, $0xF;
	s16 =	sadd.s32 $0x12C000, s2;
	s7 =	smul.u32 $0x50000, s6  }
0x8: {  	_ =	strace $0x80000050;
	s25 =	ssub.s32 $0x2, s6;
	s28 =	smul.u32 $0x138800, s6  }
0x9: {  	s29 =	smul.u32 $0x27100, s6;
	s16 =	sshrl.u32 @p0 s16, $0x3;
	s10 =	sadd.s32 s8, s5  }
0xa: {  	s26 =	sshrl.u32 s25, $0x1;
	s30 =	sshrl.u32 s12, $0x2;
	s12 =	simm.s32 $0x2  }
0xb: {  	s7 =	sadd.s32 s4, s7;
	s4 =	sadd.s32 $0x2F400, s5;
	s14 =	ssub.s32 s25, s26  }
0xc: {  	s6 =	sadd.s32 s30, s2;
	s8 =	sadd.s32 s9, s29;
	s10 =	sadd.s32 $0x25400, s10  }
0xd: {  	s7 =	sshrl.u32 s7, $0x3;
	s9 =	smax.u32 s14, $0x1;
	s14 =	simm.s32 $0x100  }
0xe: {  	s11 =	sadd.s32 s7, s5;
	s5 =	simm.s32 $0x19;
	s7 =	sshrl.u32 s28, $0x3  }
0xf: {  	s5 =	simm.s32 @!p0 $0x28;
	s31 =	sadd.s32 s13, s7;
	s7 =	sadd.s32 s13, s8  }
0x10: {  	v0 =	vimm.f32 $0.0e+00;
	s11 =	sadd.s32 $0x11400, s11;
	s13 =	simm.s32 $0x80;
	s8 =	sadd.s32 $0x25800, s31  }
.LBB2_1:
0x11: {  	s18 =	simm.s32 $0x0;
	s19 =	simm.s32 $0x0  }
.LBB2_2:
0x12: {  	p1 =	sne.s32 s19, $0x1FC0  }
.Ltmp0:
0x13: {  	_ = 	snop;
	(pc) =	sbr.rel @p1 .LBB2_2-.Ltmp0, $4  }
0x14: {  	s20 =	sand.u32 $0x1E00, s19  }
0x15: {  	s21 =	sand.u32 $0x70, s18;
	s20 =	sshrl.u32 s20, $0x2  }
0x16: {  	s20 =	sor.u32 s21, s20  }
0x17: {  	s18 =	sadd.s32 $0x10, s18;
	s19 =	sadd.s32 $0x40, s19;
	[tilespmem:s20+$0x4100] =	vst v0  }
0x18: {  	p1 =	sle.u32 s5, $0x0  }
0x19: {  	s18 =	simm.s32 @!p1 $0x4100;
	s20 =	simm.s32 @!p1 $0x2  }
0x1a: {  	[spmem:s6] =	stream.linear.scatter @!p1 [tilespmem:s18], [sflag:$0x2], $0x800, $0x38;
	[tilespmem:$0x18200] =	vst v63  }
0x1b: {  	_ =	swait.ge @!p1 [sflag:s20], $0x800  }
0x1c: {  	s19 =	smov.u32 s6;
	s18 =	simm.s32 $0x1;
	[sflag:s20] =	ssyncset.done @!p1 $0x0  }
.LBB2_4:
0x1d: {  	[sflag:s20] =	ssyncadd.s32 @!p1 $0xFFFFF800;
	s20 =	smov.u32 s18;
	s18 =	sadd.s32 $0x1, s18  }
0x1e: {  	s19 =	sadd.s32 $0x800, s19;
	p2 =	sne.s32 s18, $0x28  }
.Ltmp1:
0x1f: {  	p1 =	sge.u32 s20, s5;
	(pc) =	sbr.rel @p2 .LBB2_4-.Ltmp1, $4  }
0x20: {  	s21 =	simm.s32 @!p1 $0x4100;
	s20 =	simm.s32 @!p1 $0x2  }
0x21: {  	[spmem:s19] =	stream.linear.scatter @!p1 [tilespmem:s21], [sflag:$0x2], $0x800, $0x38;
	[tilespmem:$0x18200] =	vst v63  }
0x22: {  	_ =	swait.ge @!p1 [sflag:s20], $0x800  }
0x23: {  	[sflag:s20] =	ssyncset.done @!p1 $0x0  }
0x24: {  	[sflag:s20] =	ssyncadd.s32 @!p1 $0xFFFFF800  }
0x25: {  	s18 =	sadd.s32 $0x0, s11;
	[bflag:$0x0] =	sbarrier.arrive $0xFFFF  }
0x26: {  	[tilespmem:s3], [sflag:$0x2] =	stream.linear.gather [hbm4b:s18+s3], $0x80, $0x38;
	[tilespmem:$0x18200] =	vst v63  }
0x27: {  	_ =	swait.ge [sflag:s12], $0x80  }
0x28: {  	[sflag:s12] =	ssyncset.done $0x0  }
0x29: {  	s31 =	sadd.s32 $0x0, s10;
	[sflag:s12] =	ssyncadd.s32 $0xFFFFFF80  }
0x2a: {  	[tilespmem:s13], [sflag:$0x2] =	stream.linear.gather [hbm4b:s31+s3], $0x80, $0x38;
	[tilespmem:$0x18200] =	vst v63  }
0x2b: {  	_ =	swait.ge [sflag:s12], $0x80  }
0x2c: {  	[sflag:s12] =	ssyncset.done $0x0  }
0x2d: {  	[sflag:s12] =	ssyncadd.s32 $0xFFFFFF80  }
0x2e: {  	[tilespmem:s14], [sflag:$0x1] =	stream.indirect.gather [hbm4b:s4+s13], $0x80, s3, s13, $0xb8;
	[tilespmem:$0x18200] =	vst v63  }
0x2f: {  	_ =	swait.ge [sflag:s15], $0x4000  }
0x30: {  	[sflag:s15] =	ssyncset.done $0x0  }
0x31: {  	[sflag:s15] =	ssyncadd.s32 $0xFFFFC000  }
0x32: {  	[spmem:s2] =	stream.indirect.scatter.add.f32 [tilespmem:s14], [sflag:$0x2], $0x80, s13, s13, $0xb8;
	[tilespmem:$0x18200] =	vst v63  }
0x33: {  	_ =	swait.ge [sflag:s12], $0x4000  }
0x34: {  	s19 =	simm.s32 $0x20;
	s18 =	simm.s32 $0x10;
	[sflag:s12] =	ssyncset.done $0x0  }
.LBB2_6:
0x35: {  	s20 =	sadd.s32 s18, s11  }
0x36: {  	[sflag:s12] =	ssyncadd.s32 $0xFFFFC000;
	s21 =	smov.u32 s19;
	s22 =	sadd.s32 $0x10, s19  }
0x37: {  	[tilespmem:s3], [sflag:$0x2] =	stream.linear.gather [hbm4b:s20+s3], $0x80, $0x38;
	[tilespmem:$0x18200] =	vst v63  }
0x38: {  	p1 =	sne.s32 s19, $0x9F0;
	_ =	swait.ge [sflag:s12], $0x80  }
0x39: {  	[sflag:s12] =	ssyncset.done $0x0  }
0x3a: {  	s19 =	sadd.s32 s18, s10;
	s18 =	smov.u32 s21;
	[sflag:s12] =	ssyncadd.s32 $0xFFFFFF80  }
0x3b: {  	[tilespmem:s13], [sflag:$0x2] =	stream.linear.gather [hbm4b:s19+s3], $0x80, $0x38;
	[tilespmem:$0x18200] =	vst v63  }
0x3c: {  	_ =	swait.ge [sflag:s12], $0x80  }
0x3d: {  	[sflag:s12] =	ssyncset.done $0x0  }
0x3e: {  	[sflag:s12] =	ssyncadd.s32 $0xFFFFFF80  }
0x3f: {  	[tilespmem:s14], [sflag:$0x1] =	stream.indirect.gather [hbm4b:s4+s13], $0x80, s3, s13, $0xb8;
	[tilespmem:$0x18200] =	vst v63  }
0x40: {  	_ =	swait.ge [sflag:s15], $0x4000  }
.Ltmp2:
0x41: {  	[sflag:s15] =	ssyncset.done $0x0;
	(pc) =	sbr.rel @p1 .LBB2_6-.Ltmp2, $4  }
0x42: {  	[sflag:s15] =	ssyncadd.s32 $0xFFFFC000  }
0x43: {  	[spmem:s2] =	stream.indirect.scatter.add.f32 [tilespmem:s14], [sflag:$0x2], $0x80, s13, s13, $0xb8;
	[tilespmem:$0x18200] =	vst v63  }
0x44: {  	_ =	swait.ge [sflag:s12], $0x4000  }
0x45: {  	s19 =	smov.u32 s22;
	[sflag:s12] =	ssyncset.done $0x0  }
0x46: {  	s19 =	sadd.s32 s18, s11;
	[sflag:s12] =	ssyncadd.s32 $0xFFFFC000  }
0x47: {  	[tilespmem:s3], [sflag:$0x2] =	stream.linear.gather [hbm4b:s19+s3], $0x80, $0x38;
	[tilespmem:$0x18200] =	vst v63  }
0x48: {  	_ =	swait.ge [sflag:s12], $0x80  }
0x49: {  	[sflag:s12] =	ssyncset.done $0x0  }
0x4a: {  	s31 =	sadd.s32 s18, s10;
	[sflag:s12] =	ssyncadd.s32 $0xFFFFFF80  }
0x4b: {  	[tilespmem:s13], [sflag:$0x2] =	stream.linear.gather [hbm4b:s31+s3], $0x80, $0x38;
	[tilespmem:$0x18200] =	vst v63  }
0x4c: {  	_ =	swait.ge [sflag:s12], $0x80  }
0x4d: {  	[sflag:s12] =	ssyncset.done $0x0  }
0x4e: {  	[sflag:s12] =	ssyncadd.s32 $0xFFFFFF80  }
0x4f: {  	[tilespmem:s14], [sflag:$0x1] =	stream.indirect.gather [hbm4b:s4+s13], $0x80, s3, s13, $0xb8;
	[tilespmem:$0x18200] =	vst v63  }
0x50: {  	_ =	swait.ge [sflag:s15], $0x4000  }
0x51: {  	[sflag:s15] =	ssyncset.done $0x0  }
0x52: {  	[sflag:s15] =	ssyncadd.s32 $0xFFFFC000  }
0x53: {  	[spmem:s2] =	stream.indirect.scatter.add.f32 [tilespmem:s14], [sflag:$0x2], $0x80, s13, s13, $0xb8;
	[tilespmem:$0x18200] =	vst v63  }
0x54: {  	_ =	swait.ge [sflag:s12], $0x4000  }
0x55: {  	[sflag:s12] =	ssyncset.done $0x0  }
0x56: {  	[sflag:s12] =	ssyncadd.s32 $0xFFFFC000  }
0x57: {  	s18 =	simm.s32 @p0 $0x1FC2;
	[bflag:$0x0] =	sbarrier.arrive $0xFFFF  }
0x58: {  	[hbm:s8], [sflag:s18] =	dma.local @p0 [spmem:s16], $0x1900  }
0x59: {  	s18 =	simm.s32 @p0 $0x2  }
0x5a: {  	s17 =	sadd.s32 $0x1, s17;
	_ =	swait.ge @p0 [sflag:s18], $0x1900  }
0x5b: {  	s19 =	sshll.u32 @!p0 s0, $0x6;
	p1 =	sne.s32 s17, s9;
	[sflag:s18] =	ssyncset.done @p0 $0x0  }
0x5c: {  	[sflag:s18] =	ssyncadd.s32 @p0 $0xFFFFE700;
	s18 =	sor.u32 @!p0 $0x1C02, s19;
	s19 =	sshrl.u32 @!p0 s6, $0x3  }
0x5d: {  	[hbm:s7], [sflag:s18] =	dma.local @!p0 [spmem:s19], $0x2800  }
.Ltmp3:
0x5e: {  	_ = 	snop;
	(pc) =	sbr.rel @p1 .LBB2_1-.Ltmp3, $4  }
0x5f: {  	s18 =	simm.s32 @!p0 $0x2  }
0x60: {  	_ =	swait.ge @!p0 [sflag:s18], $0x2800  }
0x61: {  	[sflag:s18] =	ssyncset.done @!p0 $0x0  }
0x62: {  	[sflag:s18] =	ssyncadd.s32 @!p0 $0xFFFFD800  }
0x63: {  	_ =	sfence.sel $0x180000  }
0x64: {  	[bflag:$0x0] =	sbarrier.arrive $0xFFFF  }
0x65: {  	p0 =	sne.s32 s0, $0x0;
	_ =	strace $0x90000050  }
0x66: {  	s0 =	sadd.s32 @!p0 $0x100000, s1;
	[bflag:$0x2] =	sbarrier.arrive $0xFFFF  }
0x67: {  	[sflag:s0] =	ssyncadd.tile.s32 @!p0 $0x1;
	_ =	shalt  }
.Lfunc_end2:
_tile_overlayer_lowered:
.L_overlay_start_2:
0x68: {  	(tag) =	ssettag $0x2  }
0x69: {  	s0 =	rddreg [dreg:$0x0];
	s2 =	stileid.u32  }
0x6a: {  	s1 =	rddreg [dreg:$0x1];
	p0 =	sne.s32 s2, $0x0  }
0x6b: {  	s3 =	rddreg [dreg:$0x2];
	[bflag:$0x3] =	sbarrier.arrive $0xFFFF;
	s2 =	simm.s32 @!p0 $0x1C02  }
0x6c: {  	[timem:s3], [sflag:s2] =	dma.local @!p0 [hbm:s0], s1  }
0x6d: {  	s0 =	simm.s32 @!p0 $0x2  }
0x6e: {  	_ =	swait.ge @!p0 [sflag:s0], s1  }
0x6f: {  	s1 =	ssub.s32 @!p0 $0x0, s1;
	[sflag:s0] =	ssyncset.done @!p0 $0x0  }
0x70: {  	[sflag:s0] =	ssyncadd.s32 @!p0 s1  }
0x71: {  	[bflag:$0x3] =	sbarrier.arrive $0xFFFF  }
0x72: {  	_ =	shalt  }

// kernel: kernel.25.cloned.1.call-start
scs
__scs_entry_jumppad:
0x0: {  	(pc) =	sbr.rel $0x88, $3  }
0x1: {  	(tag) =	ssettag $0x0;
	lr =	simm.s32 $0x1  }
0x2: {  	[smem:$0x3F95] =	sst lr;
	_ =	strace $0xD0000000  }
0x3: {  	_ = 	snop  }
0x4: {  	_ = 	snop  }
0x5: {  	_ = 	snop  }
0x6: {  	_ = 	snop  }
0x7: {  	_ = 	snop  }
__scs_overlays_trampoline_lowered:
0x8: {  	[smem:$0x3FA4] =	sst s0  }
0x9: {  	[smem:$0x3FA5] =	sst s1  }
0xa: {  	[smem:$0x3FA6] =	sst s2  }
0xb: {  	[smem:$0x3FA7] =	sst s3  }
0xc: {  	[smem:$0x3FA8] =	sst s4  }
0xd: {  	[smem:$0x3FA9] =	sst s5  }
0xe: {  	[smem:$0x3FAA] =	sst s6  }
0xf: {  	[smem:$0x3FAB] =	sst s7  }
0x10: {  	[smem:$0x3FAC] =	sst s8  }
0x11: {  	[smem:$0x3FAD] =	sst s9;
	s0 =	simm.s32 @!p0 $0x0  }
0x12: {  	s1 =	sld [smem:$0x3F93];
	s0 =	simm.s32 @p0 $0x1  }
0x13: {  	[smem:$0x3FAE] =	sst s0;
	s0 =	simm.s32 @!p1 $0x0  }
0x14: {  	s2 =	sld [smem:$0x3F92];
	s0 =	simm.s32 @p1 $0x1  }
0x15: {  	[smem:$0x3FAF] =	sst s0;
	s0 =	simm.s32 @!p2 $0x0  }
0x16: {  	s3 =	sld [smem:$0x3FDB];
	s0 =	simm.s32 @p2 $0x1  }
0x17: {  	s4 =	simm.s32 $0x1BF5;
	[smem:$0x3FB1] =	sst s0  }
0x18: {  	s0 =	sld [smem:$0x3F94];
	_ =	swait.ge [sflag:s4], $0x0  }
0x19: {  	s7 =	sld [smem:$0x3F95]  }
0x1a: {  	s8 =	sadd.s32 $0xFFFFE003, lr  }
0x1b: {  	s9 =	sadd.s32 $0xFFFFFEF7, lr;
	s5 =	simm.s32 $0xFFFFFFFF;
	p2 =	slt.u32 s8, $0xFFFFF086  }
0x1c: {  	p1 =	slt.u32 s9, $0xF7A;
	s5 =	simm.s32 @!p2 $0x0  }
0x1d: {  	s5 =	simm.s32 @p1 $0x1;
	p0 =	seq.s32 s7, s2  }
0x1e: {  	s7 =	smul.u32 @!p0 $0xF7A, s2;
	p2 =	seq.s32 @!p0 s5, $0x0  }
0x1f: {  	s9 =	smul.u32 $0xF7A, s1;
	s8 =	simm.s32 @!p0 $0x1BF5;
	p2 =	por !p2, p0  }
0x20: {  	[sflag:s8] =	ssyncset.s32 @!p0 $0xFFFFF086;
	s6 =	sadd.s32 @!p0 s3, s7;
	s7 =	simm.s32 @!p0 $0x108  }
0x21: {  	s3 =	sadd.s32 s3, s9;
	s6 =	sadd.s32 @!p0 $0x88, s6;
	s7 =	simm.s32 @p2 $0x1082  }
0x22: {  	[simem:s7], [sflag:s8] =	dma.local @!p0 [hbm:s6], $0xF7A  }
0x23: {  	s9 =	sor.u32 $0xD0000000, s2;
	s6 =	simm.s32 $0x108;
	_ =	swait.ge @!p0 [sflag:s8], $0x0  }
0x24: {  	s3 =	sadd.s32 $0x88, s3;
	s6 =	simm.s32 @!p1 $0x1082;
	[sflag:s4] =	ssyncset.s32 $0xFFFFF086  }
0x25: {  	[simem:s6], [sflag:s4] =	dma.local [hbm:s3], $0xF7A  }
0x26: {  	[smem:$0x3F95] =	sst s1;
	(tag) =	ssettag s2;
	_ =	strace s9  }
0x27: {  	s1 =	sld [smem:$0x3FA5]  }
0x28: {  	s2 =	sld [smem:$0x3FA6]  }
0x29: {  	s4 =	sld [smem:$0x3FA8]  }
0x2a: {  	p0 =	seq.s32 s5, $0x0;
	s5 =	sld [smem:$0x3FA9]  }
0x2b: {  	s6 =	sld [smem:$0x3FAA]  }
0x2c: {  	s7 =	sld [smem:$0x3FAB]  }
0x2d: {  	s3 =	simm.s32 $0x108;
	s8 =	sld [smem:$0x3FAC]  }
0x2e: {  	s3 =	simm.s32 @!p0 $0x1082;
	s9 =	sld [smem:$0x3FAD]  }
0x2f: {  	lr =	sadd.s32 s0, s3;
	s0 =	sld [smem:$0x3FA4]  }
0x30: {  	s3 =	sld [smem:$0x3FA7]  }
0x31: {  	[smem:$0x3FB0] =	sst s10  }
0x32: {  	s10 =	sld [smem:$0x3FAE];
	_ =	sdelay $0x3  }
0x33: {  	p0 =	seq.s32 s10, $0x1;
	s10 =	sld [smem:$0x3FB0];
	_ =	sdelay $0x3  }
0x34: {  	[smem:$0x3FB0] =	sst s10  }
0x35: {  	s10 =	sld [smem:$0x3FAF];
	_ =	sdelay $0x3  }
0x36: {  	p1 =	seq.s32 s10, $0x1;
	s10 =	sld [smem:$0x3FB0];
	_ =	sdelay $0x3  }
0x37: {  	[smem:$0x3FB0] =	sst s10  }
0x38: {  	s10 =	sld [smem:$0x3FB1]  }
0x39: {  	_ = 	snop;
	(pc) =	sbr.ind lr, $3  }
0x3a: {  	_ = 	snop  }
0x3b: {  	_ = 	snop  }
0x3c: {  	p2 =	seq.s32 s10, $0x1;
	s10 =	sld [smem:$0x3FB0]  }
0x3d: {  	_ =	shalt  }
0x3e: {  	_ =	shalt  }
0x3f: {  	_ =	shalt  }
0x40: {  	_ =	shalt  }
0x41: {  	_ =	shalt  }
0x42: {  	_ =	shalt  }
0x43: {  	_ =	shalt  }
0x44: {  	_ =	shalt  }
0x45: {  	_ =	shalt  }
0x46: {  	_ =	shalt  }
0x47: {  	_ =	shalt  }
0x48: {  	_ =	shalt  }
0x49: {  	_ =	shalt  }
0x4a: {  	_ =	shalt  }
0x4b: {  	_ =	shalt  }
0x4c: {  	_ =	shalt  }
0x4d: {  	_ =	shalt  }
0x4e: {  	_ =	shalt  }
0x4f: {  	_ =	shalt  }
0x50: {  	_ =	shalt  }
0x51: {  	_ =	shalt  }
0x52: {  	_ =	shalt  }
0x53: {  	_ =	shalt  }
0x54: {  	_ =	shalt  }
0x55: {  	_ =	shalt  }
0x56: {  	_ =	shalt  }
0x57: {  	_ =	shalt  }
0x58: {  	_ =	shalt  }
0x59: {  	_ =	shalt  }
0x5a: {  	_ =	shalt  }
0x5b: {  	_ =	shalt  }
0x5c: {  	_ =	shalt  }
0x5d: {  	_ =	shalt  }
0x5e: {  	_ =	shalt  }
0x5f: {  	_ =	shalt  }
0x60: {  	_ =	shalt  }
0x61: {  	_ =	shalt  }
0x62: {  	_ =	shalt  }
0x63: {  	_ =	shalt  }
0x64: {  	_ =	shalt  }
0x65: {  	_ =	shalt  }
0x66: {  	_ =	shalt  }
0x67: {  	_ =	shalt  }
0x68: {  	_ =	shalt  }
0x69: {  	_ =	shalt  }
0x6a: {  	_ =	shalt  }
0x6b: {  	_ =	shalt  }
0x6c: {  	_ =	shalt  }
0x6d: {  	_ =	shalt  }
0x6e: {  	_ =	shalt  }
0x6f: {  	_ =	shalt  }
0x70: {  	_ =	shalt  }
0x71: {  	_ =	shalt  }
0x72: {  	_ =	shalt  }
0x73: {  	_ =	shalt  }
0x74: {  	_ =	shalt  }
0x75: {  	_ =	shalt  }
0x76: {  	_ =	shalt  }
0x77: {  	_ =	shalt  }
0x78: {  	_ =	shalt  }
0x79: {  	_ =	shalt  }
0x7a: {  	_ =	shalt  }
0x7b: {  	_ =	shalt  }
0x7c: {  	_ =	shalt  }
0x7d: {  	_ =	shalt  }
0x7e: {  	_ =	shalt  }
0x7f: {  	_ =	shalt  }
0x80: {  	_ =	shalt  }
0x81: {  	_ =	shalt  }
0x82: {  	_ =	shalt  }
0x83: {  	_ =	shalt  }
0x84: {  	_ =	shalt  }
0x85: {  	_ =	shalt  }
0x86: {  	_ =	shalt  }
0x87: {  	_ =	shalt  }
.Lfunc_end0:
.L_simem_size_0:
called_computation.4_lowered:
.L_overlay_start_0:
0x88: {  	s2 =	sld [smem:$0x3FD9]  }
0x89: {  	s3 =	sld [smem:$0x3FFE];
	_ =	sdelay $0x1  }
0x8a: {  	s1 =	srdreg.scid  }
0x8b: {  	s0 =	sand.u32 $0x1, s1  }
0x8c: {  	s16 =	sshll.u32 s0, $0xA;
	s2 =	sadd.s32 s3, s2  }
0x8d: {  	s2 =	sadd.s32 s2, s16  }
0x8e: {  	[smem:$0x3FBC] =	sst s2  }
0x8f: {  	_ = 	snop  }
0x90: {  	(tm) =	ssettm $0x1  }
0x91: {  	s17 =	sld [smem:$0x3FFB];
	_ =	sdelay $0x3  }
0x92: {  	_ =	strace s17  }
0x93: {  	s2 =	sld [smem:$0x3FFC];
	_ =	sdelay $0x3  }
0x94: {  	_ =	strace s2  }
0x95: {  	s2 =	sld [smem:$0x3FFD];
	_ =	sdelay $0x3  }
0x96: {  	_ =	strace s2  }
0x97: {  	_ =	strace $0x8FFFFFFF  }
0x98: {  	s18 =	sld [smem:$0x3FDB];
	_ =	sdelay $0x1  }
0x99: {  	s19 =	simm.s32 $_scs_section_size  }
0x9a: {  	s4 =	simm.s32 $_size__tile_overlayer_lowered;
	s5 =	simm.s32 $_tile_overlayer_lowered  }
0x9b: {  	s22 =	simm.s32 $0x1BFF;
	s21 =	sshll.u32 s5, $0x1;
	s2 =	sadd.s32 s19, s18  }
0x9c: {  	s6 =	simm.s32 $0x0;
	s20 =	sshll.u32 s4, $0x1;
	s4 =	sadd.s32 s21, s2  }
0x9d: {  	[timem:s6], [sflag:s22] =	dma.local [hbm:s4], s20  }
0x9e: {  	_ =	swait.ge [sflag:s22], s20  }
0x9f: {  	s3 =	ssub.s32 $0x0, s20;
	[sflag:s22] =	ssyncset.done $0x0  }
0xa0: {  	[sflag:s22] =	ssyncadd.s32 s3;
	_ =	sdelay $0x1  }
0xa1: {  	s23 =	simm.s32 $0x1B8B  }
0xa2: {  	_ =	swait.ge [sflag:s23], $0x1  }
0xa3: {  	[sflag:s23] =	ssyncset.done $0x0  }
0xa4: {  	s25 =	simm.s32 $0x1B8E;
	s24 =	sld [smem:$0x3FFE];
	[sflag:s23] =	ssyncadd.s32 $0xFFFFFFFF  }
0xa5: {  	s26 =	simm.s32 $execute0_lowered;
	[smem:$0x3FD2] =	sst s25  }
0xa6: {  	s4 =	sshll.u32 s26, $0x1;
	_ =	strace $0x80000052;
	[dreg:$0x1] =	wrdreg $0xFFFFFFFF  }
0xa7: {  	s28 =	simm.s32 $_size_execute0_lowered;
	s2 =	sadd.s32 s2, s4;
	[dreg:$0x0] =	wrdreg $0x0  }
0xa8: {  	s4 =	sshll.u32 s28, $0x1;
	[dreg:$0x2] =	wrdreg s2  }
0xa9: {  	[dreg:$0x3] =	wrdreg s4  }
0xaa: {  	[dreg:$0x4] =	wrdreg $0xC0  }
0xab: {  	_ =	task [dreg:s6], $0x5FFFF  }
0xac: {  	[dreg:$0x1] =	wrdreg $0xFFFFFFFF  }
0xad: {  	[dreg:$0x0] =	wrdreg $0x60  }
0xae: {  	[dreg:$0x2] =	wrdreg s24  }
0xaf: {  	[dreg:$0x3] =	wrdreg $0x49000  }
0xb0: {  	[dreg:$0x4] =	wrdreg $0x9  }
0xb1: {  	_ =	task.clear_ibuf [dreg:s6], $0x5FFFF;
	_ =	strace $0x90000052  }
0xb2: {  	s29 =	simm.s32 $0x9;
	_ =	strace $0x80000054  }
0xb3: {  	_ =	swait.ge [sflag:s29], $0x1  }
0xb4: {  	[sflag:s29] =	ssyncadd.s32 $0xFFFFFFFF  }
0xb5: {  	_ =	strace $0x90000054  }
0xb6: {  	_ =	sfence  }
0xb7: {  	s30 =	sld [smem:$0x0];
	_ =	sdelay $0x2  }
0xb8: {  	s31 =	sshll.u32 s1, $0xD;
	s1 =	sshrl.u32 s1, $0x2  }
0xb9: {  	s3 =	sand.u32 $0x4000, s31;
	s1 =	sadd.s32 s1, s30  }
0xba: {  	s0 =	sor.u32 s3, s0;
	s1 =	sshll.u32 s1, $0x11  }
0xbb: {  	s0 =	sor.u32 s1, s0  }
0xbc: {  	s0 =	sadd.s32 $0x8F2B, s0  }
0xbd: {  	[sflag:s0] =	ssyncadd.remote.s32 $0x1  }
0xbe: {  	_ =	sfence.sel $0xFFFF  }
0xbf: {  	[dreg:$0x0] =	wrdreg $0xFFFFFFFF;
	(pc) =	sbr.abs _section_cstart, $3  }
0xc0: {  	[dreg:$0x1] =	wrdreg $0xFFFFFFFF  }
0xc1: {  	_ =	task.clear_ibuf [dreg:s6], $0x2FFFF;
	_ =	strace $0x9FFFFFFF  }
0xc2: {  	(tm) =	ssettm $0x7FFFFFFF  }
0xc3: {  	_ =	shalt  }
tec
execute0_lowered:
.L_overlay_start_1:
0x0: {  	(tag) =	ssettag $0x1  }
0x1: {  	s5 =	rddreg [dreg:$0x0]  }
0x2: {  	s2 =	rddreg [dreg:$0x1]  }
0x3: {  	s0 =	rddreg [dreg:$0x2]  }
0x4: {  	s3 =	simm.s32 $0x0;
	s1 =	stileid.u32;
	s7 =	srdreg.scid  }
0x5: {  	s15 =	simm.s32 $0x1;
	s17 =	simm.s32 $0x0;
	s6 =	smul.u32 $0xA00, s1  }
0x6: {  	[smem:$0x7FF] =	sst s3;
	s4 =	sadd.s32 $0x2F400, s5;
	s8 =	smul.u32 $0x2800, s1  }
0x7: {  	s7 =	sand.u32 $0x1, s7;
	s10 =	smul.u32 $0x50000, s1;
	s11 =	sadd.s32 $0x56600, s5  }
0x8: {  	p0 =	seq.s32 s1, $0xF;
	s16 =	sadd.s32 $0x12C000, s2;
	s13 =	smul.u32 $0x27100, s7  }
0x9: {  	_ =	strace $0x80000053;
	s25 =	ssub.s32 $0x2, s7;
	s14 =	smul.u32 $0x138800, s7  }
0xa: {  	s29 =	smul.u32 $0x500, s7;
	s16 =	sshrl.u32 @p0 s16, $0x3;
	s9 =	sadd.s32 s6, s5  }
0xb: {  	s12 =	sshrl.u32 s25, $0x1;
	s5 =	simm.s32 $0x19;
	s26 =	sshrl.u32 s10, $0x2  }
0xc: {  	s12 =	ssub.s32 s25, s12;
	s5 =	simm.s32 @!p0 $0x28;
	s8 =	sadd.s32 s8, s13  }
0xd: {  	s28 =	sshrl.u32 s14, $0x3;
	s6 =	sadd.s32 s26, s2;
	s31 =	sadd.s32 s29, s9  }
0xe: {  	s13 =	simm.s32 $0x80;
	s14 =	simm.s32 $0x100;
	s7 =	sadd.s32 s11, s8  }
0xf: {  	s30 =	sadd.s32 s11, s28;
	s9 =	smax.u32 s12, $0x1;
	s10 =	sadd.s32 $0x25400, s31  }
0x10: {  	v0 =	vimm.f32 $0.0e+00;
	s11 =	sadd.s32 $0x7400, s31;
	s12 =	simm.s32 $0x2;
	s8 =	sadd.s32 $0x25800, s30  }
.LBB2_1:
0x11: {  	s18 =	simm.s32 $0x0;
	s19 =	simm.s32 $0x0  }
.LBB2_2:
0x12: {  	p1 =	sne.s32 s19, $0x1FC0  }
.Ltmp0:
0x13: {  	_ = 	snop;
	(pc) =	sbr.rel @p1 .LBB2_2-.Ltmp0, $4  }
0x14: {  	s20 =	sand.u32 $0x1E00, s19  }
0x15: {  	s21 =	sand.u32 $0x70, s18;
	s20 =	sshrl.u32 s20, $0x2  }
0x16: {  	s20 =	sor.u32 s21, s20  }
0x17: {  	s18 =	sadd.s32 $0x10, s18;
	s19 =	sadd.s32 $0x40, s19;
	[tilespmem:s20+$0x4100] =	vst v0  }
0x18: {  	p1 =	sle.u32 s5, $0x0  }
0x19: {  	s18 =	simm.s32 @!p1 $0x4100;
	s20 =	simm.s32 @!p1 $0x2  }
0x1a: {  	[spmem:s6] =	stream.linear.scatter @!p1 [tilespmem:s18], [sflag:$0x2], $0x800, $0x38;
	[tilespmem:$0x18200] =	vst v63  }
0x1b: {  	_ =	swait.ge @!p1 [sflag:s20], $0x800  }
0x1c: {  	s19 =	smov.u32 s6;
	s18 =	simm.s32 $0x1;
	[sflag:s20] =	ssyncset.done @!p1 $0x0  }
.LBB2_4:
0x1d: {  	[sflag:s20] =	ssyncadd.s32 @!p1 $0xFFFFF800;
	s20 =	smov.u32 s18;
	s18 =	sadd.s32 $0x1, s18  }
0x1e: {  	s19 =	sadd.s32 $0x800, s19;
	p2 =	sne.s32 s18, $0x28  }
.Ltmp1:
0x1f: {  	p1 =	sge.u32 s20, s5;
	(pc) =	sbr.rel @p2 .LBB2_4-.Ltmp1, $4  }
0x20: {  	s21 =	simm.s32 @!p1 $0x4100;
	s20 =	simm.s32 @!p1 $0x2  }
0x21: {  	[spmem:s19] =	stream.linear.scatter @!p1 [tilespmem:s21], [sflag:$0x2], $0x800, $0x38;
	[tilespmem:$0x18200] =	vst v63  }
0x22: {  	_ =	swait.ge @!p1 [sflag:s20], $0x800  }
0x23: {  	[sflag:s20] =	ssyncset.done @!p1 $0x0  }
0x24: {  	[sflag:s20] =	ssyncadd.s32 @!p1 $0xFFFFF800  }
0x25: {  	s18 =	sadd.s32 $0x0, s11;
	[bflag:$0x0] =	sbarrier.arrive $0xFFFF  }
0x26: {  	[tilespmem:s3], [sflag:$0x2] =	stream.linear.gather [hbm4b:s18+s3], $0x80, $0x38;
	[tilespmem:$0x18200] =	vst v63  }
0x27: {  	_ =	swait.ge [sflag:s12], $0x80  }
0x28: {  	[sflag:s12] =	ssyncset.done $0x0  }
0x29: {  	s31 =	sadd.s32 $0x0, s10;
	[sflag:s12] =	ssyncadd.s32 $0xFFFFFF80  }
0x2a: {  	[tilespmem:s13], [sflag:$0x2] =	stream.linear.gather [hbm4b:s31+s3], $0x80, $0x38;
	[tilespmem:$0x18200] =	vst v63  }
0x2b: {  	_ =	swait.ge [sflag:s12], $0x80  }
0x2c: {  	[sflag:s12] =	ssyncset.done $0x0  }
0x2d: {  	[sflag:s12] =	ssyncadd.s32 $0xFFFFFF80  }
0x2e: {  	[tilespmem:s14], [sflag:$0x1] =	stream.indirect.gather [hbm4b:s4+s13], $0x80, s3, s13, $0xb8;
	[tilespmem:$0x18200] =	vst v63  }
0x2f: {  	_ =	swait.ge [sflag:s15], $0x4000  }
0x30: {  	[sflag:s15] =	ssyncset.done $0x0  }
0x31: {  	[sflag:s15] =	ssyncadd.s32 $0xFFFFC000  }
0x32: {  	[spmem:s2] =	stream.indirect.scatter.add.f32 [tilespmem:s14], [sflag:$0x2], $0x80, s13, s13, $0xb8;
	[tilespmem:$0x18200] =	vst v63  }
0x33: {  	_ =	swait.ge [sflag:s12], $0x4000  }
0x34: {  	s19 =	simm.s32 $0x20;
	s18 =	simm.s32 $0x10;
	[sflag:s12] =	ssyncset.done $0x0  }
.LBB2_6:
0x35: {  	s20 =	sadd.s32 s18, s11  }
0x36: {  	[sflag:s12] =	ssyncadd.s32 $0xFFFFC000;
	s21 =	smov.u32 s19;
	s22 =	sadd.s32 $0x10, s19  }
0x37: {  	[tilespmem:s3], [sflag:$0x2] =	stream.linear.gather [hbm4b:s20+s3], $0x80, $0x38;
	[tilespmem:$0x18200] =	vst v63  }
0x38: {  	p1 =	sne.s32 s19, $0x4F0;
	_ =	swait.ge [sflag:s12], $0x80  }
0x39: {  	[sflag:s12] =	ssyncset.done $0x0  }
0x3a: {  	s19 =	sadd.s32 s18, s10;
	s18 =	smov.u32 s21;
	[sflag:s12] =	ssyncadd.s32 $0xFFFFFF80  }
0x3b: {  	[tilespmem:s13], [sflag:$0x2] =	stream.linear.gather [hbm4b:s19+s3], $0x80, $0x38;
	[tilespmem:$0x18200] =	vst v63  }
0x3c: {  	_ =	swait.ge [sflag:s12], $0x80  }
0x3d: {  	[sflag:s12] =	ssyncset.done $0x0  }
0x3e: {  	[sflag:s12] =	ssyncadd.s32 $0xFFFFFF80  }
0x3f: {  	[tilespmem:s14], [sflag:$0x1] =	stream.indirect.gather [hbm4b:s4+s13], $0x80, s3, s13, $0xb8;
	[tilespmem:$0x18200] =	vst v63  }
0x40: {  	_ =	swait.ge [sflag:s15], $0x4000  }
.Ltmp2:
0x41: {  	[sflag:s15] =	ssyncset.done $0x0;
	(pc) =	sbr.rel @p1 .LBB2_6-.Ltmp2, $4  }
0x42: {  	[sflag:s15] =	ssyncadd.s32 $0xFFFFC000  }
0x43: {  	[spmem:s2] =	stream.indirect.scatter.add.f32 [tilespmem:s14], [sflag:$0x2], $0x80, s13, s13, $0xb8;
	[tilespmem:$0x18200] =	vst v63  }
0x44: {  	_ =	swait.ge [sflag:s12], $0x4000  }
0x45: {  	s19 =	smov.u32 s22;
	[sflag:s12] =	ssyncset.done $0x0  }
0x46: {  	s19 =	sadd.s32 s18, s11;
	[sflag:s12] =	ssyncadd.s32 $0xFFFFC000  }
0x47: {  	[tilespmem:s3], [sflag:$0x2] =	stream.linear.gather [hbm4b:s19+s3], $0x80, $0x38;
	[tilespmem:$0x18200] =	vst v63  }
0x48: {  	_ =	swait.ge [sflag:s12], $0x80  }
0x49: {  	[sflag:s12] =	ssyncset.done $0x0  }
0x4a: {  	s31 =	sadd.s32 s18, s10;
	[sflag:s12] =	ssyncadd.s32 $0xFFFFFF80  }
0x4b: {  	[tilespmem:s13], [sflag:$0x2] =	stream.linear.gather [hbm4b:s31+s3], $0x80, $0x38;
	[tilespmem:$0x18200] =	vst v63  }
0x4c: {  	_ =	swait.ge [sflag:s12], $0x80  }
0x4d: {  	[sflag:s12] =	ssyncset.done $0x0  }
0x4e: {  	[sflag:s12] =	ssyncadd.s32 $0xFFFFFF80  }
0x4f: {  	[tilespmem:s14], [sflag:$0x1] =	stream.indirect.gather [hbm4b:s4+s13], $0x80, s3, s13, $0xb8;
	[tilespmem:$0x18200] =	vst v63  }
0x50: {  	_ =	swait.ge [sflag:s15], $0x4000  }
0x51: {  	[sflag:s15] =	ssyncset.done $0x0  }
0x52: {  	[sflag:s15] =	ssyncadd.s32 $0xFFFFC000  }
0x53: {  	[spmem:s2] =	stream.indirect.scatter.add.f32 [tilespmem:s14], [sflag:$0x2], $0x80, s13, s13, $0xb8;
	[tilespmem:$0x18200] =	vst v63  }
0x54: {  	_ =	swait.ge [sflag:s12], $0x4000  }
0x55: {  	[sflag:s12] =	ssyncset.done $0x0  }
0x56: {  	[sflag:s12] =	ssyncadd.s32 $0xFFFFC000  }
0x57: {  	s18 =	simm.s32 @p0 $0x1FC2;
	[bflag:$0x0] =	sbarrier.arrive $0xFFFF  }
0x58: {  	[hbm:s8], [sflag:s18] =	dma.local @p0 [spmem:s16], $0x1900  }
0x59: {  	s18 =	simm.s32 @p0 $0x2  }
0x5a: {  	s17 =	sadd.s32 $0x1, s17;
	_ =	swait.ge @p0 [sflag:s18], $0x1900  }
0x5b: {  	s19 =	sshll.u32 @!p0 s1, $0x6;
	p1 =	sne.s32 s17, s9;
	[sflag:s18] =	ssyncset.done @p0 $0x0  }
0x5c: {  	[sflag:s18] =	ssyncadd.s32 @p0 $0xFFFFE700;
	s18 =	sor.u32 @!p0 $0x1C02, s19;
	s19 =	sshrl.u32 @!p0 s6, $0x3  }
0x5d: {  	[hbm:s7], [sflag:s18] =	dma.local @!p0 [spmem:s19], $0x2800  }
.Ltmp3:
0x5e: {  	_ = 	snop;
	(pc) =	sbr.rel @p1 .LBB2_1-.Ltmp3, $4  }
0x5f: {  	s18 =	simm.s32 @!p0 $0x2  }
0x60: {  	_ =	swait.ge @!p0 [sflag:s18], $0x2800  }
0x61: {  	[sflag:s18] =	ssyncset.done @!p0 $0x0  }
0x62: {  	[sflag:s18] =	ssyncadd.s32 @!p0 $0xFFFFD800  }
0x63: {  	_ =	sfence.sel $0x180000  }
0x64: {  	[bflag:$0x0] =	sbarrier.arrive $0xFFFF  }
0x65: {  	p0 =	sne.s32 s1, $0x0;
	_ =	strace $0x90000053  }
0x66: {  	s0 =	sadd.s32 @!p0 $0x100000, s0;
	[bflag:$0x2] =	sbarrier.arrive $0xFFFF  }
0x67: {  	[sflag:s0] =	ssyncadd.tile.s32 @!p0 $0x1;
	_ =	shalt  }
.Lfunc_end2:
_tile_overlayer_lowered:
.L_overlay_start_2:
0x68: {  	(tag) =	ssettag $0x2  }
0x69: {  	s0 =	rddreg [dreg:$0x0];
	s2 =	stileid.u32  }
0x6a: {  	s1 =	rddreg [dreg:$0x1];
	p0 =	sne.s32 s2, $0x0  }
0x6b: {  	s3 =	rddreg [dreg:$0x2];
	[bflag:$0x3] =	sbarrier.arrive $0xFFFF;
	s2 =	simm.s32 @!p0 $0x1C02  }
0x6c: {  	[timem:s3], [sflag:s2] =	dma.local @!p0 [hbm:s0], s1  }
0x6d: {  	s0 =	simm.s32 @!p0 $0x2  }
0x6e: {  	_ =	swait.ge @!p0 [sflag:s0], s1  }
0x6f: {  	s1 =	ssub.s32 @!p0 $0x0, s1;
	[sflag:s0] =	ssyncset.done @!p0 $0x0  }
0x70: {  	[sflag:s0] =	ssyncadd.s32 @!p0 s1  }
0x71: {  	[bflag:$0x3] =	sbarrier.arrive $0xFFFF  }
0x72: {  	_ =	shalt  }

</sc_bundles>
